<compile_context>
chip_gen: v7x
topology: tpu7x:2x2x1
jax: 0.10.2.dev20260603
libtpu: 0.0.44.dev20260713+nightly
codegen_flags: <defaults>
</compile_context>

<pallas_src>
import functools

import jax
import jax.numpy as jnp
from jax import lax
from jax.experimental import pallas as pl
from jax.experimental.pallas import tpu as pltpu
from jax.experimental.pallas import tpu_sc as plsc

N_CORES = 2
N_SUBCORES = 16
N_WORKERS = N_CORES * N_SUBCORES
CHUNK = 80
F32 = jnp.float32
BF16 = jnp.bfloat16


STRIPE = 200


def _for_stripes(sid, n_rows, fn):
    n_stripes = n_rows // STRIPE
    n_iters = (n_stripes + N_SUBCORES - 1) // N_SUBCORES

    def body(i, carry):
        k = sid + i * N_SUBCORES

        @pl.when(k < n_stripes)
        def _():
            fn(k)
        return carry
    lax.fori_loop(0, n_iters, body, 0)


def _zero_shared(zbuf, acc_sh, sid, n_rows, stripe=STRIPE):
    n_stripes = n_rows // stripe
    n_iters = (n_stripes + N_SUBCORES - 1) // N_SUBCORES

    def body(i, carry):
        k = sid + i * N_SUBCORES

        @pl.when(k < n_stripes)
        def _():
            pltpu.sync_copy(zbuf, acc_sh.at[pl.ds(k * stripe, stripe)])
        return carry
    lax.fori_loop(0, n_iters, body, 0)


def _copy_out(acc_sh, out_hbm, cid, sid, n_rows):
    _for_stripes(sid, n_rows,
                 lambda k: pltpu.sync_copy(acc_sh.at[pl.ds(k * STRIPE, STRIPE)],
                                           out_hbm.at[cid, pl.ds(k * STRIPE, STRIPE)]))


def _fill_const(buf, rows, feat, value, dtype=F32):
    lanes = 32 if dtype == BF16 else 16
    per_row = feat // lanes
    vec = jnp.full((lanes,), value, dtype)

    def body(t, carry):
        i = t // per_row
        j = t % per_row
        buf[i, pl.ds(j * lanes, lanes)] = vec
        return carry
    lax.fori_loop(0, rows * per_row, body, 0)


def _sc_counts(edge3d, pool2d, n_nodes, n_edges, n_pool):
    per_worker = n_edges // N_WORKERS
    rows_pw = per_worker // CHUNK
    pool_rows = n_nodes // CHUNK
    pool_iters = (pool_rows + N_WORKERS - 1) // N_WORKERS
    mesh = plsc.VectorSubcoreMesh(core_axis_name="c", subcore_axis_name="s")

    @functools.partial(
        pl.kernel,
        out_type=(
            jax.ShapeDtypeStruct((N_CORES, n_nodes, 16), F32),
            jax.ShapeDtypeStruct((N_CORES, n_pool, 16), F32),
        ),
        mesh=mesh,
        compiler_params=pltpu.CompilerParams(use_tc_tiling_on_sc=False),
        scratch_types=[
            pltpu.VMEM((rows_pw, CHUNK), jnp.int32),
            pltpu.VMEM((CHUNK,), jnp.int32),
            pltpu.VMEM((CHUNK, 16), F32),
            pltpu.VMEM((STRIPE, 16), F32),
            pltpu.VMEM_SHARED((n_nodes, 16), F32),
            pltpu.VMEM_SHARED((n_pool, 16), F32),
        ],
    )
    def counts(edge_hbm, pool_hbm, deg_hbm, cnt_hbm, dst_all, idx_v, ones_v,
               zbuf, deg_sh, cnt_sh):
        c = lax.axis_index("c")
        s = lax.axis_index("s")
        w = s * N_CORES + c

        pltpu.sync_copy(edge_hbm.at[1, pl.ds(w * rows_pw, rows_pw)], dst_all)
        _fill_const(zbuf, STRIPE, 16, 0.0)
        _fill_const(ones_v, CHUNK, 16, 1.0)
        _zero_shared(zbuf, deg_sh, s, n_nodes)
        _zero_shared(zbuf, cnt_sh, s, n_pool)
        plsc.subcore_barrier()

        def ebody(i, carry):
            pltpu.sync_copy(ones_v, deg_sh.at[dst_all.at[i]], add=True)
            return carry
        lax.fori_loop(0, rows_pw, ebody, 0)

        def pbody(i, carry):
            r = w + i * N_WORKERS

            @pl.when(r < pool_rows)
            def _():
                pltpu.sync_copy(pool_hbm.at[r], idx_v)
                pltpu.sync_copy(ones_v, cnt_sh.at[idx_v], add=True)
            return carry
        lax.fori_loop(0, pool_iters, pbody, 0)

        plsc.subcore_barrier()
        _copy_out(deg_sh, deg_hbm, c, s, n_nodes)
        _copy_out(cnt_sh, cnt_hbm, c, s, n_pool)

    return counts(edge3d, pool2d)


def _sc_message(msgs, edge3d, n_nodes, n_edges, feat):
    per_worker = n_edges // N_WORKERS
    rows_pw = per_worker // CHUNK
    nbuf = 5
    n_q = rows_pw // nbuf
    assert rows_pw % nbuf == 0
    mesh = plsc.VectorSubcoreMesh(core_axis_name="c", subcore_axis_name="s")

    @functools.partial(
        pl.kernel,
        out_type=jax.ShapeDtypeStruct((N_CORES, n_nodes, feat), BF16),
        mesh=mesh,
        compiler_params=pltpu.CompilerParams(use_tc_tiling_on_sc=False),
        scratch_types=[
            pltpu.VMEM((rows_pw, CHUNK), jnp.int32),
            pltpu.VMEM((rows_pw, CHUNK), jnp.int32),
            [pltpu.VMEM((CHUNK, feat), BF16)] * nbuf,
            pltpu.VMEM_SHARED((n_nodes, feat), BF16),
            [pltpu.SemaphoreType.DMA] * nbuf,
        ],
    )
    def msg(msgs_hbm, edge_hbm, out_hbm, src_all, dst_all, rows_bufs,
            acc_sh, sems):
        c = lax.axis_index("c")
        s = lax.axis_index("s")
        w = s * N_CORES + c

        pltpu.sync_copy(edge_hbm.at[0, pl.ds(w * rows_pw, rows_pw)], src_all)
        pltpu.sync_copy(edge_hbm.at[1, pl.ds(w * rows_pw, rows_pw)], dst_all)
        _fill_const(rows_bufs[0], CHUNK, feat, 0.0, dtype=BF16)
        _zero_shared(rows_bufs[0], acc_sh, s, n_nodes, stripe=CHUNK)
        plsc.subcore_barrier()

        def body(j, carry):
            i0 = j * nbuf
            descs = [
                pltpu.async_copy(msgs_hbm.at[src_all.at[i0 + k]],
                                 rows_bufs[k], sems[k])
                for k in range(nbuf)
            ]
            for k in range(nbuf):
                descs[k].wait()
                pltpu.sync_copy(rows_bufs[k], acc_sh.at[dst_all.at[i0 + k]],
                                add=True)
            return carry
        lax.fori_loop(0, n_q, body, 0)

        plsc.subcore_barrier()
        _copy_out(acc_sh, out_hbm, c, s, n_nodes)

    return msg(msgs, edge3d)


_BLK = 2000


def _tc_prep0(x, W0, degp):
    n, d_in = x.shape
    d_out = W0.shape[1]

    def body(x_ref, w_ref, degp_ref, m_ref, dis_ref):
        deg = degp_ref[0, :, 0] + degp_ref[1, :, 0]
        dis = jnp.where(deg > 0.0, lax.rsqrt(jnp.maximum(deg, 1.0)), 0.0)
        h = jnp.dot(x_ref[...], w_ref[...], preferred_element_type=F32)
        m_ref[...] = (h * dis[:, None]).astype(BF16)
        dis_ref[...] = dis[:, None]

    return pl.pallas_call(
        body,
        grid=(n // _BLK,),
        in_specs=[
            pl.BlockSpec((_BLK, d_in), lambda i: (i, 0)),
            pl.BlockSpec((d_in, d_out), lambda i: (0, 0)),
            pl.BlockSpec((2, _BLK, 16), lambda i: (0, i, 0)),
        ],
        out_specs=[
            pl.BlockSpec((_BLK, d_out), lambda i: (i, 0)),
            pl.BlockSpec((_BLK, 1), lambda i: (i, 0)),
        ],
        out_shape=[
            jax.ShapeDtypeStruct((n, d_out), BF16),
            jax.ShapeDtypeStruct((n, 1), F32),
        ],
    )(x, W0, degp)


def _tc_prep_mid(partials, dis, b_prev, W):
    n = partials.shape[1]
    f_prev = partials.shape[2]
    f_out = W.shape[1]
    b2d = b_prev.reshape(1, f_prev)

    def body(p_ref, dis_ref, b_ref, w_ref, m_ref):
        ssum = p_ref[0].astype(F32) + p_ref[1].astype(F32)
        a = jnp.maximum(ssum * dis_ref[...] + b_ref[...], 0.0)
        m = jnp.dot(a, w_ref[...], preferred_element_type=F32) * dis_ref[...]
        m_ref[...] = m.astype(BF16)

    return pl.pallas_call(
        body,
        grid=(n // _BLK,),
        in_specs=[
            pl.BlockSpec((2, _BLK, f_prev), lambda i: (0, i, 0)),
            pl.BlockSpec((_BLK, 1), lambda i: (i, 0)),
            pl.BlockSpec((1, f_prev), lambda i: (0, 0)),
            pl.BlockSpec((f_prev, f_out), lambda i: (0, 0)),
        ],
        out_specs=pl.BlockSpec((_BLK, f_out), lambda i: (i, 0)),
        out_shape=jax.ShapeDtypeStruct((n, f_out), BF16),
    )(partials, dis, b2d, W)


def _tc_tail(partials, dis, b2, pool2d_blk, cntp, x_pool1, W_lin, b_lin):
    n = partials.shape[1]
    f = partials.shape[2]
    n_pool = x_pool1.shape[0]
    n_classes = W_lin.shape[1]
    b2d = b2.reshape(1, f)
    bl2d = b_lin.reshape(1, n_classes)
    n_blk = n // _BLK

    def body(p_ref, dis_ref, b_ref, pool_ref, c_ref, xp_ref, wa_ref, wb_ref,
             bl_ref, o_ref, acc_ref):
        i = pl.program_id(0)
        x_mid = ((p_ref[0].astype(F32) + p_ref[1].astype(F32))
                 * dis_ref[...] + b_ref[...])
        ids = pool_ref[0, 0, :]
        seg = lax.broadcasted_iota(jnp.int32, (n_pool, _BLK), 0)
        onehot = (seg == ids[None, :]).astype(F32)
        contrib = jnp.dot(onehot, x_mid, preferred_element_type=F32)

        @pl.when(i == 0)
        def _():
            acc_ref[...] = contrib

        @pl.when(i > 0)
        def _():
            acc_ref[...] += contrib

        @pl.when(i == n_blk - 1)
        def _():
            cnt = c_ref[0, :, 0] + c_ref[1, :, 0]
            x_pre = acc_ref[...] / jnp.maximum(cnt, 1.0)[:, None]
            m_a = jnp.sum(x_pre, axis=0, keepdims=True) / n_pool
            m_b = jnp.sum(xp_ref[...], axis=0, keepdims=True) / n_pool
            logits = (jnp.dot(m_a, wa_ref[...], preferred_element_type=F32)
                      + jnp.dot(m_b, wb_ref[...], preferred_element_type=F32)
                      + bl_ref[...])
            e = jnp.exp(logits - jnp.max(logits, axis=1, keepdims=True))
            o_ref[...] = e / jnp.sum(e, axis=1, keepdims=True)

    return pl.pallas_call(
        body,
        grid=(n_blk,),
        in_specs=[
            pl.BlockSpec((2, _BLK, f), lambda i: (0, i, 0)),
            pl.BlockSpec((_BLK, 1), lambda i: (i, 0)),
            pl.BlockSpec((1, f), lambda i: (0, 0)),
            pl.BlockSpec((1, 1, _BLK), lambda i: (i, 0, 0)),
            pl.BlockSpec((2, n_pool, 16), lambda i: (0, 0, 0)),
            pl.BlockSpec((n_pool, 8), lambda i: (0, 0)),
            pl.BlockSpec((f, n_classes), lambda i: (0, 0)),
            pl.BlockSpec((8, n_classes), lambda i: (0, 0)),
            pl.BlockSpec((1, n_classes), lambda i: (0, 0)),
        ],
        out_specs=pl.BlockSpec((1, n_classes), lambda i: (0, 0)),
        out_shape=jax.ShapeDtypeStruct((1, n_classes), F32),
        scratch_shapes=[pltpu.VMEM((n_pool, f), F32)],
    )(partials, dis, b2d, pool2d_blk, cntp, x_pool1, W_lin[:f], W_lin[f:],
      bl2d)


def kernel(x, edge_index, batch, pool1, x_pool1, W0, b0, W1, b1, W2, b2,
           W_lin, b_lin):
    n_nodes = x.shape[0]
    n_edges = edge_index.shape[1]
    n_pool = x_pool1.shape[0]

    edge3d = edge_index.reshape(2, n_edges // CHUNK, CHUNK)
    pool2d = pool1.reshape(n_nodes // CHUNK, CHUNK)
    degp, cntp = _sc_counts(edge3d, pool2d, n_nodes, n_edges, n_pool)

    m0, dis = _tc_prep0(x, W0, degp)
    p0 = _sc_message(m0, edge3d, n_nodes, n_edges, W0.shape[1])
    m1 = _tc_prep_mid(p0, dis, b0, W1)
    p1 = _sc_message(m1, edge3d, n_nodes, n_edges, W1.shape[1])
    m2 = _tc_prep_mid(p1, dis, b1, W2)
    p2 = _sc_message(m2, edge3d, n_nodes, n_edges, W2.shape[1])

    pool3d_blk = pool1.reshape(n_nodes // _BLK, 1, _BLK)
    return _tc_tail(p2, dis, b2, pool3d_blk, cntp, x_pool1, W_lin, b_lin)

# --- scband reference (transcript-rebuilt; emitter-appended) ---
"""Pipeline reference for scband-gcnhierarchical-34110630265035 (READ-ONLY COPY).

The authoritative reference and input builder live on the scoring server;
editing this copy changes nothing except your own understanding.
"""

import jax, jax.numpy as jnp
import numpy as np

N_NODES = 10000
N_EDGES = 320000
N_POOL1 = 1000
D_IN = 128
HID = [128, 64, 32]
D_XPOOL1 = 8
N_CLASSES = 16


def _segment_mean(x, ids, num_segments):
    s = jax.ops.segment_sum(x, ids, num_segments=num_segments)
    cnt = jax.ops.segment_sum(jnp.ones(ids.shape, dtype=jnp.float32), ids, num_segments=num_segments)
    cnt = jnp.maximum(cnt, 1.0)
    if s.ndim == 2:
        cnt = cnt[:, None]
    return s / cnt


def _gcn_conv(x, edge_index, W, b):
    # PyG GCNConv with add_self_loops=False (edge_weight=False => not None => no self loops)
    src, dst = edge_index[0], edge_index[1]
    h = x @ W
    deg = jax.ops.segment_sum(jnp.ones(src.shape, dtype=h.dtype), dst, num_segments=x.shape[0])
    dis = jnp.where(deg > 0, 1.0 / jnp.sqrt(jnp.where(deg > 0, deg, 1.0)), 0.0)
    norm = dis[src] * dis[dst]
    out = jax.ops.segment_sum(h[src] * norm[:, None], dst, num_segments=x.shape[0])
    return out + b


def setup_inputs(seed: int = 0):
    key = jax.random.key(seed)
    ks = jax.random.split(key, 12)
    x = jax.random.normal(ks[0], (N_NODES, D_IN), dtype=jnp.float32)
    edge_index = jax.random.randint(ks[1], (2, N_EDGES), 0, N_NODES, dtype=jnp.int32)
    batch = jnp.zeros((N_NODES,), dtype=jnp.int32)
    pool1 = jnp.sort(jax.random.randint(ks[2], (N_NODES,), 0, N_POOL1, dtype=jnp.int32))
    x_pool1 = jax.random.normal(ks[3], (N_POOL1, D_XPOOL1), dtype=jnp.float32)
    dims = [D_IN] + HID
    params = {}
    for i in range(3):
        params['W%d' % i] = jax.random.normal(ks[4 + i], (dims[i], dims[i + 1]), dtype=jnp.float32) / np.sqrt(dims[i])
        params['b%d' % i] = jnp.zeros((dims[i + 1],), dtype=jnp.float32)
    d_lin = HID[-1] + D_XPOOL1
    params['W_lin'] = jax.random.normal(ks[8], (d_lin, N_CLASSES), dtype=jnp.float32) / np.sqrt(d_lin)
    params['b_lin'] = jnp.zeros((N_CLASSES,), dtype=jnp.float32)
    return dict(x=x, edge_index=edge_index, batch=batch, pool1=pool1, x_pool1=x_pool1, **params)


def reference(x, edge_index, batch, pool1, x_pool1, W0, b0, W1, b1, W2, b2, W_lin, b_lin):
    # pool0 GCN stack (use_bn=False; relu between layers, none after last)
    h = jax.nn.relu(_gcn_conv(x, edge_index, W0, b0))
    h = jax.nn.relu(_gcn_conv(h, edge_index, W1, b1))
    h = _gcn_conv(h, edge_index, W2, b2)
    # hierarchical pooling to pool1 super-nodes, concat extra coarse features
    x_pre = _segment_mean(h, pool1, N_POOL1)
    xh = jnp.concatenate([x_pre, x_pool1], axis=1)
    batch_coarse = _segment_mean(batch.astype(jnp.float32), pool1, N_POOL1).astype(jnp.int32)
    # pool_return == pool_idx+1 with need_batch True -> global mean pool over coarse batch
    pooled = _segment_mean(xh, batch_coarse, 1)
    # dropout inactive in eval mode
    logits = pooled @ W_lin + b_lin
    return jax.nn.softmax(logits, axis=1)

if __name__ == "__main__":
    import jax
    _d = setup_inputs()
    print(jax.jit(kernel)(*tuple(_d.values())))

</pallas_src>

<mosaic_0001>
#map = affine_map<(d0, d1) -> (0, 0, 0)>
#map1 = affine_map<(d0, d1) -> (0, 0)>
module attributes {stable_mosaic.version = 14 : i64} {
  func.func @counts(%arg0: i32, %arg1: i32, %arg2: memref<2x4000x80xi32, #tpu.memory_space<hbm>>, %arg3: memref<125x80xi32, #tpu.memory_space<hbm>>, %arg4: memref<2x10000x16xf32, #tpu.memory_space<hbm>>, %arg5: memref<2x1000x16xf32, #tpu.memory_space<hbm>>, %arg6: memref<125x80xi32, #tpu.memory_space<vmem>>, %arg7: memref<80xi32, #tpu.memory_space<vmem>>, %arg8: memref<80x16xf32, #tpu.memory_space<vmem>>, %arg9: memref<200x16xf32, #tpu.memory_space<vmem>>, %arg10: memref<10000x16xf32, #tpu.memory_space<vmem_shared>>, %arg11: memref<1000x16xf32, #tpu.memory_space<vmem_shared>>) attributes {dimension_semantics = [#tpu.dimension_semantics<core_parallel>, #tpu.dimension_semantics<subcore_parallel>], iteration_bounds = array<i64: 2, 16>, scalar_prefetch = 0 : i64, scratch_operands = 6 : i64, tpu.core_type = #tpu.core_type<sc_vector_subcore>, window_params = [{transform_indices = #map}, {transform_indices = #map1}, {transform_indices = #map}, {transform_indices = #map}]} {
    %mul3A = arith.constant 2 : i32
    %mul3A_0 = arith.muli %arg1, %mul3A : i32
    %add3A = arith.addi %mul3A_0, %arg0 : i32
    %mul3A_1 = arith.constant 125 : i32
    %mul3A_2 = arith.muli %add3A, %mul3A_1 : i32
    %run_scoped3A = arith.constant 1 : i32
    "tpu.region"() ({
      %run_scoped3A_61 = tpu.sem_alloc : memref<!tpu.dma_semaphore, #tpu.memory_space<semaphore_mem>>
      %dma_start3A = arith.constant 0 : i32
      %dma_start3A_62 = tpu.memref_slice %arg2[%run_scoped3A, %mul3A_2, %dma_start3A] : memref<2x4000x80xi32, #tpu.memory_space<hbm>> -> memref<1x125x80xi32, #tpu.memory_space<hbm>>
      %dma_start3A_63 = tpu.memref_squeeze %dma_start3A_62 : memref<1x125x80xi32, #tpu.memory_space<hbm>> -> memref<125x80xi32, #tpu.memory_space<hbm>>
      %dma_start3A_64 = arith.constant 0 : i32
      %dma_start3A_65 = tpu.memref_slice %arg2[%run_scoped3A, %mul3A_2, %dma_start3A_64] : memref<2x4000x80xi32, #tpu.memory_space<hbm>> -> memref<1x125x80xi32, #tpu.memory_space<hbm>>
      %dma_start3A_66 = tpu.memref_squeeze %dma_start3A_65 : memref<1x125x80xi32, #tpu.memory_space<hbm>> -> memref<125x80xi32, #tpu.memory_space<hbm>>
      tpu.enqueue_dma source(%dma_start3A_66 : memref<125x80xi32, #tpu.memory_space<hbm>>) target(%arg6 : memref<125x80xi32, #tpu.memory_space<vmem>>) target_semaphore(%run_scoped3A_61 : memref<!tpu.dma_semaphore, #tpu.memory_space<semaphore_mem>>)
      %dma_wait3A = arith.constant 0 : i32
      %dma_wait3A_67 = tpu.memref_slice %arg2[%run_scoped3A, %mul3A_2, %dma_wait3A] : memref<2x4000x80xi32, #tpu.memory_space<hbm>> -> memref<1x125x80xi32, #tpu.memory_space<hbm>>
      %dma_wait3A_68 = tpu.memref_squeeze %dma_wait3A_67 : memref<1x125x80xi32, #tpu.memory_space<hbm>> -> memref<125x80xi32, #tpu.memory_space<hbm>>
      %dma_wait3A_69 = arith.constant 0 : i32
      %dma_wait3A_70 = tpu.memref_slice %arg2[%run_scoped3A, %mul3A_2, %dma_wait3A_69] : memref<2x4000x80xi32, #tpu.memory_space<hbm>> -> memref<1x125x80xi32, #tpu.memory_space<hbm>>
      %dma_wait3A_71 = tpu.memref_squeeze %dma_wait3A_70 : memref<1x125x80xi32, #tpu.memory_space<hbm>> -> memref<125x80xi32, #tpu.memory_space<hbm>>
      tpu.wait_dma2 semaphore(%run_scoped3A_61 : memref<!tpu.dma_semaphore, #tpu.memory_space<semaphore_mem>>) src(%dma_wait3A_71 : memref<125x80xi32, #tpu.memory_space<hbm>>) dst(%arg6 : memref<125x80xi32, #tpu.memory_space<vmem>>)
      tpu.yield
    }) : () -> ()
    %broadcast_in_dim3A = arith.constant 0.000000e+00 : f32
    %broadcast_in_dim3A_3 = vector.broadcast %broadcast_in_dim3A : f32 to vector<16xf32>
    %scan3A = arith.constant 0 : i32
    %scan3A_4 = arith.constant 0 : i32
    %scan3A_5 = arith.constant 200 : i32
    %scan3A_6 = arith.addi %scan3A_4, %scan3A_5 : i32
    %scan3A_7 = arith.constant 1 : i32
    scf.for %scan3A_61 = %scan3A_4 to %scan3A_6 step %scan3A_7  : i32 {
      %jit3A = arith.constant 1 : i32
      %div3A = arith.divsi %scan3A_61, %jit3A : i32
      %sign3A = arith.constant 0 : i32
      %sign3A_62 = arith.cmpi sgt, %scan3A_61, %sign3A : i32
      %sign3A_63 = arith.extui %sign3A_62 : i1 to i32
      %sign3A_64 = arith.constant 0 : i32
      %sign3A_65 = arith.cmpi slt, %scan3A_61, %sign3A_64 : i32
      %sign3A_66 = arith.extui %sign3A_65 : i1 to i32
      %sign3A_67 = arith.subi %sign3A_63, %sign3A_66 : i32
      %sign3A_68 = arith.constant 0 : i32
      %sign3A_69 = arith.cmpi sgt, %jit3A, %sign3A_68 : i32
      %sign3A_70 = arith.extui %sign3A_69 : i1 to i32
      %sign3A_71 = arith.constant 0 : i32
      %sign3A_72 = arith.cmpi slt, %jit3A, %sign3A_71 : i32
      %sign3A_73 = arith.extui %sign3A_72 : i1 to i32
      %sign3A_74 = arith.subi %sign3A_70, %sign3A_73 : i32
      %ne3A = arith.cmpi ne, %sign3A_67, %sign3A_74 : i32
      %rem3A = arith.remsi %scan3A_61, %jit3A : i32
      %ne3A_75 = arith.constant 0 : i32
      %ne3A_76 = arith.cmpi ne, %rem3A, %ne3A_75 : i32
      %and3A = arith.andi %ne3A, %ne3A_76 : i1
      %sub3A = arith.constant 1 : i32
      %sub3A_77 = arith.subi %div3A, %sub3A : i32
      %select_n3A = arith.select %and3A, %sub3A_77, %div3A : i32
      %jit3A_78 = arith.constant 1 : i32
      %eq3A = arith.constant 0 : i32
      %eq3A_79 = arith.cmpi eq, %jit3A_78, %eq3A : i32
      %jit3A_80 = arith.constant 1 : i32
      %select_n3A_81 = arith.select %eq3A_79, %jit3A_80, %jit3A_78 : i32
      %rem3A_82 = arith.remsi %scan3A_61, %select_n3A_81 : i32
      %ne3A_83 = arith.constant 0 : i32
      %ne3A_84 = arith.cmpi ne, %rem3A_82, %ne3A_83 : i32
      %lt3A_85 = arith.constant 0 : i32
      %lt3A_86 = arith.cmpi slt, %rem3A_82, %lt3A_85 : i32
      %lt3A_87 = arith.constant 0 : i32
      %lt3A_88 = arith.cmpi slt, %select_n3A_81, %lt3A_87 : i32
      %ne3A_89 = arith.xori %lt3A_86, %lt3A_88 : i1
      %and3A_90 = arith.andi %ne3A_89, %ne3A_84 : i1
      %add3A_91 = arith.addi %rem3A_82, %select_n3A_81 : i32
      %select_n3A_92 = arith.select %and3A_90, %add3A_91, %rem3A_82 : i32
      %mul3A_93 = arith.constant 16 : i32
      %mul3A_94 = arith.muli %select_n3A_92, %mul3A_93 : i32
      %swap3A = arith.index_cast %select_n3A : i32 to index
      %swap3A_95 = arith.index_cast %mul3A_94 : i32 to index
      %swap3A_96 = tpu.vector_load %arg9[%swap3A, %swap3A_95] {strides = array<i32>} : memref<200x16xf32, #tpu.memory_space<vmem>>, vector<1x16xf32>,
      %swap3A_97 = vector.shape_cast %swap3A_96 : vector<1x16xf32> to vector<16xf32>
      %swap3A_98 = vector.shape_cast %broadcast_in_dim3A_3 : vector<16xf32> to vector<1x16xf32>
      tpu.vector_store %arg9[%swap3A, %swap3A_95], %swap3A_98 {strides = array<i32>} : memref<200x16xf32, #tpu.memory_space<vmem>>, vector<1x16xf32>,
    }
    %scan3A_8 = arith.constant 200 : i32
    %broadcast_in_dim3A_9 = arith.constant 1.000000e+00 : f32
    %broadcast_in_dim3A_10 = vector.broadcast %broadcast_in_dim3A_9 : f32 to vector<16xf32>
    %scan3A_11 = arith.constant 0 : i32
    %scan3A_12 = arith.constant 0 : i32
    %scan3A_13 = arith.constant 80 : i32
    %scan3A_14 = arith.addi %scan3A_12, %scan3A_13 : i32
    %scan3A_15 = arith.constant 1 : i32
    scf.for %scan3A_61 = %scan3A_12 to %scan3A_14 step %scan3A_15  : i32 {
      %jit3A = arith.constant 1 : i32
      %div3A = arith.divsi %scan3A_61, %jit3A : i32
      %sign3A = arith.constant 0 : i32
      %sign3A_62 = arith.cmpi sgt, %scan3A_61, %sign3A : i32
      %sign3A_63 = arith.extui %sign3A_62 : i1 to i32
      %sign3A_64 = arith.constant 0 : i32
      %sign3A_65 = arith.cmpi slt, %scan3A_61, %sign3A_64 : i32
      %sign3A_66 = arith.extui %sign3A_65 : i1 to i32
      %sign3A_67 = arith.subi %sign3A_63, %sign3A_66 : i32
      %sign3A_68 = arith.constant 0 : i32
      %sign3A_69 = arith.cmpi sgt, %jit3A, %sign3A_68 : i32
      %sign3A_70 = arith.extui %sign3A_69 : i1 to i32
      %sign3A_71 = arith.constant 0 : i32
      %sign3A_72 = arith.cmpi slt, %jit3A, %sign3A_71 : i32
      %sign3A_73 = arith.extui %sign3A_72 : i1 to i32
      %sign3A_74 = arith.subi %sign3A_70, %sign3A_73 : i32
      %ne3A = arith.cmpi ne, %sign3A_67, %sign3A_74 : i32
      %rem3A = arith.remsi %scan3A_61, %jit3A : i32
      %ne3A_75 = arith.constant 0 : i32
      %ne3A_76 = arith.cmpi ne, %rem3A, %ne3A_75 : i32
      %and3A = arith.andi %ne3A, %ne3A_76 : i1
      %sub3A = arith.constant 1 : i32
      %sub3A_77 = arith.subi %div3A, %sub3A : i32
      %select_n3A = arith.select %and3A, %sub3A_77, %div3A : i32
      %jit3A_78 = arith.constant 1 : i32
      %eq3A = arith.constant 0 : i32
      %eq3A_79 = arith.cmpi eq, %jit3A_78, %eq3A : i32
      %jit3A_80 = arith.constant 1 : i32
      %select_n3A_81 = arith.select %eq3A_79, %jit3A_80, %jit3A_78 : i32
      %rem3A_82 = arith.remsi %scan3A_61, %select_n3A_81 : i32
      %ne3A_83 = arith.constant 0 : i32
      %ne3A_84 = arith.cmpi ne, %rem3A_82, %ne3A_83 : i32
      %lt3A_85 = arith.constant 0 : i32
      %lt3A_86 = arith.cmpi slt, %rem3A_82, %lt3A_85 : i32
      %lt3A_87 = arith.constant 0 : i32
      %lt3A_88 = arith.cmpi slt, %select_n3A_81, %lt3A_87 : i32
      %ne3A_89 = arith.xori %lt3A_86, %lt3A_88 : i1
      %and3A_90 = arith.andi %ne3A_89, %ne3A_84 : i1
      %add3A_91 = arith.addi %rem3A_82, %select_n3A_81 : i32
      %select_n3A_92 = arith.select %and3A_90, %add3A_91, %rem3A_82 : i32
      %mul3A_93 = arith.constant 16 : i32
      %mul3A_94 = arith.muli %select_n3A_92, %mul3A_93 : i32
      %swap3A = arith.index_cast %select_n3A : i32 to index
      %swap3A_95 = arith.index_cast %mul3A_94 : i32 to index
      %swap3A_96 = tpu.vector_load %arg8[%swap3A, %swap3A_95] {strides = array<i32>} : memref<80x16xf32, #tpu.memory_space<vmem>>, vector<1x16xf32>,
      %swap3A_97 = vector.shape_cast %swap3A_96 : vector<1x16xf32> to vector<16xf32>
      %swap3A_98 = vector.shape_cast %broadcast_in_dim3A_10 : vector<16xf32> to vector<1x16xf32>
      tpu.vector_store %arg8[%swap3A, %swap3A_95], %swap3A_98 {strides = array<i32>} : memref<80x16xf32, #tpu.memory_space<vmem>>, vector<1x16xf32>,
    }
    %scan3A_16 = arith.constant 80 : i32
    %scan3A_17 = arith.constant 0 : i32
    %scan3A_18 = arith.constant 0 : i32
    %scan3A_19 = arith.constant 4 : i32
    %scan3A_20 = arith.addi %scan3A_18, %scan3A_19 : i32
    %scan3A_21 = arith.constant 1 : i32
    scf.for %scan3A_61 = %scan3A_18 to %scan3A_20 step %scan3A_21  : i32 {
      %mul3A_62 = arith.constant 16 : i32
      %mul3A_63 = arith.muli %scan3A_61, %mul3A_62 : i32
      %add3A_64 = arith.addi %arg1, %mul3A_63 : i32
      %lt3A_65 = arith.constant 50 : i32
      %lt3A_66 = arith.cmpi slt, %add3A_64, %lt3A_65 : i32
      %convert_element_type3A_67 = arith.extui %lt3A_66 : i1 to i32
      %cond3A_68 = arith.constant 0 : i32
      %cond3A_69 = arith.cmpi ne, %convert_element_type3A_67, %cond3A_68 : i32
      scf.if %cond3A_69 {
        %mul3A_70 = arith.constant 200 : i32
        %mul3A_71 = arith.muli %add3A_64, %mul3A_70 : i32
        "tpu.region"() ({
          %run_scoped3A_72 = tpu.sem_alloc : memref<!tpu.dma_semaphore, #tpu.memory_space<semaphore_mem>>
          %dma_start3A = arith.constant 0 : i32
          %dma_start3A_73 = tpu.memref_slice %arg10[%mul3A_71, %dma_start3A] : memref<10000x16xf32, #tpu.memory_space<vmem_shared>> -> memref<200x16xf32, #tpu.memory_space<vmem_shared>>
          %dma_start3A_74 = arith.constant 0 : i32
          %dma_start3A_75 = tpu.memref_slice %arg10[%mul3A_71, %dma_start3A_74] : memref<10000x16xf32, #tpu.memory_space<vmem_shared>> -> memref<200x16xf32, #tpu.memory_space<vmem_shared>>
          tpu.enqueue_dma source(%arg9 : memref<200x16xf32, #tpu.memory_space<vmem>>) target(%dma_start3A_75 : memref<200x16xf32, #tpu.memory_space<vmem_shared>>) target_semaphore(%run_scoped3A_72 : memref<!tpu.dma_semaphore, #tpu.memory_space<semaphore_mem>>)
          %dma_wait3A = arith.constant 0 : i32
          %dma_wait3A_76 = tpu.memref_slice %arg10[%mul3A_71, %dma_wait3A] : memref<10000x16xf32, #tpu.memory_space<vmem_shared>> -> memref<200x16xf32, #tpu.memory_space<vmem_shared>>
          %dma_wait3A_77 = arith.constant 0 : i32
          %dma_wait3A_78 = tpu.memref_slice %arg10[%mul3A_71, %dma_wait3A_77] : memref<10000x16xf32, #tpu.memory_space<vmem_shared>> -> memref<200x16xf32, #tpu.memory_space<vmem_shared>>
          tpu.wait_dma2 semaphore(%run_scoped3A_72 : memref<!tpu.dma_semaphore, #tpu.memory_space<semaphore_mem>>) src(%arg9 : memref<200x16xf32, #tpu.memory_space<vmem>>) dst(%dma_wait3A_78 : memref<200x16xf32, #tpu.memory_space<vmem_shared>>)
          tpu.yield
        }) : () -> ()
      } else {
      }
    }
    %scan3A_22 = arith.constant 4 : i32
    %scan3A_23 = arith.constant 0 : i32
    %scan3A_24 = arith.constant 0 : i32
    %mul3A_25 = arith.constant 16 : i32
    %mul3A_26 = arith.muli %scan3A_24, %mul3A_25 : i32
    %add3A_27 = arith.addi %arg1, %mul3A_26 : i32
    %lt3A = arith.constant 5 : i32
    %lt3A_28 = arith.cmpi slt, %add3A_27, %lt3A : i32
    %convert_element_type3A = arith.extui %lt3A_28 : i1 to i32
    %cond3A = arith.constant 0 : i32
    %cond3A_29 = arith.cmpi ne, %convert_element_type3A, %cond3A : i32
    scf.if %cond3A_29 {
      %mul3A_61 = arith.constant 200 : i32
      %mul3A_62 = arith.muli %add3A_27, %mul3A_61 : i32
      "tpu.region"() ({
        %run_scoped3A_63 = tpu.sem_alloc : memref<!tpu.dma_semaphore, #tpu.memory_space<semaphore_mem>>
        %dma_start3A = arith.constant 0 : i32
        %dma_start3A_64 = tpu.memref_slice %arg11[%mul3A_62, %dma_start3A] : memref<1000x16xf32, #tpu.memory_space<vmem_shared>> -> memref<200x16xf32, #tpu.memory_space<vmem_shared>>
        %dma_start3A_65 = arith.constant 0 : i32
        %dma_start3A_66 = tpu.memref_slice %arg11[%mul3A_62, %dma_start3A_65] : memref<1000x16xf32, #tpu.memory_space<vmem_shared>> -> memref<200x16xf32, #tpu.memory_space<vmem_shared>>
        tpu.enqueue_dma source(%arg9 : memref<200x16xf32, #tpu.memory_space<vmem>>) target(%dma_start3A_66 : memref<200x16xf32, #tpu.memory_space<vmem_shared>>) target_semaphore(%run_scoped3A_63 : memref<!tpu.dma_semaphore, #tpu.memory_space<semaphore_mem>>)
        %dma_wait3A = arith.constant 0 : i32
        %dma_wait3A_67 = tpu.memref_slice %arg11[%mul3A_62, %dma_wait3A] : memref<1000x16xf32, #tpu.memory_space<vmem_shared>> -> memref<200x16xf32, #tpu.memory_space<vmem_shared>>
        %dma_wait3A_68 = arith.constant 0 : i32
        %dma_wait3A_69 = tpu.memref_slice %arg11[%mul3A_62, %dma_wait3A_68] : memref<1000x16xf32, #tpu.memory_space<vmem_shared>> -> memref<200x16xf32, #tpu.memory_space<vmem_shared>>
        tpu.wait_dma2 semaphore(%run_scoped3A_63 : memref<!tpu.dma_semaphore, #tpu.memory_space<semaphore_mem>>) src(%arg9 : memref<200x16xf32, #tpu.memory_space<vmem>>) dst(%dma_wait3A_69 : memref<200x16xf32, #tpu.memory_space<vmem_shared>>)
        tpu.yield
      }) : () -> ()
    } else {
    }
    %scan3A_30 = arith.constant 1 : i32
    %barrier3A = arith.constant 0 : index
    tpu.barrier barrier_id(%barrier3A)
    %scan3A_31 = arith.constant 0 : i32
    %scan3A_32 = arith.constant 0 : i32
    %scan3A_33 = arith.constant 125 : i32
    %scan3A_34 = arith.addi %scan3A_32, %scan3A_33 : i32
    %scan3A_35 = arith.constant 1 : i32
    scf.for %scan3A_61 = %scan3A_32 to %scan3A_34 step %scan3A_35  : i32 {
      "tpu.region"() ({
        %run_scoped3A_62 = tpu.sem_alloc : memref<!tpu.dma_semaphore, #tpu.memory_space<semaphore_mem>>
        %dma_start3A = arith.constant 0 : i32
        %dma_start3A_63 = tpu.memref_slice %arg6[%scan3A_61, %dma_start3A] : memref<125x80xi32, #tpu.memory_space<vmem>> -> memref<1x80xi32, #tpu.memory_space<vmem>>
        %dma_start3A_64 = tpu.memref_squeeze %dma_start3A_63 : memref<1x80xi32, #tpu.memory_space<vmem>> -> memref<80xi32, #tpu.memory_space<vmem>>
        %dma_start3A_65 = arith.constant 0 : i32
        %dma_start3A_66 = arith.constant 0 : i32
        %dma_start3A_67 = tpu.memref_slice %arg10[%dma_start3A_65, %dma_start3A_66] : memref<10000x16xf32, #tpu.memory_space<vmem_shared>> -> memref<10000x16xf32, #tpu.memory_space<vmem_shared>>
        tpu.enqueue_indirect_dma source(%arg8 : memref<80x16xf32, #tpu.memory_space<vmem>>) target(%dma_start3A_67 : memref<10000x16xf32, #tpu.memory_space<vmem_shared>>) offsets(%dma_start3A_64 : memref<80xi32, #tpu.memory_space<vmem>>) semaphore(%run_scoped3A_62 : memref<!tpu.dma_semaphore, #tpu.memory_space<semaphore_mem>>) {add = true}
        %dma_wait3A = arith.constant 0 : i32
        %dma_wait3A_68 = tpu.memref_slice %arg6[%scan3A_61, %dma_wait3A] : memref<125x80xi32, #tpu.memory_space<vmem>> -> memref<1x80xi32, #tpu.memory_space<vmem>>
        %dma_wait3A_69 = tpu.memref_squeeze %dma_wait3A_68 : memref<1x80xi32, #tpu.memory_space<vmem>> -> memref<80xi32, #tpu.memory_space<vmem>>
        %dma_wait3A_70 = arith.constant 0 : i32
        %dma_wait3A_71 = arith.constant 0 : i32
        %dma_wait3A_72 = tpu.memref_slice %arg10[%dma_wait3A_70, %dma_wait3A_71] : memref<10000x16xf32, #tpu.memory_space<vmem_shared>> -> memref<10000x16xf32, #tpu.memory_space<vmem_shared>>
        tpu.wait_indirect_dma semaphore(%run_scoped3A_62 : memref<!tpu.dma_semaphore, #tpu.memory_space<semaphore_mem>>) src(%arg8 : memref<80x16xf32, #tpu.memory_space<vmem>>) dst(%dma_wait3A_72 : memref<10000x16xf32, #tpu.memory_space<vmem_shared>>)
        tpu.yield
      }) : () -> ()
    }
    %scan3A_36 = arith.constant 125 : i32
    %scan3A_37 = arith.constant 0 : i32
    %scan3A_38 = arith.constant 0 : i32
    %scan3A_39 = arith.constant 4 : i32
    %scan3A_40 = arith.addi %scan3A_38, %scan3A_39 : i32
    %scan3A_41 = arith.constant 1 : i32
    scf.for %scan3A_61 = %scan3A_38 to %scan3A_40 step %scan3A_41  : i32 {
      %mul3A_62 = arith.constant 32 : i32
      %mul3A_63 = arith.muli %scan3A_61, %mul3A_62 : i32
      %add3A_64 = arith.addi %add3A, %mul3A_63 : i32
      %lt3A_65 = arith.constant 125 : i32
      %lt3A_66 = arith.cmpi slt, %add3A_64, %lt3A_65 : i32
      %convert_element_type3A_67 = arith.extui %lt3A_66 : i1 to i32
      %cond3A_68 = arith.constant 0 : i32
      %cond3A_69 = arith.cmpi ne, %convert_element_type3A_67, %cond3A_68 : i32
      scf.if %cond3A_69 {
        "tpu.region"() ({
          %run_scoped3A_70 = tpu.sem_alloc : memref<!tpu.dma_semaphore, #tpu.memory_space<semaphore_mem>>
          %dma_start3A = arith.constant 0 : i32
          %dma_start3A_71 = tpu.memref_slice %arg3[%add3A_64, %dma_start3A] : memref<125x80xi32, #tpu.memory_space<hbm>> -> memref<1x80xi32, #tpu.memory_space<hbm>>
          %dma_start3A_72 = tpu.memref_squeeze %dma_start3A_71 : memref<1x80xi32, #tpu.memory_space<hbm>> -> memref<80xi32, #tpu.memory_space<hbm>>
          %dma_start3A_73 = arith.constant 0 : i32
          %dma_start3A_74 = tpu.memref_slice %arg3[%add3A_64, %dma_start3A_73] : memref<125x80xi32, #tpu.memory_space<hbm>> -> memref<1x80xi32, #tpu.memory_space<hbm>>
          %dma_start3A_75 = tpu.memref_squeeze %dma_start3A_74 : memref<1x80xi32, #tpu.memory_space<hbm>> -> memref<80xi32, #tpu.memory_space<hbm>>
          tpu.enqueue_dma source(%dma_start3A_75 : memref<80xi32, #tpu.memory_space<hbm>>) target(%arg7 : memref<80xi32, #tpu.memory_space<vmem>>) target_semaphore(%run_scoped3A_70 : memref<!tpu.dma_semaphore, #tpu.memory_space<semaphore_mem>>)
          %dma_wait3A = arith.constant 0 : i32
          %dma_wait3A_76 = tpu.memref_slice %arg3[%add3A_64, %dma_wait3A] : memref<125x80xi32, #tpu.memory_space<hbm>> -> memref<1x80xi32, #tpu.memory_space<hbm>>
          %dma_wait3A_77 = tpu.memref_squeeze %dma_wait3A_76 : memref<1x80xi32, #tpu.memory_space<hbm>> -> memref<80xi32, #tpu.memory_space<hbm>>
          %dma_wait3A_78 = arith.constant 0 : i32
          %dma_wait3A_79 = tpu.memref_slice %arg3[%add3A_64, %dma_wait3A_78] : memref<125x80xi32, #tpu.memory_space<hbm>> -> memref<1x80xi32, #tpu.memory_space<hbm>>
          %dma_wait3A_80 = tpu.memref_squeeze %dma_wait3A_79 : memref<1x80xi32, #tpu.memory_space<hbm>> -> memref<80xi32, #tpu.memory_space<hbm>>
          tpu.wait_dma2 semaphore(%run_scoped3A_70 : memref<!tpu.dma_semaphore, #tpu.memory_space<semaphore_mem>>) src(%dma_wait3A_80 : memref<80xi32, #tpu.memory_space<hbm>>) dst(%arg7 : memref<80xi32, #tpu.memory_space<vmem>>)
          tpu.yield
        }) : () -> ()
        "tpu.region"() ({
          %run_scoped3A_70 = tpu.sem_alloc : memref<!tpu.dma_semaphore, #tpu.memory_space<semaphore_mem>>
          %dma_start3A = arith.constant 0 : i32
          %dma_start3A_71 = arith.constant 0 : i32
          %dma_start3A_72 = tpu.memref_slice %arg11[%dma_start3A, %dma_start3A_71] : memref<1000x16xf32, #tpu.memory_space<vmem_shared>> -> memref<1000x16xf32, #tpu.memory_space<vmem_shared>>
          tpu.enqueue_indirect_dma source(%arg8 : memref<80x16xf32, #tpu.memory_space<vmem>>) target(%dma_start3A_72 : memref<1000x16xf32, #tpu.memory_space<vmem_shared>>) offsets(%arg7 : memref<80xi32, #tpu.memory_space<vmem>>) semaphore(%run_scoped3A_70 : memref<!tpu.dma_semaphore, #tpu.memory_space<semaphore_mem>>) {add = true}
          %dma_wait3A = arith.constant 0 : i32
          %dma_wait3A_73 = arith.constant 0 : i32
          %dma_wait3A_74 = tpu.memref_slice %arg11[%dma_wait3A, %dma_wait3A_73] : memref<1000x16xf32, #tpu.memory_space<vmem_shared>> -> memref<1000x16xf32, #tpu.memory_space<vmem_shared>>
          tpu.wait_indirect_dma semaphore(%run_scoped3A_70 : memref<!tpu.dma_semaphore, #tpu.memory_space<semaphore_mem>>) src(%arg8 : memref<80x16xf32, #tpu.memory_space<vmem>>) dst(%dma_wait3A_74 : memref<1000x16xf32, #tpu.memory_space<vmem_shared>>)
          tpu.yield
        }) : () -> ()
      } else {
      }
    }
    %scan3A_42 = arith.constant 4 : i32
    %barrier3A_43 = arith.constant 0 : index
    tpu.barrier barrier_id(%barrier3A_43)
    %scan3A_44 = arith.constant 0 : i32
    %scan3A_45 = arith.constant 0 : i32
    %scan3A_46 = arith.constant 4 : i32
    %scan3A_47 = arith.addi %scan3A_45, %scan3A_46 : i32
    %scan3A_48 = arith.constant 1 : i32
    scf.for %scan3A_61 = %scan3A_45 to %scan3A_47 step %scan3A_48  : i32 {
      %mul3A_62 = arith.constant 16 : i32
      %mul3A_63 = arith.muli %scan3A_61, %mul3A_62 : i32
      %add3A_64 = arith.addi %arg1, %mul3A_63 : i32
      %lt3A_65 = arith.constant 50 : i32
      %lt3A_66 = arith.cmpi slt, %add3A_64, %lt3A_65 : i32
      %convert_element_type3A_67 = arith.extui %lt3A_66 : i1 to i32
      %cond3A_68 = arith.constant 0 : i32
      %cond3A_69 = arith.cmpi ne, %convert_element_type3A_67, %cond3A_68 : i32
      scf.if %cond3A_69 {
        %mul3A_70 = arith.constant 200 : i32
        %mul3A_71 = arith.muli %add3A_64, %mul3A_70 : i32
        %mul3A_72 = arith.constant 200 : i32
        %mul3A_73 = arith.muli %add3A_64, %mul3A_72 : i32
        "tpu.region"() ({
          %run_scoped3A_74 = tpu.sem_alloc : memref<!tpu.dma_semaphore, #tpu.memory_space<semaphore_mem>>
          %dma_start3A = arith.constant 0 : i32
          %dma_start3A_75 = tpu.memref_slice %arg4[%arg0, %mul3A_73, %dma_start3A] : memref<2x10000x16xf32, #tpu.memory_space<hbm>> -> memref<1x200x16xf32, #tpu.memory_space<hbm>>
          %dma_start3A_76 = tpu.memref_squeeze %dma_start3A_75 : memref<1x200x16xf32, #tpu.memory_space<hbm>> -> memref<200x16xf32, #tpu.memory_space<hbm>>
          %dma_start3A_77 = arith.constant 0 : i32
          %dma_start3A_78 = tpu.memref_slice %arg10[%mul3A_71, %dma_start3A_77] : memref<10000x16xf32, #tpu.memory_space<vmem_shared>> -> memref<200x16xf32, #tpu.memory_space<vmem_shared>>
          tpu.enqueue_dma source(%dma_start3A_78 : memref<200x16xf32, #tpu.memory_space<vmem_shared>>) target(%dma_start3A_76 : memref<200x16xf32, #tpu.memory_space<hbm>>) target_semaphore(%run_scoped3A_74 : memref<!tpu.dma_semaphore, #tpu.memory_space<semaphore_mem>>)
          %dma_wait3A = arith.constant 0 : i32
          %dma_wait3A_79 = tpu.memref_slice %arg4[%arg0, %mul3A_73, %dma_wait3A] : memref<2x10000x16xf32, #tpu.memory_space<hbm>> -> memref<1x200x16xf32, #tpu.memory_space<hbm>>
          %dma_wait3A_80 = tpu.memref_squeeze %dma_wait3A_79 : memref<1x200x16xf32, #tpu.memory_space<hbm>> -> memref<200x16xf32, #tpu.memory_space<hbm>>
          %dma_wait3A_81 = arith.constant 0 : i32
          %dma_wait3A_82 = tpu.memref_slice %arg10[%mul3A_71, %dma_wait3A_81] : memref<10000x16xf32, #tpu.memory_space<vmem_shared>> -> memref<200x16xf32, #tpu.memory_space<vmem_shared>>
          tpu.wait_dma2 semaphore(%run_scoped3A_74 : memref<!tpu.dma_semaphore, #tpu.memory_space<semaphore_mem>>) src(%dma_wait3A_82 : memref<200x16xf32, #tpu.memory_space<vmem_shared>>) dst(%dma_wait3A_80 : memref<200x16xf32, #tpu.memory_space<hbm>>)
          tpu.yield
        }) : () -> ()
      } else {
      }
    }
    %scan3A_49 = arith.constant 4 : i32
    %scan3A_50 = arith.constant 0 : i32
    %scan3A_51 = arith.constant 0 : i32
    %mul3A_52 = arith.constant 16 : i32
    %mul3A_53 = arith.muli %scan3A_51, %mul3A_52 : i32
    %add3A_54 = arith.addi %arg1, %mul3A_53 : i32
    %lt3A_55 = arith.constant 5 : i32
    %lt3A_56 = arith.cmpi slt, %add3A_54, %lt3A_55 : i32
    %convert_element_type3A_57 = arith.extui %lt3A_56 : i1 to i32
    %cond3A_58 = arith.constant 0 : i32
    %cond3A_59 = arith.cmpi ne, %convert_element_type3A_57, %cond3A_58 : i32
    scf.if %cond3A_59 {
      %mul3A_61 = arith.constant 200 : i32
      %mul3A_62 = arith.muli %add3A_54, %mul3A_61 : i32
      %mul3A_63 = arith.constant 200 : i32
      %mul3A_64 = arith.muli %add3A_54, %mul3A_63 : i32
      "tpu.region"() ({
        %run_scoped3A_65 = tpu.sem_alloc : memref<!tpu.dma_semaphore, #tpu.memory_space<semaphore_mem>>
        %dma_start3A = arith.constant 0 : i32
        %dma_start3A_66 = tpu.memref_slice %arg5[%arg0, %mul3A_64, %dma_start3A] : memref<2x1000x16xf32, #tpu.memory_space<hbm>> -> memref<1x200x16xf32, #tpu.memory_space<hbm>>
        %dma_start3A_67 = tpu.memref_squeeze %dma_start3A_66 : memref<1x200x16xf32, #tpu.memory_space<hbm>> -> memref<200x16xf32, #tpu.memory_space<hbm>>
        %dma_start3A_68 = arith.constant 0 : i32
        %dma_start3A_69 = tpu.memref_slice %arg11[%mul3A_62, %dma_start3A_68] : memref<1000x16xf32, #tpu.memory_space<vmem_shared>> -> memref<200x16xf32, #tpu.memory_space<vmem_shared>>
        tpu.enqueue_dma source(%dma_start3A_69 : memref<200x16xf32, #tpu.memory_space<vmem_shared>>) target(%dma_start3A_67 : memref<200x16xf32, #tpu.memory_space<hbm>>) target_semaphore(%run_scoped3A_65 : memref<!tpu.dma_semaphore, #tpu.memory_space<semaphore_mem>>)
        %dma_wait3A = arith.constant 0 : i32
        %dma_wait3A_70 = tpu.memref_slice %arg5[%arg0, %mul3A_64, %dma_wait3A] : memref<2x1000x16xf32, #tpu.memory_space<hbm>> -> memref<1x200x16xf32, #tpu.memory_space<hbm>>
        %dma_wait3A_71 = tpu.memref_squeeze %dma_wait3A_70 : memref<1x200x16xf32, #tpu.memory_space<hbm>> -> memref<200x16xf32, #tpu.memory_space<hbm>>
        %dma_wait3A_72 = arith.constant 0 : i32
        %dma_wait3A_73 = tpu.memref_slice %arg11[%mul3A_62, %dma_wait3A_72] : memref<1000x16xf32, #tpu.memory_space<vmem_shared>> -> memref<200x16xf32, #tpu.memory_space<vmem_shared>>
        tpu.wait_dma2 semaphore(%run_scoped3A_65 : memref<!tpu.dma_semaphore, #tpu.memory_space<semaphore_mem>>) src(%dma_wait3A_73 : memref<200x16xf32, #tpu.memory_space<vmem_shared>>) dst(%dma_wait3A_71 : memref<200x16xf32, #tpu.memory_space<hbm>>)
        tpu.yield
      }) : () -> ()
    } else {
    }
    %scan3A_60 = arith.constant 1 : i32
    return
  }
}

#map = affine_map<(d0, d1) -> (0, 0)>
#map1 = affine_map<(d0, d1) -> (0, 0, 0)>
module attributes {stable_mosaic.version = 14 : i64} {
  func.func @msg(%arg0: i32, %arg1: i32, %arg2: memref<10000x128xbf16, #tpu.memory_space<hbm>>, %arg3: memref<2x4000x80xi32, #tpu.memory_space<hbm>>, %arg4: memref<2x10000x128xbf16, #tpu.memory_space<hbm>>, %arg5: memref<125x80xi32, #tpu.memory_space<vmem>>, %arg6: memref<125x80xi32, #tpu.memory_space<vmem>>, %arg7: memref<80x128xbf16, #tpu.memory_space<vmem>>, %arg8: memref<80x128xbf16, #tpu.memory_space<vmem>>, %arg9: memref<80x128xbf16, #tpu.memory_space<vmem>>, %arg10: memref<80x128xbf16, #tpu.memory_space<vmem>>, %arg11: memref<80x128xbf16, #tpu.memory_space<vmem>>, %arg12: memref<10000x128xbf16, #tpu.memory_space<vmem_shared>>, %arg13: memref<!tpu.dma_semaphore, #tpu.memory_space<semaphore_mem>>, %arg14: memref<!tpu.dma_semaphore, #tpu.memory_space<semaphore_mem>>, %arg15: memref<!tpu.dma_semaphore, #tpu.memory_space<semaphore_mem>>, %arg16: memref<!tpu.dma_semaphore, #tpu.memory_space<semaphore_mem>>, %arg17: memref<!tpu.dma_semaphore, #tpu.memory_space<semaphore_mem>>) attributes {dimension_semantics = [#tpu.dimension_semantics<core_parallel>, #tpu.dimension_semantics<subcore_parallel>], iteration_bounds = array<i64: 2, 16>, scalar_prefetch = 0 : i64, scratch_operands = 13 : i64, tpu.core_type = #tpu.core_type<sc_vector_subcore>, window_params = [{transform_indices = #map}, {transform_indices = #map1}, {transform_indices = #map1}]} {
    %mul3A = arith.constant 2 : i32
    %mul3A_0 = arith.muli %arg1, %mul3A : i32
    %add3A = arith.addi %mul3A_0, %arg0 : i32
    %mul3A_1 = arith.constant 125 : i32
    %mul3A_2 = arith.muli %add3A, %mul3A_1 : i32
    %run_scoped3A = arith.constant 0 : i32
    "tpu.region"() ({
      %run_scoped3A_31 = tpu.sem_alloc : memref<!tpu.dma_semaphore, #tpu.memory_space<semaphore_mem>>
      %dma_start3A = arith.constant 0 : i32
      %dma_start3A_32 = tpu.memref_slice %arg3[%run_scoped3A, %mul3A_2, %dma_start3A] : memref<2x4000x80xi32, #tpu.memory_space<hbm>> -> memref<1x125x80xi32, #tpu.memory_space<hbm>>
      %dma_start3A_33 = tpu.memref_squeeze %dma_start3A_32 : memref<1x125x80xi32, #tpu.memory_space<hbm>> -> memref<125x80xi32, #tpu.memory_space<hbm>>
      %dma_start3A_34 = arith.constant 0 : i32
      %dma_start3A_35 = tpu.memref_slice %arg3[%run_scoped3A, %mul3A_2, %dma_start3A_34] : memref<2x4000x80xi32, #tpu.memory_space<hbm>> -> memref<1x125x80xi32, #tpu.memory_space<hbm>>
      %dma_start3A_36 = tpu.memref_squeeze %dma_start3A_35 : memref<1x125x80xi32, #tpu.memory_space<hbm>> -> memref<125x80xi32, #tpu.memory_space<hbm>>
      tpu.enqueue_dma source(%dma_start3A_36 : memref<125x80xi32, #tpu.memory_space<hbm>>) target(%arg5 : memref<125x80xi32, #tpu.memory_space<vmem>>) target_semaphore(%run_scoped3A_31 : memref<!tpu.dma_semaphore, #tpu.memory_space<semaphore_mem>>)
      %dma_wait3A = arith.constant 0 : i32
      %dma_wait3A_37 = tpu.memref_slice %arg3[%run_scoped3A, %mul3A_2, %dma_wait3A] : memref<2x4000x80xi32, #tpu.memory_space<hbm>> -> memref<1x125x80xi32, #tpu.memory_space<hbm>>
      %dma_wait3A_38 = tpu.memref_squeeze %dma_wait3A_37 : memref<1x125x80xi32, #tpu.memory_space<hbm>> -> memref<125x80xi32, #tpu.memory_space<hbm>>
      %dma_wait3A_39 = arith.constant 0 : i32
      %dma_wait3A_40 = tpu.memref_slice %arg3[%run_scoped3A, %mul3A_2, %dma_wait3A_39] : memref<2x4000x80xi32, #tpu.memory_space<hbm>> -> memref<1x125x80xi32, #tpu.memory_space<hbm>>
      %dma_wait3A_41 = tpu.memref_squeeze %dma_wait3A_40 : memref<1x125x80xi32, #tpu.memory_space<hbm>> -> memref<125x80xi32, #tpu.memory_space<hbm>>
      tpu.wait_dma2 semaphore(%run_scoped3A_31 : memref<!tpu.dma_semaphore, #tpu.memory_space<semaphore_mem>>) src(%dma_wait3A_41 : memref<125x80xi32, #tpu.memory_space<hbm>>) dst(%arg5 : memref<125x80xi32, #tpu.memory_space<vmem>>)
      tpu.yield
    }) : () -> ()
    %mul3A_3 = arith.constant 125 : i32
    %mul3A_4 = arith.muli %add3A, %mul3A_3 : i32
    %run_scoped3A_5 = arith.constant 1 : i32
    "tpu.region"() ({
      %run_scoped3A_31 = tpu.sem_alloc : memref<!tpu.dma_semaphore, #tpu.memory_space<semaphore_mem>>
      %dma_start3A = arith.constant 0 : i32
      %dma_start3A_32 = tpu.memref_slice %arg3[%run_scoped3A_5, %mul3A_4, %dma_start3A] : memref<2x4000x80xi32, #tpu.memory_space<hbm>> -> memref<1x125x80xi32, #tpu.memory_space<hbm>>
      %dma_start3A_33 = tpu.memref_squeeze %dma_start3A_32 : memref<1x125x80xi32, #tpu.memory_space<hbm>> -> memref<125x80xi32, #tpu.memory_space<hbm>>
      %dma_start3A_34 = arith.constant 0 : i32
      %dma_start3A_35 = tpu.memref_slice %arg3[%run_scoped3A_5, %mul3A_4, %dma_start3A_34] : memref<2x4000x80xi32, #tpu.memory_space<hbm>> -> memref<1x125x80xi32, #tpu.memory_space<hbm>>
      %dma_start3A_36 = tpu.memref_squeeze %dma_start3A_35 : memref<1x125x80xi32, #tpu.memory_space<hbm>> -> memref<125x80xi32, #tpu.memory_space<hbm>>
      tpu.enqueue_dma source(%dma_start3A_36 : memref<125x80xi32, #tpu.memory_space<hbm>>) target(%arg6 : memref<125x80xi32, #tpu.memory_space<vmem>>) target_semaphore(%run_scoped3A_31 : memref<!tpu.dma_semaphore, #tpu.memory_space<semaphore_mem>>)
      %dma_wait3A = arith.constant 0 : i32
      %dma_wait3A_37 = tpu.memref_slice %arg3[%run_scoped3A_5, %mul3A_4, %dma_wait3A] : memref<2x4000x80xi32, #tpu.memory_space<hbm>> -> memref<1x125x80xi32, #tpu.memory_space<hbm>>
      %dma_wait3A_38 = tpu.memref_squeeze %dma_wait3A_37 : memref<1x125x80xi32, #tpu.memory_space<hbm>> -> memref<125x80xi32, #tpu.memory_space<hbm>>
      %dma_wait3A_39 = arith.constant 0 : i32
      %dma_wait3A_40 = tpu.memref_slice %arg3[%run_scoped3A_5, %mul3A_4, %dma_wait3A_39] : memref<2x4000x80xi32, #tpu.memory_space<hbm>> -> memref<1x125x80xi32, #tpu.memory_space<hbm>>
      %dma_wait3A_41 = tpu.memref_squeeze %dma_wait3A_40 : memref<1x125x80xi32, #tpu.memory_space<hbm>> -> memref<125x80xi32, #tpu.memory_space<hbm>>
      tpu.wait_dma2 semaphore(%run_scoped3A_31 : memref<!tpu.dma_semaphore, #tpu.memory_space<semaphore_mem>>) src(%dma_wait3A_41 : memref<125x80xi32, #tpu.memory_space<hbm>>) dst(%arg6 : memref<125x80xi32, #tpu.memory_space<vmem>>)
      tpu.yield
    }) : () -> ()
    %broadcast_in_dim3A = arith.constant 0.000000e+00 : bf16
    %broadcast_in_dim3A_6 = vector.broadcast %broadcast_in_dim3A : bf16 to vector<32xbf16>
    %scan3A = arith.constant 0 : i32
    %scan3A_7 = arith.constant 0 : i32
    %scan3A_8 = arith.constant 320 : i32
    %scan3A_9 = arith.addi %scan3A_7, %scan3A_8 : i32
    %scan3A_10 = arith.constant 1 : i32
    scf.for %scan3A_31 = %scan3A_7 to %scan3A_9 step %scan3A_10  : i32 {
      %jit3A = arith.constant 4 : i32
      %div3A = arith.divsi %scan3A_31, %jit3A : i32
      %sign3A = arith.constant 0 : i32
      %sign3A_32 = arith.cmpi sgt, %scan3A_31, %sign3A : i32
      %sign3A_33 = arith.extui %sign3A_32 : i1 to i32
      %sign3A_34 = arith.constant 0 : i32
      %sign3A_35 = arith.cmpi slt, %scan3A_31, %sign3A_34 : i32
      %sign3A_36 = arith.extui %sign3A_35 : i1 to i32
      %sign3A_37 = arith.subi %sign3A_33, %sign3A_36 : i32
      %sign3A_38 = arith.constant 0 : i32
      %sign3A_39 = arith.cmpi sgt, %jit3A, %sign3A_38 : i32
      %sign3A_40 = arith.extui %sign3A_39 : i1 to i32
      %sign3A_41 = arith.constant 0 : i32
      %sign3A_42 = arith.cmpi slt, %jit3A, %sign3A_41 : i32
      %sign3A_43 = arith.extui %sign3A_42 : i1 to i32
      %sign3A_44 = arith.subi %sign3A_40, %sign3A_43 : i32
      %ne3A = arith.cmpi ne, %sign3A_37, %sign3A_44 : i32
      %rem3A = arith.remsi %scan3A_31, %jit3A : i32
      %ne3A_45 = arith.constant 0 : i32
      %ne3A_46 = arith.cmpi ne, %rem3A, %ne3A_45 : i32
      %and3A = arith.andi %ne3A, %ne3A_46 : i1
      %sub3A = arith.constant 1 : i32
      %sub3A_47 = arith.subi %div3A, %sub3A : i32
      %select_n3A = arith.select %and3A, %sub3A_47, %div3A : i32
      %jit3A_48 = arith.constant 4 : i32
      %eq3A = arith.constant 0 : i32
      %eq3A_49 = arith.cmpi eq, %jit3A_48, %eq3A : i32
      %jit3A_50 = arith.constant 1 : i32
      %select_n3A_51 = arith.select %eq3A_49, %jit3A_50, %jit3A_48 : i32
      %rem3A_52 = arith.remsi %scan3A_31, %select_n3A_51 : i32
      %ne3A_53 = arith.constant 0 : i32
      %ne3A_54 = arith.cmpi ne, %rem3A_52, %ne3A_53 : i32
      %lt3A = arith.constant 0 : i32
      %lt3A_55 = arith.cmpi slt, %rem3A_52, %lt3A : i32
      %lt3A_56 = arith.constant 0 : i32
      %lt3A_57 = arith.cmpi slt, %select_n3A_51, %lt3A_56 : i32
      %ne3A_58 = arith.xori %lt3A_55, %lt3A_57 : i1
      %and3A_59 = arith.andi %ne3A_58, %ne3A_54 : i1
      %add3A_60 = arith.addi %rem3A_52, %select_n3A_51 : i32
      %select_n3A_61 = arith.select %and3A_59, %add3A_60, %rem3A_52 : i32
      %mul3A_62 = arith.constant 32 : i32
      %mul3A_63 = arith.muli %select_n3A_61, %mul3A_62 : i32
      %swap3A = arith.index_cast %select_n3A : i32 to index
      %swap3A_64 = arith.index_cast %mul3A_63 : i32 to index
      %swap3A_65 = tpu.vector_load %arg7[%swap3A, %swap3A_64] {strides = array<i32>} : memref<80x128xbf16, #tpu.memory_space<vmem>>, vector<1x32xbf16>,
      %swap3A_66 = vector.shape_cast %swap3A_65 : vector<1x32xbf16> to vector<32xbf16>
      %swap3A_67 = vector.shape_cast %broadcast_in_dim3A_6 : vector<32xbf16> to vector<1x32xbf16>
      tpu.vector_store %arg7[%swap3A, %swap3A_64], %swap3A_67 {strides = array<i32>} : memref<80x128xbf16, #tpu.memory_space<vmem>>, vector<1x32xbf16>,
    }
    %scan3A_11 = arith.constant 320 : i32
    %scan3A_12 = arith.constant 0 : i32
    %scan3A_13 = arith.constant 0 : i32
    %scan3A_14 = arith.constant 8 : i32
    %scan3A_15 = arith.addi %scan3A_13, %scan3A_14 : i32
    %scan3A_16 = arith.constant 1 : i32
    scf.for %scan3A_31 = %scan3A_13 to %scan3A_15 step %scan3A_16  : i32 {
      %mul3A_32 = arith.constant 16 : i32
      %mul3A_33 = arith.muli %scan3A_31, %mul3A_32 : i32
      %add3A_34 = arith.addi %arg1, %mul3A_33 : i32
      %lt3A = arith.constant 125 : i32
      %lt3A_35 = arith.cmpi slt, %add3A_34, %lt3A : i32
      %convert_element_type3A = arith.extui %lt3A_35 : i1 to i32
      %cond3A = arith.constant 0 : i32
      %cond3A_36 = arith.cmpi ne, %convert_element_type3A, %cond3A : i32
      scf.if %cond3A_36 {
        %mul3A_37 = arith.constant 80 : i32
        %mul3A_38 = arith.muli %add3A_34, %mul3A_37 : i32
        "tpu.region"() ({
          %run_scoped3A_39 = tpu.sem_alloc : memref<!tpu.dma_semaphore, #tpu.memory_space<semaphore_mem>>
          %dma_start3A = arith.constant 0 : i32
          %dma_start3A_40 = tpu.memref_slice %arg12[%mul3A_38, %dma_start3A] : memref<10000x128xbf16, #tpu.memory_space<vmem_shared>> -> memref<80x128xbf16, #tpu.memory_space<vmem_shared>>
          %dma_start3A_41 = arith.constant 0 : i32
          %dma_start3A_42 = tpu.memref_slice %arg12[%mul3A_38, %dma_start3A_41] : memref<10000x128xbf16, #tpu.memory_space<vmem_shared>> -> memref<80x128xbf16, #tpu.memory_space<vmem_shared>>
          tpu.enqueue_dma source(%arg7 : memref<80x128xbf16, #tpu.memory_space<vmem>>) target(%dma_start3A_42 : memref<80x128xbf16, #tpu.memory_space<vmem_shared>>) target_semaphore(%run_scoped3A_39 : memref<!tpu.dma_semaphore, #tpu.memory_space<semaphore_mem>>)
          %dma_wait3A = arith.constant 0 : i32
          %dma_wait3A_43 = tpu.memref_slice %arg12[%mul3A_38, %dma_wait3A] : memref<10000x128xbf16, #tpu.memory_space<vmem_shared>> -> memref<80x128xbf16, #tpu.memory_space<vmem_shared>>
          %dma_wait3A_44 = arith.constant 0 : i32
          %dma_wait3A_45 = tpu.memref_slice %arg12[%mul3A_38, %dma_wait3A_44] : memref<10000x128xbf16, #tpu.memory_space<vmem_shared>> -> memref<80x128xbf16, #tpu.memory_space<vmem_shared>>
          tpu.wait_dma2 semaphore(%run_scoped3A_39 : memref<!tpu.dma_semaphore, #tpu.memory_space<semaphore_mem>>) src(%arg7 : memref<80x128xbf16, #tpu.memory_space<vmem>>) dst(%dma_wait3A_45 : memref<80x128xbf16, #tpu.memory_space<vmem_shared>>)
          tpu.yield
        }) : () -> ()
      } else {
      }
    }
    %scan3A_17 = arith.constant 8 : i32
    %barrier3A = arith.constant 0 : index
    tpu.barrier barrier_id(%barrier3A)
    %scan3A_18 = arith.constant 0 : i32
    %scan3A_19 = arith.constant 0 : i32
    %scan3A_20 = arith.constant 25 : i32
    %scan3A_21 = arith.addi %scan3A_19, %scan3A_20 : i32
    %scan3A_22 = arith.constant 1 : i32
    scf.for %scan3A_31 = %scan3A_19 to %scan3A_21 step %scan3A_22  : i32 {
      %mul3A_32 = arith.constant 5 : i32
      %mul3A_33 = arith.muli %scan3A_31, %mul3A_32 : i32
      %add3A_34 = arith.constant 0 : i32
      %add3A_35 = arith.addi %mul3A_33, %add3A_34 : i32
      %dma_start3A = arith.constant 0 : i32
      %dma_start3A_36 = tpu.memref_slice %arg5[%add3A_35, %dma_start3A] : memref<125x80xi32, #tpu.memory_space<vmem>> -> memref<1x80xi32, #tpu.memory_space<vmem>>
      %dma_start3A_37 = tpu.memref_squeeze %dma_start3A_36 : memref<1x80xi32, #tpu.memory_space<vmem>> -> memref<80xi32, #tpu.memory_space<vmem>>
      %dma_start3A_38 = arith.constant 0 : i32
      %dma_start3A_39 = arith.constant 0 : i32
      %dma_start3A_40 = tpu.memref_slice %arg2[%dma_start3A_38, %dma_start3A_39] : memref<10000x128xbf16, #tpu.memory_space<hbm>> -> memref<10000x128xbf16, #tpu.memory_space<hbm>>
      tpu.enqueue_indirect_dma source(%dma_start3A_40 : memref<10000x128xbf16, #tpu.memory_space<hbm>>) target(%arg7 : memref<80x128xbf16, #tpu.memory_space<vmem>>) offsets(%dma_start3A_37 : memref<80xi32, #tpu.memory_space<vmem>>) semaphore(%arg13 : memref<!tpu.dma_semaphore, #tpu.memory_space<semaphore_mem>>)
      %add3A_41 = arith.constant 1 : i32
      %add3A_42 = arith.addi %mul3A_33, %add3A_41 : i32
      %dma_start3A_43 = arith.constant 0 : i32
      %dma_start3A_44 = tpu.memref_slice %arg5[%add3A_42, %dma_start3A_43] : memref<125x80xi32, #tpu.memory_space<vmem>> -> memref<1x80xi32, #tpu.memory_space<vmem>>
      %dma_start3A_45 = tpu.memref_squeeze %dma_start3A_44 : memref<1x80xi32, #tpu.memory_space<vmem>> -> memref<80xi32, #tpu.memory_space<vmem>>
      %dma_start3A_46 = arith.constant 0 : i32
      %dma_start3A_47 = arith.constant 0 : i32
      %dma_start3A_48 = tpu.memref_slice %arg2[%dma_start3A_46, %dma_start3A_47] : memref<10000x128xbf16, #tpu.memory_space<hbm>> -> memref<10000x128xbf16, #tpu.memory_space<hbm>>
      tpu.enqueue_indirect_dma source(%dma_start3A_48 : memref<10000x128xbf16, #tpu.memory_space<hbm>>) target(%arg8 : memref<80x128xbf16, #tpu.memory_space<vmem>>) offsets(%dma_start3A_45 : memref<80xi32, #tpu.memory_space<vmem>>) semaphore(%arg14 : memref<!tpu.dma_semaphore, #tpu.memory_space<semaphore_mem>>)
      %add3A_49 = arith.constant 2 : i32
      %add3A_50 = arith.addi %mul3A_33, %add3A_49 : i32
      %dma_start3A_51 = arith.constant 0 : i32
      %dma_start3A_52 = tpu.memref_slice %arg5[%add3A_50, %dma_start3A_51] : memref<125x80xi32, #tpu.memory_space<vmem>> -> memref<1x80xi32, #tpu.memory_space<vmem>>
      %dma_start3A_53 = tpu.memref_squeeze %dma_start3A_52 : memref<1x80xi32, #tpu.memory_space<vmem>> -> memref<80xi32, #tpu.memory_space<vmem>>
      %dma_start3A_54 = arith.constant 0 : i32
      %dma_start3A_55 = arith.constant 0 : i32
      %dma_start3A_56 = tpu.memref_slice %arg2[%dma_start3A_54, %dma_start3A_55] : memref<10000x128xbf16, #tpu.memory_space<hbm>> -> memref<10000x128xbf16, #tpu.memory_space<hbm>>
      tpu.enqueue_indirect_dma source(%dma_start3A_56 : memref<10000x128xbf16, #tpu.memory_space<hbm>>) target(%arg9 : memref<80x128xbf16, #tpu.memory_space<vmem>>) offsets(%dma_start3A_53 : memref<80xi32, #tpu.memory_space<vmem>>) semaphore(%arg15 : memref<!tpu.dma_semaphore, #tpu.memory_space<semaphore_mem>>)
      %add3A_57 = arith.constant 3 : i32
      %add3A_58 = arith.addi %mul3A_33, %add3A_57 : i32
      %dma_start3A_59 = arith.constant 0 : i32
      %dma_start3A_60 = tpu.memref_slice %arg5[%add3A_58, %dma_start3A_59] : memref<125x80xi32, #tpu.memory_space<vmem>> -> memref<1x80xi32, #tpu.memory_space<vmem>>
      %dma_start3A_61 = tpu.memref_squeeze %dma_start3A_60 : memref<1x80xi32, #tpu.memory_space<vmem>> -> memref<80xi32, #tpu.memory_space<vmem>>
      %dma_start3A_62 = arith.constant 0 : i32
      %dma_start3A_63 = arith.constant 0 : i32
      %dma_start3A_64 = tpu.memref_slice %arg2[%dma_start3A_62, %dma_start3A_63] : memref<10000x128xbf16, #tpu.memory_space<hbm>> -> memref<10000x128xbf16, #tpu.memory_space<hbm>>
      tpu.enqueue_indirect_dma source(%dma_start3A_64 : memref<10000x128xbf16, #tpu.memory_space<hbm>>) target(%arg10 : memref<80x128xbf16, #tpu.memory_space<vmem>>) offsets(%dma_start3A_61 : memref<80xi32, #tpu.memory_space<vmem>>) semaphore(%arg16 : memref<!tpu.dma_semaphore, #tpu.memory_space<semaphore_mem>>)
      %add3A_65 = arith.constant 4 : i32
      %add3A_66 = arith.addi %mul3A_33, %add3A_65 : i32
      %dma_start3A_67 = arith.constant 0 : i32
      %dma_start3A_68 = tpu.memref_slice %arg5[%add3A_66, %dma_start3A_67] : memref<125x80xi32, #tpu.memory_space<vmem>> -> memref<1x80xi32, #tpu.memory_space<vmem>>
      %dma_start3A_69 = tpu.memref_squeeze %dma_start3A_68 : memref<1x80xi32, #tpu.memory_space<vmem>> -> memref<80xi32, #tpu.memory_space<vmem>>
      %dma_start3A_70 = arith.constant 0 : i32
      %dma_start3A_71 = arith.constant 0 : i32
      %dma_start3A_72 = tpu.memref_slice %arg2[%dma_start3A_70, %dma_start3A_71] : memref<10000x128xbf16, #tpu.memory_space<hbm>> -> memref<10000x128xbf16, #tpu.memory_space<hbm>>
      tpu.enqueue_indirect_dma source(%dma_start3A_72 : memref<10000x128xbf16, #tpu.memory_space<hbm>>) target(%arg11 : memref<80x128xbf16, #tpu.memory_space<vmem>>) offsets(%dma_start3A_69 : memref<80xi32, #tpu.memory_space<vmem>>) semaphore(%arg17 : memref<!tpu.dma_semaphore, #tpu.memory_space<semaphore_mem>>)
      %dma_wait3A = arith.constant 0 : i32
      %dma_wait3A_73 = tpu.memref_slice %arg5[%add3A_35, %dma_wait3A] : memref<125x80xi32, #tpu.memory_space<vmem>> -> memref<1x80xi32, #tpu.memory_space<vmem>>
      %dma_wait3A_74 = tpu.memref_squeeze %dma_wait3A_73 : memref<1x80xi32, #tpu.memory_space<vmem>> -> memref<80xi32, #tpu.memory_space<vmem>>
      %dma_wait3A_75 = arith.constant 0 : i32
      %dma_wait3A_76 = arith.constant 0 : i32
      %dma_wait3A_77 = tpu.memref_slice %arg2[%dma_wait3A_75, %dma_wait3A_76] : memref<10000x128xbf16, #tpu.memory_space<hbm>> -> memref<10000x128xbf16, #tpu.memory_space<hbm>>
      tpu.wait_indirect_dma semaphore(%arg13 : memref<!tpu.dma_semaphore, #tpu.memory_space<semaphore_mem>>) src(%dma_wait3A_77 : memref<10000x128xbf16, #tpu.memory_space<hbm>>) dst(%arg7 : memref<80x128xbf16, #tpu.memory_space<vmem>>)
      %add3A_78 = arith.constant 0 : i32
      %add3A_79 = arith.addi %mul3A_33, %add3A_78 : i32
      "tpu.region"() ({
        %run_scoped3A_112 = tpu.sem_alloc : memref<!tpu.dma_semaphore, #tpu.memory_space<semaphore_mem>>
        %dma_start3A_113 = arith.constant 0 : i32
        %dma_start3A_114 = tpu.memref_slice %arg6[%add3A_79, %dma_start3A_113] : memref<125x80xi32, #tpu.memory_space<vmem>> -> memref<1x80xi32, #tpu.memory_space<vmem>>
        %dma_start3A_115 = tpu.memref_squeeze %dma_start3A_114 : memref<1x80xi32, #tpu.memory_space<vmem>> -> memref<80xi32, #tpu.memory_space<vmem>>
        %dma_start3A_116 = arith.constant 0 : i32
        %dma_start3A_117 = arith.constant 0 : i32
        %dma_start3A_118 = tpu.memref_slice %arg12[%dma_start3A_116, %dma_start3A_117] : memref<10000x128xbf16, #tpu.memory_space<vmem_shared>> -> memref<10000x128xbf16, #tpu.memory_space<vmem_shared>>
        tpu.enqueue_indirect_dma source(%arg7 : memref<80x128xbf16, #tpu.memory_space<vmem>>) target(%dma_start3A_118 : memref<10000x128xbf16, #tpu.memory_space<vmem_shared>>) offsets(%dma_start3A_115 : memref<80xi32, #tpu.memory_space<vmem>>) semaphore(%run_scoped3A_112 : memref<!tpu.dma_semaphore, #tpu.memory_space<semaphore_mem>>) {add = true}
        %dma_wait3A_119 = arith.constant 0 : i32
        %dma_wait3A_120 = tpu.memref_slice %arg6[%add3A_79, %dma_wait3A_119] : memref<125x80xi32, #tpu.memory_space<vmem>> -> memref<1x80xi32, #tpu.memory_space<vmem>>
        %dma_wait3A_121 = tpu.memref_squeeze %dma_wait3A_120 : memref<1x80xi32, #tpu.memory_space<vmem>> -> memref<80xi32, #tpu.memory_space<vmem>>
        %dma_wait3A_122 = arith.constant 0 : i32
        %dma_wait3A_123 = arith.constant 0 : i32
        %dma_wait3A_124 = tpu.memref_slice %arg12[%dma_wait3A_122, %dma_wait3A_123] : memref<10000x128xbf16, #tpu.memory_space<vmem_shared>> -> memref<10000x128xbf16, #tpu.memory_space<vmem_shared>>
        tpu.wait_indirect_dma semaphore(%run_scoped3A_112 : memref<!tpu.dma_semaphore, #tpu.memory_space<semaphore_mem>>) src(%arg7 : memref<80x128xbf16, #tpu.memory_space<vmem>>) dst(%dma_wait3A_124 : memref<10000x128xbf16, #tpu.memory_space<vmem_shared>>)
        tpu.yield
      }) : () -> ()
      %dma_wait3A_80 = arith.constant 0 : i32
      %dma_wait3A_81 = tpu.memref_slice %arg5[%add3A_42, %dma_wait3A_80] : memref<125x80xi32, #tpu.memory_space<vmem>> -> memref<1x80xi32, #tpu.memory_space<vmem>>
      %dma_wait3A_82 = tpu.memref_squeeze %dma_wait3A_81 : memref<1x80xi32, #tpu.memory_space<vmem>> -> memref<80xi32, #tpu.memory_space<vmem>>
      %dma_wait3A_83 = arith.constant 0 : i32
      %dma_wait3A_84 = arith.constant 0 : i32
      %dma_wait3A_85 = tpu.memref_slice %arg2[%dma_wait3A_83, %dma_wait3A_84] : memref<10000x128xbf16, #tpu.memory_space<hbm>> -> memref<10000x128xbf16, #tpu.memory_space<hbm>>
      tpu.wait_indirect_dma semaphore(%arg14 : memref<!tpu.dma_semaphore, #tpu.memory_space<semaphore_mem>>) src(%dma_wait3A_85 : memref<10000x128xbf16, #tpu.memory_space<hbm>>) dst(%arg8 : memref<80x128xbf16, #tpu.memory_space<vmem>>)
      %add3A_86 = arith.constant 1 : i32
      %add3A_87 = arith.addi %mul3A_33, %add3A_86 : i32
      "tpu.region"() ({
        %run_scoped3A_112 = tpu.sem_alloc : memref<!tpu.dma_semaphore, #tpu.memory_space<semaphore_mem>>
        %dma_start3A_113 = arith.constant 0 : i32
        %dma_start3A_114 = tpu.memref_slice %arg6[%add3A_87, %dma_start3A_113] : memref<125x80xi32, #tpu.memory_space<vmem>> -> memref<1x80xi32, #tpu.memory_space<vmem>>
        %dma_start3A_115 = tpu.memref_squeeze %dma_start3A_114 : memref<1x80xi32, #tpu.memory_space<vmem>> -> memref<80xi32, #tpu.memory_space<vmem>>
        %dma_start3A_116 = arith.constant 0 : i32
        %dma_start3A_117 = arith.constant 0 : i32
        %dma_start3A_118 = tpu.memref_slice %arg12[%dma_start3A_116, %dma_start3A_117] : memref<10000x128xbf16, #tpu.memory_space<vmem_shared>> -> memref<10000x128xbf16, #tpu.memory_space<vmem_shared>>
        tpu.enqueue_indirect_dma source(%arg8 : memref<80x128xbf16, #tpu.memory_space<vmem>>) target(%dma_start3A_118 : memref<10000x128xbf16, #tpu.memory_space<vmem_shared>>) offsets(%dma_start3A_115 : memref<80xi32, #tpu.memory_space<vmem>>) semaphore(%run_scoped3A_112 : memref<!tpu.dma_semaphore, #tpu.memory_space<semaphore_mem>>) {add = true}
        %dma_wait3A_119 = arith.constant 0 : i32
        %dma_wait3A_120 = tpu.memref_slice %arg6[%add3A_87, %dma_wait3A_119] : memref<125x80xi32, #tpu.memory_space<vmem>> -> memref<1x80xi32, #tpu.memory_space<vmem>>
        %dma_wait3A_121 = tpu.memref_squeeze %dma_wait3A_120 : memref<1x80xi32, #tpu.memory_space<vmem>> -> memref<80xi32, #tpu.memory_space<vmem>>
        %dma_wait3A_122 = arith.constant 0 : i32
        %dma_wait3A_123 = arith.constant 0 : i32
        %dma_wait3A_124 = tpu.memref_slice %arg12[%dma_wait3A_122, %dma_wait3A_123] : memref<10000x128xbf16, #tpu.memory_space<vmem_shared>> -> memref<10000x128xbf16, #tpu.memory_space<vmem_shared>>
        tpu.wait_indirect_dma semaphore(%run_scoped3A_112 : memref<!tpu.dma_semaphore, #tpu.memory_space<semaphore_mem>>) src(%arg8 : memref<80x128xbf16, #tpu.memory_space<vmem>>) dst(%dma_wait3A_124 : memref<10000x128xbf16, #tpu.memory_space<vmem_shared>>)
        tpu.yield
      }) : () -> ()
      %dma_wait3A_88 = arith.constant 0 : i32
      %dma_wait3A_89 = tpu.memref_slice %arg5[%add3A_50, %dma_wait3A_88] : memref<125x80xi32, #tpu.memory_space<vmem>> -> memref<1x80xi32, #tpu.memory_space<vmem>>
      %dma_wait3A_90 = tpu.memref_squeeze %dma_wait3A_89 : memref<1x80xi32, #tpu.memory_space<vmem>> -> memref<80xi32, #tpu.memory_space<vmem>>
      %dma_wait3A_91 = arith.constant 0 : i32
      %dma_wait3A_92 = arith.constant 0 : i32
      %dma_wait3A_93 = tpu.memref_slice %arg2[%dma_wait3A_91, %dma_wait3A_92] : memref<10000x128xbf16, #tpu.memory_space<hbm>> -> memref<10000x128xbf16, #tpu.memory_space<hbm>>
      tpu.wait_indirect_dma semaphore(%arg15 : memref<!tpu.dma_semaphore, #tpu.memory_space<semaphore_mem>>) src(%dma_wait3A_93 : memref<10000x128xbf16, #tpu.memory_space<hbm>>) dst(%arg9 : memref<80x128xbf16, #tpu.memory_space<vmem>>)
      %add3A_94 = arith.constant 2 : i32
      %add3A_95 = arith.addi %mul3A_33, %add3A_94 : i32
      "tpu.region"() ({
        %run_scoped3A_112 = tpu.sem_alloc : memref<!tpu.dma_semaphore, #tpu.memory_space<semaphore_mem>>
        %dma_start3A_113 = arith.constant 0 : i32
        %dma_start3A_114 = tpu.memref_slice %arg6[%add3A_95, %dma_start3A_113] : memref<125x80xi32, #tpu.memory_space<vmem>> -> memref<1x80xi32, #tpu.memory_space<vmem>>
        %dma_start3A_115 = tpu.memref_squeeze %dma_start3A_114 : memref<1x80xi32, #tpu.memory_space<vmem>> -> memref<80xi32, #tpu.memory_space<vmem>>
        %dma_start3A_116 = arith.constant 0 : i32
        %dma_start3A_117 = arith.constant 0 : i32
        %dma_start3A_118 = tpu.memref_slice %arg12[%dma_start3A_116, %dma_start3A_117] : memref<10000x128xbf16, #tpu.memory_space<vmem_shared>> -> memref<10000x128xbf16, #tpu.memory_space<vmem_shared>>
        tpu.enqueue_indirect_dma source(%arg9 : memref<80x128xbf16, #tpu.memory_space<vmem>>) target(%dma_start3A_118 : memref<10000x128xbf16, #tpu.memory_space<vmem_shared>>) offsets(%dma_start3A_115 : memref<80xi32, #tpu.memory_space<vmem>>) semaphore(%run_scoped3A_112 : memref<!tpu.dma_semaphore, #tpu.memory_space<semaphore_mem>>) {add = true}
        %dma_wait3A_119 = arith.constant 0 : i32
        %dma_wait3A_120 = tpu.memref_slice %arg6[%add3A_95, %dma_wait3A_119] : memref<125x80xi32, #tpu.memory_space<vmem>> -> memref<1x80xi32, #tpu.memory_space<vmem>>
        %dma_wait3A_121 = tpu.memref_squeeze %dma_wait3A_120 : memref<1x80xi32, #tpu.memory_space<vmem>> -> memref<80xi32, #tpu.memory_space<vmem>>
        %dma_wait3A_122 = arith.constant 0 : i32
        %dma_wait3A_123 = arith.constant 0 : i32
        %dma_wait3A_124 = tpu.memref_slice %arg12[%dma_wait3A_122, %dma_wait3A_123] : memref<10000x128xbf16, #tpu.memory_space<vmem_shared>> -> memref<10000x128xbf16, #tpu.memory_space<vmem_shared>>
        tpu.wait_indirect_dma semaphore(%run_scoped3A_112 : memref<!tpu.dma_semaphore, #tpu.memory_space<semaphore_mem>>) src(%arg9 : memref<80x128xbf16, #tpu.memory_space<vmem>>) dst(%dma_wait3A_124 : memref<10000x128xbf16, #tpu.memory_space<vmem_shared>>)
        tpu.yield
      }) : () -> ()
      %dma_wait3A_96 = arith.constant 0 : i32
      %dma_wait3A_97 = tpu.memref_slice %arg5[%add3A_58, %dma_wait3A_96] : memref<125x80xi32, #tpu.memory_space<vmem>> -> memref<1x80xi32, #tpu.memory_space<vmem>>
      %dma_wait3A_98 = tpu.memref_squeeze %dma_wait3A_97 : memref<1x80xi32, #tpu.memory_space<vmem>> -> memref<80xi32, #tpu.memory_space<vmem>>
      %dma_wait3A_99 = arith.constant 0 : i32
      %dma_wait3A_100 = arith.constant 0 : i32
      %dma_wait3A_101 = tpu.memref_slice %arg2[%dma_wait3A_99, %dma_wait3A_100] : memref<10000x128xbf16, #tpu.memory_space<hbm>> -> memref<10000x128xbf16, #tpu.memory_space<hbm>>
      tpu.wait_indirect_dma semaphore(%arg16 : memref<!tpu.dma_semaphore, #tpu.memory_space<semaphore_mem>>) src(%dma_wait3A_101 : memref<10000x128xbf16, #tpu.memory_space<hbm>>) dst(%arg10 : memref<80x128xbf16, #tpu.memory_space<vmem>>)
      %add3A_102 = arith.constant 3 : i32
      %add3A_103 = arith.addi %mul3A_33, %add3A_102 : i32
      "tpu.region"() ({
        %run_scoped3A_112 = tpu.sem_alloc : memref<!tpu.dma_semaphore, #tpu.memory_space<semaphore_mem>>
        %dma_start3A_113 = arith.constant 0 : i32
        %dma_start3A_114 = tpu.memref_slice %arg6[%add3A_103, %dma_start3A_113] : memref<125x80xi32, #tpu.memory_space<vmem>> -> memref<1x80xi32, #tpu.memory_space<vmem>>
        %dma_start3A_115 = tpu.memref_squeeze %dma_start3A_114 : memref<1x80xi32, #tpu.memory_space<vmem>> -> memref<80xi32, #tpu.memory_space<vmem>>
        %dma_start3A_116 = arith.constant 0 : i32
        %dma_start3A_117 = arith.constant 0 : i32
        %dma_start3A_118 = tpu.memref_slice %arg12[%dma_start3A_116, %dma_start3A_117] : memref<10000x128xbf16, #tpu.memory_space<vmem_shared>> -> memref<10000x128xbf16, #tpu.memory_space<vmem_shared>>
        tpu.enqueue_indirect_dma source(%arg10 : memref<80x128xbf16, #tpu.memory_space<vmem>>) target(%dma_start3A_118 : memref<10000x128xbf16, #tpu.memory_space<vmem_shared>>) offsets(%dma_start3A_115 : memref<80xi32, #tpu.memory_space<vmem>>) semaphore(%run_scoped3A_112 : memref<!tpu.dma_semaphore, #tpu.memory_space<semaphore_mem>>) {add = true}
        %dma_wait3A_119 = arith.constant 0 : i32
        %dma_wait3A_120 = tpu.memref_slice %arg6[%add3A_103, %dma_wait3A_119] : memref<125x80xi32, #tpu.memory_space<vmem>> -> memref<1x80xi32, #tpu.memory_space<vmem>>
        %dma_wait3A_121 = tpu.memref_squeeze %dma_wait3A_120 : memref<1x80xi32, #tpu.memory_space<vmem>> -> memref<80xi32, #tpu.memory_space<vmem>>
        %dma_wait3A_122 = arith.constant 0 : i32
        %dma_wait3A_123 = arith.constant 0 : i32
        %dma_wait3A_124 = tpu.memref_slice %arg12[%dma_wait3A_122, %dma_wait3A_123] : memref<10000x128xbf16, #tpu.memory_space<vmem_shared>> -> memref<10000x128xbf16, #tpu.memory_space<vmem_shared>>
        tpu.wait_indirect_dma semaphore(%run_scoped3A_112 : memref<!tpu.dma_semaphore, #tpu.memory_space<semaphore_mem>>) src(%arg10 : memref<80x128xbf16, #tpu.memory_space<vmem>>) dst(%dma_wait3A_124 : memref<10000x128xbf16, #tpu.memory_space<vmem_shared>>)
        tpu.yield
      }) : () -> ()
      %dma_wait3A_104 = arith.constant 0 : i32
      %dma_wait3A_105 = tpu.memref_slice %arg5[%add3A_66, %dma_wait3A_104] : memref<125x80xi32, #tpu.memory_space<vmem>> -> memref<1x80xi32, #tpu.memory_space<vmem>>
      %dma_wait3A_106 = tpu.memref_squeeze %dma_wait3A_105 : memref<1x80xi32, #tpu.memory_space<vmem>> -> memref<80xi32, #tpu.memory_space<vmem>>
      %dma_wait3A_107 = arith.constant 0 : i32
      %dma_wait3A_108 = arith.constant 0 : i32
      %dma_wait3A_109 = tpu.memref_slice %arg2[%dma_wait3A_107, %dma_wait3A_108] : memref<10000x128xbf16, #tpu.memory_space<hbm>> -> memref<10000x128xbf16, #tpu.memory_space<hbm>>
      tpu.wait_indirect_dma semaphore(%arg17 : memref<!tpu.dma_semaphore, #tpu.memory_space<semaphore_mem>>) src(%dma_wait3A_109 : memref<10000x128xbf16, #tpu.memory_space<hbm>>) dst(%arg11 : memref<80x128xbf16, #tpu.memory_space<vmem>>)
      %add3A_110 = arith.constant 4 : i32
      %add3A_111 = arith.addi %mul3A_33, %add3A_110 : i32
      "tpu.region"() ({
        %run_scoped3A_112 = tpu.sem_alloc : memref<!tpu.dma_semaphore, #tpu.memory_space<semaphore_mem>>
        %dma_start3A_113 = arith.constant 0 : i32
        %dma_start3A_114 = tpu.memref_slice %arg6[%add3A_111, %dma_start3A_113] : memref<125x80xi32, #tpu.memory_space<vmem>> -> memref<1x80xi32, #tpu.memory_space<vmem>>
        %dma_start3A_115 = tpu.memref_squeeze %dma_start3A_114 : memref<1x80xi32, #tpu.memory_space<vmem>> -> memref<80xi32, #tpu.memory_space<vmem>>
        %dma_start3A_116 = arith.constant 0 : i32
        %dma_start3A_117 = arith.constant 0 : i32
        %dma_start3A_118 = tpu.memref_slice %arg12[%dma_start3A_116, %dma_start3A_117] : memref<10000x128xbf16, #tpu.memory_space<vmem_shared>> -> memref<10000x128xbf16, #tpu.memory_space<vmem_shared>>
        tpu.enqueue_indirect_dma source(%arg11 : memref<80x128xbf16, #tpu.memory_space<vmem>>) target(%dma_start3A_118 : memref<10000x128xbf16, #tpu.memory_space<vmem_shared>>) offsets(%dma_start3A_115 : memref<80xi32, #tpu.memory_space<vmem>>) semaphore(%run_scoped3A_112 : memref<!tpu.dma_semaphore, #tpu.memory_space<semaphore_mem>>) {add = true}
        %dma_wait3A_119 = arith.constant 0 : i32
        %dma_wait3A_120 = tpu.memref_slice %arg6[%add3A_111, %dma_wait3A_119] : memref<125x80xi32, #tpu.memory_space<vmem>> -> memref<1x80xi32, #tpu.memory_space<vmem>>
        %dma_wait3A_121 = tpu.memref_squeeze %dma_wait3A_120 : memref<1x80xi32, #tpu.memory_space<vmem>> -> memref<80xi32, #tpu.memory_space<vmem>>
        %dma_wait3A_122 = arith.constant 0 : i32
        %dma_wait3A_123 = arith.constant 0 : i32
        %dma_wait3A_124 = tpu.memref_slice %arg12[%dma_wait3A_122, %dma_wait3A_123] : memref<10000x128xbf16, #tpu.memory_space<vmem_shared>> -> memref<10000x128xbf16, #tpu.memory_space<vmem_shared>>
        tpu.wait_indirect_dma semaphore(%run_scoped3A_112 : memref<!tpu.dma_semaphore, #tpu.memory_space<semaphore_mem>>) src(%arg11 : memref<80x128xbf16, #tpu.memory_space<vmem>>) dst(%dma_wait3A_124 : memref<10000x128xbf16, #tpu.memory_space<vmem_shared>>)
        tpu.yield
      }) : () -> ()
    }
    %scan3A_23 = arith.constant 25 : i32
    %barrier3A_24 = arith.constant 0 : index
    tpu.barrier barrier_id(%barrier3A_24)
    %scan3A_25 = arith.constant 0 : i32
    %scan3A_26 = arith.constant 0 : i32
    %scan3A_27 = arith.constant 4 : i32
    %scan3A_28 = arith.addi %scan3A_26, %scan3A_27 : i32
    %scan3A_29 = arith.constant 1 : i32
    scf.for %scan3A_31 = %scan3A_26 to %scan3A_28 step %scan3A_29  : i32 {
      %mul3A_32 = arith.constant 16 : i32
      %mul3A_33 = arith.muli %scan3A_31, %mul3A_32 : i32
      %add3A_34 = arith.addi %arg1, %mul3A_33 : i32
      %lt3A = arith.constant 50 : i32
      %lt3A_35 = arith.cmpi slt, %add3A_34, %lt3A : i32
      %convert_element_type3A = arith.extui %lt3A_35 : i1 to i32
      %cond3A = arith.constant 0 : i32
      %cond3A_36 = arith.cmpi ne, %convert_element_type3A, %cond3A : i32
      scf.if %cond3A_36 {
        %mul3A_37 = arith.constant 200 : i32
        %mul3A_38 = arith.muli %add3A_34, %mul3A_37 : i32
        %mul3A_39 = arith.constant 200 : i32
        %mul3A_40 = arith.muli %add3A_34, %mul3A_39 : i32
        "tpu.region"() ({
          %run_scoped3A_41 = tpu.sem_alloc : memref<!tpu.dma_semaphore, #tpu.memory_space<semaphore_mem>>
          %dma_start3A = arith.constant 0 : i32
          %dma_start3A_42 = tpu.memref_slice %arg4[%arg0, %mul3A_40, %dma_start3A] : memref<2x10000x128xbf16, #tpu.memory_space<hbm>> -> memref<1x200x128xbf16, #tpu.memory_space<hbm>>
          %dma_start3A_43 = tpu.memref_squeeze %dma_start3A_42 : memref<1x200x128xbf16, #tpu.memory_space<hbm>> -> memref<200x128xbf16, #tpu.memory_space<hbm>>
          %dma_start3A_44 = arith.constant 0 : i32
          %dma_start3A_45 = tpu.memref_slice %arg12[%mul3A_38, %dma_start3A_44] : memref<10000x128xbf16, #tpu.memory_space<vmem_shared>> -> memref<200x128xbf16, #tpu.memory_space<vmem_shared>>
          tpu.enqueue_dma source(%dma_start3A_45 : memref<200x128xbf16, #tpu.memory_space<vmem_shared>>) target(%dma_start3A_43 : memref<200x128xbf16, #tpu.memory_space<hbm>>) target_semaphore(%run_scoped3A_41 : memref<!tpu.dma_semaphore, #tpu.memory_space<semaphore_mem>>)
          %dma_wait3A = arith.constant 0 : i32
          %dma_wait3A_46 = tpu.memref_slice %arg4[%arg0, %mul3A_40, %dma_wait3A] : memref<2x10000x128xbf16, #tpu.memory_space<hbm>> -> memref<1x200x128xbf16, #tpu.memory_space<hbm>>
          %dma_wait3A_47 = tpu.memref_squeeze %dma_wait3A_46 : memref<1x200x128xbf16, #tpu.memory_space<hbm>> -> memref<200x128xbf16, #tpu.memory_space<hbm>>
          %dma_wait3A_48 = arith.constant 0 : i32
          %dma_wait3A_49 = tpu.memref_slice %arg12[%mul3A_38, %dma_wait3A_48] : memref<10000x128xbf16, #tpu.memory_space<vmem_shared>> -> memref<200x128xbf16, #tpu.memory_space<vmem_shared>>
          tpu.wait_dma2 semaphore(%run_scoped3A_41 : memref<!tpu.dma_semaphore, #tpu.memory_space<semaphore_mem>>) src(%dma_wait3A_49 : memref<200x128xbf16, #tpu.memory_space<vmem_shared>>) dst(%dma_wait3A_47 : memref<200x128xbf16, #tpu.memory_space<hbm>>)
          tpu.yield
        }) : () -> ()
      } else {
      }
    }
    %scan3A_30 = arith.constant 4 : i32
    return
  }
}

#map = affine_map<(d0, d1) -> (0, 0)>
#map1 = affine_map<(d0, d1) -> (0, 0, 0)>
module attributes {stable_mosaic.version = 14 : i64} {
  func.func @msg(%arg0: i32, %arg1: i32, %arg2: memref<10000x32xbf16, #tpu.memory_space<hbm>>, %arg3: memref<2x4000x80xi32, #tpu.memory_space<hbm>>, %arg4: memref<2x10000x32xbf16, #tpu.memory_space<hbm>>, %arg5: memref<125x80xi32, #tpu.memory_space<vmem>>, %arg6: memref<125x80xi32, #tpu.memory_space<vmem>>, %arg7: memref<80x32xbf16, #tpu.memory_space<vmem>>, %arg8: memref<80x32xbf16, #tpu.memory_space<vmem>>, %arg9: memref<80x32xbf16, #tpu.memory_space<vmem>>, %arg10: memref<80x32xbf16, #tpu.memory_space<vmem>>, %arg11: memref<80x32xbf16, #tpu.memory_space<vmem>>, %arg12: memref<10000x32xbf16, #tpu.memory_space<vmem_shared>>, %arg13: memref<!tpu.dma_semaphore, #tpu.memory_space<semaphore_mem>>, %arg14: memref<!tpu.dma_semaphore, #tpu.memory_space<semaphore_mem>>, %arg15: memref<!tpu.dma_semaphore, #tpu.memory_space<semaphore_mem>>, %arg16: memref<!tpu.dma_semaphore, #tpu.memory_space<semaphore_mem>>, %arg17: memref<!tpu.dma_semaphore, #tpu.memory_space<semaphore_mem>>) attributes {dimension_semantics = [#tpu.dimension_semantics<core_parallel>, #tpu.dimension_semantics<subcore_parallel>], iteration_bounds = array<i64: 2, 16>, scalar_prefetch = 0 : i64, scratch_operands = 13 : i64, tpu.core_type = #tpu.core_type<sc_vector_subcore>, window_params = [{transform_indices = #map}, {transform_indices = #map1}, {transform_indices = #map1}]} {
    %mul3A = arith.constant 2 : i32
    %mul3A_0 = arith.muli %arg1, %mul3A : i32
    %add3A = arith.addi %mul3A_0, %arg0 : i32
    %mul3A_1 = arith.constant 125 : i32
    %mul3A_2 = arith.muli %add3A, %mul3A_1 : i32
    %run_scoped3A = arith.constant 0 : i32
    "tpu.region"() ({
      %run_scoped3A_31 = tpu.sem_alloc : memref<!tpu.dma_semaphore, #tpu.memory_space<semaphore_mem>>
      %dma_start3A = arith.constant 0 : i32
      %dma_start3A_32 = tpu.memref_slice %arg3[%run_scoped3A, %mul3A_2, %dma_start3A] : memref<2x4000x80xi32, #tpu.memory_space<hbm>> -> memref<1x125x80xi32, #tpu.memory_space<hbm>>
      %dma_start3A_33 = tpu.memref_squeeze %dma_start3A_32 : memref<1x125x80xi32, #tpu.memory_space<hbm>> -> memref<125x80xi32, #tpu.memory_space<hbm>>
      %dma_start3A_34 = arith.constant 0 : i32
      %dma_start3A_35 = tpu.memref_slice %arg3[%run_scoped3A, %mul3A_2, %dma_start3A_34] : memref<2x4000x80xi32, #tpu.memory_space<hbm>> -> memref<1x125x80xi32, #tpu.memory_space<hbm>>
      %dma_start3A_36 = tpu.memref_squeeze %dma_start3A_35 : memref<1x125x80xi32, #tpu.memory_space<hbm>> -> memref<125x80xi32, #tpu.memory_space<hbm>>
      tpu.enqueue_dma source(%dma_start3A_36 : memref<125x80xi32, #tpu.memory_space<hbm>>) target(%arg5 : memref<125x80xi32, #tpu.memory_space<vmem>>) target_semaphore(%run_scoped3A_31 : memref<!tpu.dma_semaphore, #tpu.memory_space<semaphore_mem>>)
      %dma_wait3A = arith.constant 0 : i32
      %dma_wait3A_37 = tpu.memref_slice %arg3[%run_scoped3A, %mul3A_2, %dma_wait3A] : memref<2x4000x80xi32, #tpu.memory_space<hbm>> -> memref<1x125x80xi32, #tpu.memory_space<hbm>>
      %dma_wait3A_38 = tpu.memref_squeeze %dma_wait3A_37 : memref<1x125x80xi32, #tpu.memory_space<hbm>> -> memref<125x80xi32, #tpu.memory_space<hbm>>
      %dma_wait3A_39 = arith.constant 0 : i32
      %dma_wait3A_40 = tpu.memref_slice %arg3[%run_scoped3A, %mul3A_2, %dma_wait3A_39] : memref<2x4000x80xi32, #tpu.memory_space<hbm>> -> memref<1x125x80xi32, #tpu.memory_space<hbm>>
      %dma_wait3A_41 = tpu.memref_squeeze %dma_wait3A_40 : memref<1x125x80xi32, #tpu.memory_space<hbm>> -> memref<125x80xi32, #tpu.memory_space<hbm>>
      tpu.wait_dma2 semaphore(%run_scoped3A_31 : memref<!tpu.dma_semaphore, #tpu.memory_space<semaphore_mem>>) src(%dma_wait3A_41 : memref<125x80xi32, #tpu.memory_space<hbm>>) dst(%arg5 : memref<125x80xi32, #tpu.memory_space<vmem>>)
      tpu.yield
    }) : () -> ()
    %mul3A_3 = arith.constant 125 : i32
    %mul3A_4 = arith.muli %add3A, %mul3A_3 : i32
    %run_scoped3A_5 = arith.constant 1 : i32
    "tpu.region"() ({
      %run_scoped3A_31 = tpu.sem_alloc : memref<!tpu.dma_semaphore, #tpu.memory_space<semaphore_mem>>
      %dma_start3A = arith.constant 0 : i32
      %dma_start3A_32 = tpu.memref_slice %arg3[%run_scoped3A_5, %mul3A_4, %dma_start3A] : memref<2x4000x80xi32, #tpu.memory_space<hbm>> -> memref<1x125x80xi32, #tpu.memory_space<hbm>>
      %dma_start3A_33 = tpu.memref_squeeze %dma_start3A_32 : memref<1x125x80xi32, #tpu.memory_space<hbm>> -> memref<125x80xi32, #tpu.memory_space<hbm>>
      %dma_start3A_34 = arith.constant 0 : i32
      %dma_start3A_35 = tpu.memref_slice %arg3[%run_scoped3A_5, %mul3A_4, %dma_start3A_34] : memref<2x4000x80xi32, #tpu.memory_space<hbm>> -> memref<1x125x80xi32, #tpu.memory_space<hbm>>
      %dma_start3A_36 = tpu.memref_squeeze %dma_start3A_35 : memref<1x125x80xi32, #tpu.memory_space<hbm>> -> memref<125x80xi32, #tpu.memory_space<hbm>>
      tpu.enqueue_dma source(%dma_start3A_36 : memref<125x80xi32, #tpu.memory_space<hbm>>) target(%arg6 : memref<125x80xi32, #tpu.memory_space<vmem>>) target_semaphore(%run_scoped3A_31 : memref<!tpu.dma_semaphore, #tpu.memory_space<semaphore_mem>>)
      %dma_wait3A = arith.constant 0 : i32
      %dma_wait3A_37 = tpu.memref_slice %arg3[%run_scoped3A_5, %mul3A_4, %dma_wait3A] : memref<2x4000x80xi32, #tpu.memory_space<hbm>> -> memref<1x125x80xi32, #tpu.memory_space<hbm>>
      %dma_wait3A_38 = tpu.memref_squeeze %dma_wait3A_37 : memref<1x125x80xi32, #tpu.memory_space<hbm>> -> memref<125x80xi32, #tpu.memory_space<hbm>>
      %dma_wait3A_39 = arith.constant 0 : i32
      %dma_wait3A_40 = tpu.memref_slice %arg3[%run_scoped3A_5, %mul3A_4, %dma_wait3A_39] : memref<2x4000x80xi32, #tpu.memory_space<hbm>> -> memref<1x125x80xi32, #tpu.memory_space<hbm>>
      %dma_wait3A_41 = tpu.memref_squeeze %dma_wait3A_40 : memref<1x125x80xi32, #tpu.memory_space<hbm>> -> memref<125x80xi32, #tpu.memory_space<hbm>>
      tpu.wait_dma2 semaphore(%run_scoped3A_31 : memref<!tpu.dma_semaphore, #tpu.memory_space<semaphore_mem>>) src(%dma_wait3A_41 : memref<125x80xi32, #tpu.memory_space<hbm>>) dst(%arg6 : memref<125x80xi32, #tpu.memory_space<vmem>>)
      tpu.yield
    }) : () -> ()
    %broadcast_in_dim3A = arith.constant 0.000000e+00 : bf16
    %broadcast_in_dim3A_6 = vector.broadcast %broadcast_in_dim3A : bf16 to vector<32xbf16>
    %scan3A = arith.constant 0 : i32
    %scan3A_7 = arith.constant 0 : i32
    %scan3A_8 = arith.constant 80 : i32
    %scan3A_9 = arith.addi %scan3A_7, %scan3A_8 : i32
    %scan3A_10 = arith.constant 1 : i32
    scf.for %scan3A_31 = %scan3A_7 to %scan3A_9 step %scan3A_10  : i32 {
      %jit3A = arith.constant 1 : i32
      %div3A = arith.divsi %scan3A_31, %jit3A : i32
      %sign3A = arith.constant 0 : i32
      %sign3A_32 = arith.cmpi sgt, %scan3A_31, %sign3A : i32
      %sign3A_33 = arith.extui %sign3A_32 : i1 to i32
      %sign3A_34 = arith.constant 0 : i32
      %sign3A_35 = arith.cmpi slt, %scan3A_31, %sign3A_34 : i32
      %sign3A_36 = arith.extui %sign3A_35 : i1 to i32
      %sign3A_37 = arith.subi %sign3A_33, %sign3A_36 : i32
      %sign3A_38 = arith.constant 0 : i32
      %sign3A_39 = arith.cmpi sgt, %jit3A, %sign3A_38 : i32
      %sign3A_40 = arith.extui %sign3A_39 : i1 to i32
      %sign3A_41 = arith.constant 0 : i32
      %sign3A_42 = arith.cmpi slt, %jit3A, %sign3A_41 : i32
      %sign3A_43 = arith.extui %sign3A_42 : i1 to i32
      %sign3A_44 = arith.subi %sign3A_40, %sign3A_43 : i32
      %ne3A = arith.cmpi ne, %sign3A_37, %sign3A_44 : i32
      %rem3A = arith.remsi %scan3A_31, %jit3A : i32
      %ne3A_45 = arith.constant 0 : i32
      %ne3A_46 = arith.cmpi ne, %rem3A, %ne3A_45 : i32
      %and3A = arith.andi %ne3A, %ne3A_46 : i1
      %sub3A = arith.constant 1 : i32
      %sub3A_47 = arith.subi %div3A, %sub3A : i32
      %select_n3A = arith.select %and3A, %sub3A_47, %div3A : i32
      %jit3A_48 = arith.constant 1 : i32
      %eq3A = arith.constant 0 : i32
      %eq3A_49 = arith.cmpi eq, %jit3A_48, %eq3A : i32
      %jit3A_50 = arith.constant 1 : i32
      %select_n3A_51 = arith.select %eq3A_49, %jit3A_50, %jit3A_48 : i32
      %rem3A_52 = arith.remsi %scan3A_31, %select_n3A_51 : i32
      %ne3A_53 = arith.constant 0 : i32
      %ne3A_54 = arith.cmpi ne, %rem3A_52, %ne3A_53 : i32
      %lt3A = arith.constant 0 : i32
      %lt3A_55 = arith.cmpi slt, %rem3A_52, %lt3A : i32
      %lt3A_56 = arith.constant 0 : i32
      %lt3A_57 = arith.cmpi slt, %select_n3A_51, %lt3A_56 : i32
      %ne3A_58 = arith.xori %lt3A_55, %lt3A_57 : i1
      %and3A_59 = arith.andi %ne3A_58, %ne3A_54 : i1
      %add3A_60 = arith.addi %rem3A_52, %select_n3A_51 : i32
      %select_n3A_61 = arith.select %and3A_59, %add3A_60, %rem3A_52 : i32
      %mul3A_62 = arith.constant 32 : i32
      %mul3A_63 = arith.muli %select_n3A_61, %mul3A_62 : i32
      %swap3A = arith.index_cast %select_n3A : i32 to index
      %swap3A_64 = arith.index_cast %mul3A_63 : i32 to index
      %swap3A_65 = tpu.vector_load %arg7[%swap3A, %swap3A_64] {strides = array<i32>} : memref<80x32xbf16, #tpu.memory_space<vmem>>, vector<1x32xbf16>,
      %swap3A_66 = vector.shape_cast %swap3A_65 : vector<1x32xbf16> to vector<32xbf16>
      %swap3A_67 = vector.shape_cast %broadcast_in_dim3A_6 : vector<32xbf16> to vector<1x32xbf16>
      tpu.vector_store %arg7[%swap3A, %swap3A_64], %swap3A_67 {strides = array<i32>} : memref<80x32xbf16, #tpu.memory_space<vmem>>, vector<1x32xbf16>,
    }
    %scan3A_11 = arith.constant 80 : i32
    %scan3A_12 = arith.constant 0 : i32
    %scan3A_13 = arith.constant 0 : i32
    %scan3A_14 = arith.constant 8 : i32
    %scan3A_15 = arith.addi %scan3A_13, %scan3A_14 : i32
    %scan3A_16 = arith.constant 1 : i32
    scf.for %scan3A_31 = %scan3A_13 to %scan3A_15 step %scan3A_16  : i32 {
      %mul3A_32 = arith.constant 16 : i32
      %mul3A_33 = arith.muli %scan3A_31, %mul3A_32 : i32
      %add3A_34 = arith.addi %arg1, %mul3A_33 : i32
      %lt3A = arith.constant 125 : i32
      %lt3A_35 = arith.cmpi slt, %add3A_34, %lt3A : i32
      %convert_element_type3A = arith.extui %lt3A_35 : i1 to i32
      %cond3A = arith.constant 0 : i32
      %cond3A_36 = arith.cmpi ne, %convert_element_type3A, %cond3A : i32
      scf.if %cond3A_36 {
        %mul3A_37 = arith.constant 80 : i32
        %mul3A_38 = arith.muli %add3A_34, %mul3A_37 : i32
        "tpu.region"() ({
          %run_scoped3A_39 = tpu.sem_alloc : memref<!tpu.dma_semaphore, #tpu.memory_space<semaphore_mem>>
          %dma_start3A = arith.constant 0 : i32
          %dma_start3A_40 = tpu.memref_slice %arg12[%mul3A_38, %dma_start3A] : memref<10000x32xbf16, #tpu.memory_space<vmem_shared>> -> memref<80x32xbf16, #tpu.memory_space<vmem_shared>>
          %dma_start3A_41 = arith.constant 0 : i32
          %dma_start3A_42 = tpu.memref_slice %arg12[%mul3A_38, %dma_start3A_41] : memref<10000x32xbf16, #tpu.memory_space<vmem_shared>> -> memref<80x32xbf16, #tpu.memory_space<vmem_shared>>
          tpu.enqueue_dma source(%arg7 : memref<80x32xbf16, #tpu.memory_space<vmem>>) target(%dma_start3A_42 : memref<80x32xbf16, #tpu.memory_space<vmem_shared>>) target_semaphore(%run_scoped3A_39 : memref<!tpu.dma_semaphore, #tpu.memory_space<semaphore_mem>>)
          %dma_wait3A = arith.constant 0 : i32
          %dma_wait3A_43 = tpu.memref_slice %arg12[%mul3A_38, %dma_wait3A] : memref<10000x32xbf16, #tpu.memory_space<vmem_shared>> -> memref<80x32xbf16, #tpu.memory_space<vmem_shared>>
          %dma_wait3A_44 = arith.constant 0 : i32
          %dma_wait3A_45 = tpu.memref_slice %arg12[%mul3A_38, %dma_wait3A_44] : memref<10000x32xbf16, #tpu.memory_space<vmem_shared>> -> memref<80x32xbf16, #tpu.memory_space<vmem_shared>>
          tpu.wait_dma2 semaphore(%run_scoped3A_39 : memref<!tpu.dma_semaphore, #tpu.memory_space<semaphore_mem>>) src(%arg7 : memref<80x32xbf16, #tpu.memory_space<vmem>>) dst(%dma_wait3A_45 : memref<80x32xbf16, #tpu.memory_space<vmem_shared>>)
          tpu.yield
        }) : () -> ()
      } else {
      }
    }
    %scan3A_17 = arith.constant 8 : i32
    %barrier3A = arith.constant 0 : index
    tpu.barrier barrier_id(%barrier3A)
    %scan3A_18 = arith.constant 0 : i32
    %scan3A_19 = arith.constant 0 : i32
    %scan3A_20 = arith.constant 25 : i32
    %scan3A_21 = arith.addi %scan3A_19, %scan3A_20 : i32
    %scan3A_22 = arith.constant 1 : i32
    scf.for %scan3A_31 = %scan3A_19 to %scan3A_21 step %scan3A_22  : i32 {
      %mul3A_32 = arith.constant 5 : i32
      %mul3A_33 = arith.muli %scan3A_31, %mul3A_32 : i32
      %add3A_34 = arith.constant 0 : i32
      %add3A_35 = arith.addi %mul3A_33, %add3A_34 : i32
      %dma_start3A = arith.constant 0 : i32
      %dma_start3A_36 = tpu.memref_slice %arg5[%add3A_35, %dma_start3A] : memref<125x80xi32, #tpu.memory_space<vmem>> -> memref<1x80xi32, #tpu.memory_space<vmem>>
      %dma_start3A_37 = tpu.memref_squeeze %dma_start3A_36 : memref<1x80xi32, #tpu.memory_space<vmem>> -> memref<80xi32, #tpu.memory_space<vmem>>
      %dma_start3A_38 = arith.constant 0 : i32
      %dma_start3A_39 = arith.constant 0 : i32
      %dma_start3A_40 = tpu.memref_slice %arg2[%dma_start3A_38, %dma_start3A_39] : memref<10000x32xbf16, #tpu.memory_space<hbm>> -> memref<10000x32xbf16, #tpu.memory_space<hbm>>
      tpu.enqueue_indirect_dma source(%dma_start3A_40 : memref<10000x32xbf16, #tpu.memory_space<hbm>>) target(%arg7 : memref<80x32xbf16, #tpu.memory_space<vmem>>) offsets(%dma_start3A_37 : memref<80xi32, #tpu.memory_space<vmem>>) semaphore(%arg13 : memref<!tpu.dma_semaphore, #tpu.memory_space<semaphore_mem>>)
      %add3A_41 = arith.constant 1 : i32
      %add3A_42 = arith.addi %mul3A_33, %add3A_41 : i32
      %dma_start3A_43 = arith.constant 0 : i32
      %dma_start3A_44 = tpu.memref_slice %arg5[%add3A_42, %dma_start3A_43] : memref<125x80xi32, #tpu.memory_space<vmem>> -> memref<1x80xi32, #tpu.memory_space<vmem>>
      %dma_start3A_45 = tpu.memref_squeeze %dma_start3A_44 : memref<1x80xi32, #tpu.memory_space<vmem>> -> memref<80xi32, #tpu.memory_space<vmem>>
      %dma_start3A_46 = arith.constant 0 : i32
      %dma_start3A_47 = arith.constant 0 : i32
      %dma_start3A_48 = tpu.memref_slice %arg2[%dma_start3A_46, %dma_start3A_47] : memref<10000x32xbf16, #tpu.memory_space<hbm>> -> memref<10000x32xbf16, #tpu.memory_space<hbm>>
      tpu.enqueue_indirect_dma source(%dma_start3A_48 : memref<10000x32xbf16, #tpu.memory_space<hbm>>) target(%arg8 : memref<80x32xbf16, #tpu.memory_space<vmem>>) offsets(%dma_start3A_45 : memref<80xi32, #tpu.memory_space<vmem>>) semaphore(%arg14 : memref<!tpu.dma_semaphore, #tpu.memory_space<semaphore_mem>>)
      %add3A_49 = arith.constant 2 : i32
      %add3A_50 = arith.addi %mul3A_33, %add3A_49 : i32
      %dma_start3A_51 = arith.constant 0 : i32
      %dma_start3A_52 = tpu.memref_slice %arg5[%add3A_50, %dma_start3A_51] : memref<125x80xi32, #tpu.memory_space<vmem>> -> memref<1x80xi32, #tpu.memory_space<vmem>>
      %dma_start3A_53 = tpu.memref_squeeze %dma_start3A_52 : memref<1x80xi32, #tpu.memory_space<vmem>> -> memref<80xi32, #tpu.memory_space<vmem>>
      %dma_start3A_54 = arith.constant 0 : i32
      %dma_start3A_55 = arith.constant 0 : i32
      %dma_start3A_56 = tpu.memref_slice %arg2[%dma_start3A_54, %dma_start3A_55] : memref<10000x32xbf16, #tpu.memory_space<hbm>> -> memref<10000x32xbf16, #tpu.memory_space<hbm>>
      tpu.enqueue_indirect_dma source(%dma_start3A_56 : memref<10000x32xbf16, #tpu.memory_space<hbm>>) target(%arg9 : memref<80x32xbf16, #tpu.memory_space<vmem>>) offsets(%dma_start3A_53 : memref<80xi32, #tpu.memory_space<vmem>>) semaphore(%arg15 : memref<!tpu.dma_semaphore, #tpu.memory_space<semaphore_mem>>)
      %add3A_57 = arith.constant 3 : i32
      %add3A_58 = arith.addi %mul3A_33, %add3A_57 : i32
      %dma_start3A_59 = arith.constant 0 : i32
      %dma_start3A_60 = tpu.memref_slice %arg5[%add3A_58, %dma_start3A_59] : memref<125x80xi32, #tpu.memory_space<vmem>> -> memref<1x80xi32, #tpu.memory_space<vmem>>
      %dma_start3A_61 = tpu.memref_squeeze %dma_start3A_60 : memref<1x80xi32, #tpu.memory_space<vmem>> -> memref<80xi32, #tpu.memory_space<vmem>>
      %dma_start3A_62 = arith.constant 0 : i32
      %dma_start3A_63 = arith.constant 0 : i32
      %dma_start3A_64 = tpu.memref_slice %arg2[%dma_start3A_62, %dma_start3A_63] : memref<10000x32xbf16, #tpu.memory_space<hbm>> -> memref<10000x32xbf16, #tpu.memory_space<hbm>>
      tpu.enqueue_indirect_dma source(%dma_start3A_64 : memref<10000x32xbf16, #tpu.memory_space<hbm>>) target(%arg10 : memref<80x32xbf16, #tpu.memory_space<vmem>>) offsets(%dma_start3A_61 : memref<80xi32, #tpu.memory_space<vmem>>) semaphore(%arg16 : memref<!tpu.dma_semaphore, #tpu.memory_space<semaphore_mem>>)
      %add3A_65 = arith.constant 4 : i32
      %add3A_66 = arith.addi %mul3A_33, %add3A_65 : i32
      %dma_start3A_67 = arith.constant 0 : i32
      %dma_start3A_68 = tpu.memref_slice %arg5[%add3A_66, %dma_start3A_67] : memref<125x80xi32, #tpu.memory_space<vmem>> -> memref<1x80xi32, #tpu.memory_space<vmem>>
      %dma_start3A_69 = tpu.memref_squeeze %dma_start3A_68 : memref<1x80xi32, #tpu.memory_space<vmem>> -> memref<80xi32, #tpu.memory_space<vmem>>
      %dma_start3A_70 = arith.constant 0 : i32
      %dma_start3A_71 = arith.constant 0 : i32
      %dma_start3A_72 = tpu.memref_slice %arg2[%dma_start3A_70, %dma_start3A_71] : memref<10000x32xbf16, #tpu.memory_space<hbm>> -> memref<10000x32xbf16, #tpu.memory_space<hbm>>
      tpu.enqueue_indirect_dma source(%dma_start3A_72 : memref<10000x32xbf16, #tpu.memory_space<hbm>>) target(%arg11 : memref<80x32xbf16, #tpu.memory_space<vmem>>) offsets(%dma_start3A_69 : memref<80xi32, #tpu.memory_space<vmem>>) semaphore(%arg17 : memref<!tpu.dma_semaphore, #tpu.memory_space<semaphore_mem>>)
      %dma_wait3A = arith.constant 0 : i32
      %dma_wait3A_73 = tpu.memref_slice %arg5[%add3A_35, %dma_wait3A] : memref<125x80xi32, #tpu.memory_space<vmem>> -> memref<1x80xi32, #tpu.memory_space<vmem>>
      %dma_wait3A_74 = tpu.memref_squeeze %dma_wait3A_73 : memref<1x80xi32, #tpu.memory_space<vmem>> -> memref<80xi32, #tpu.memory_space<vmem>>
      %dma_wait3A_75 = arith.constant 0 : i32
      %dma_wait3A_76 = arith.constant 0 : i32
      %dma_wait3A_77 = tpu.memref_slice %arg2[%dma_wait3A_75, %dma_wait3A_76] : memref<10000x32xbf16, #tpu.memory_space<hbm>> -> memref<10000x32xbf16, #tpu.memory_space<hbm>>
      tpu.wait_indirect_dma semaphore(%arg13 : memref<!tpu.dma_semaphore, #tpu.memory_space<semaphore_mem>>) src(%dma_wait3A_77 : memref<10000x32xbf16, #tpu.memory_space<hbm>>) dst(%arg7 : memref<80x32xbf16, #tpu.memory_space<vmem>>)
      %add3A_78 = arith.constant 0 : i32
      %add3A_79 = arith.addi %mul3A_33, %add3A_78 : i32
      "tpu.region"() ({
        %run_scoped3A_112 = tpu.sem_alloc : memref<!tpu.dma_semaphore, #tpu.memory_space<semaphore_mem>>
        %dma_start3A_113 = arith.constant 0 : i32
        %dma_start3A_114 = tpu.memref_slice %arg6[%add3A_79, %dma_start3A_113] : memref<125x80xi32, #tpu.memory_space<vmem>> -> memref<1x80xi32, #tpu.memory_space<vmem>>
        %dma_start3A_115 = tpu.memref_squeeze %dma_start3A_114 : memref<1x80xi32, #tpu.memory_space<vmem>> -> memref<80xi32, #tpu.memory_space<vmem>>
        %dma_start3A_116 = arith.constant 0 : i32
        %dma_start3A_117 = arith.constant 0 : i32
        %dma_start3A_118 = tpu.memref_slice %arg12[%dma_start3A_116, %dma_start3A_117] : memref<10000x32xbf16, #tpu.memory_space<vmem_shared>> -> memref<10000x32xbf16, #tpu.memory_space<vmem_shared>>
        tpu.enqueue_indirect_dma source(%arg7 : memref<80x32xbf16, #tpu.memory_space<vmem>>) target(%dma_start3A_118 : memref<10000x32xbf16, #tpu.memory_space<vmem_shared>>) offsets(%dma_start3A_115 : memref<80xi32, #tpu.memory_space<vmem>>) semaphore(%run_scoped3A_112 : memref<!tpu.dma_semaphore, #tpu.memory_space<semaphore_mem>>) {add = true}
        %dma_wait3A_119 = arith.constant 0 : i32
        %dma_wait3A_120 = tpu.memref_slice %arg6[%add3A_79, %dma_wait3A_119] : memref<125x80xi32, #tpu.memory_space<vmem>> -> memref<1x80xi32, #tpu.memory_space<vmem>>
        %dma_wait3A_121 = tpu.memref_squeeze %dma_wait3A_120 : memref<1x80xi32, #tpu.memory_space<vmem>> -> memref<80xi32, #tpu.memory_space<vmem>>
        %dma_wait3A_122 = arith.constant 0 : i32
        %dma_wait3A_123 = arith.constant 0 : i32
        %dma_wait3A_124 = tpu.memref_slice %arg12[%dma_wait3A_122, %dma_wait3A_123] : memref<10000x32xbf16, #tpu.memory_space<vmem_shared>> -> memref<10000x32xbf16, #tpu.memory_space<vmem_shared>>
        tpu.wait_indirect_dma semaphore(%run_scoped3A_112 : memref<!tpu.dma_semaphore, #tpu.memory_space<semaphore_mem>>) src(%arg7 : memref<80x32xbf16, #tpu.memory_space<vmem>>) dst(%dma_wait3A_124 : memref<10000x32xbf16, #tpu.memory_space<vmem_shared>>)
        tpu.yield
      }) : () -> ()
      %dma_wait3A_80 = arith.constant 0 : i32
      %dma_wait3A_81 = tpu.memref_slice %arg5[%add3A_42, %dma_wait3A_80] : memref<125x80xi32, #tpu.memory_space<vmem>> -> memref<1x80xi32, #tpu.memory_space<vmem>>
      %dma_wait3A_82 = tpu.memref_squeeze %dma_wait3A_81 : memref<1x80xi32, #tpu.memory_space<vmem>> -> memref<80xi32, #tpu.memory_space<vmem>>
      %dma_wait3A_83 = arith.constant 0 : i32
      %dma_wait3A_84 = arith.constant 0 : i32
      %dma_wait3A_85 = tpu.memref_slice %arg2[%dma_wait3A_83, %dma_wait3A_84] : memref<10000x32xbf16, #tpu.memory_space<hbm>> -> memref<10000x32xbf16, #tpu.memory_space<hbm>>
      tpu.wait_indirect_dma semaphore(%arg14 : memref<!tpu.dma_semaphore, #tpu.memory_space<semaphore_mem>>) src(%dma_wait3A_85 : memref<10000x32xbf16, #tpu.memory_space<hbm>>) dst(%arg8 : memref<80x32xbf16, #tpu.memory_space<vmem>>)
      %add3A_86 = arith.constant 1 : i32
      %add3A_87 = arith.addi %mul3A_33, %add3A_86 : i32
      "tpu.region"() ({
        %run_scoped3A_112 = tpu.sem_alloc : memref<!tpu.dma_semaphore, #tpu.memory_space<semaphore_mem>>
        %dma_start3A_113 = arith.constant 0 : i32
        %dma_start3A_114 = tpu.memref_slice %arg6[%add3A_87, %dma_start3A_113] : memref<125x80xi32, #tpu.memory_space<vmem>> -> memref<1x80xi32, #tpu.memory_space<vmem>>
        %dma_start3A_115 = tpu.memref_squeeze %dma_start3A_114 : memref<1x80xi32, #tpu.memory_space<vmem>> -> memref<80xi32, #tpu.memory_space<vmem>>
        %dma_start3A_116 = arith.constant 0 : i32
        %dma_start3A_117 = arith.constant 0 : i32
        %dma_start3A_118 = tpu.memref_slice %arg12[%dma_start3A_116, %dma_start3A_117] : memref<10000x32xbf16, #tpu.memory_space<vmem_shared>> -> memref<10000x32xbf16, #tpu.memory_space<vmem_shared>>
        tpu.enqueue_indirect_dma source(%arg8 : memref<80x32xbf16, #tpu.memory_space<vmem>>) target(%dma_start3A_118 : memref<10000x32xbf16, #tpu.memory_space<vmem_shared>>) offsets(%dma_start3A_115 : memref<80xi32, #tpu.memory_space<vmem>>) semaphore(%run_scoped3A_112 : memref<!tpu.dma_semaphore, #tpu.memory_space<semaphore_mem>>) {add = true}
        %dma_wait3A_119 = arith.constant 0 : i32
        %dma_wait3A_120 = tpu.memref_slice %arg6[%add3A_87, %dma_wait3A_119] : memref<125x80xi32, #tpu.memory_space<vmem>> -> memref<1x80xi32, #tpu.memory_space<vmem>>
        %dma_wait3A_121 = tpu.memref_squeeze %dma_wait3A_120 : memref<1x80xi32, #tpu.memory_space<vmem>> -> memref<80xi32, #tpu.memory_space<vmem>>
        %dma_wait3A_122 = arith.constant 0 : i32
        %dma_wait3A_123 = arith.constant 0 : i32
        %dma_wait3A_124 = tpu.memref_slice %arg12[%dma_wait3A_122, %dma_wait3A_123] : memref<10000x32xbf16, #tpu.memory_space<vmem_shared>> -> memref<10000x32xbf16, #tpu.memory_space<vmem_shared>>
        tpu.wait_indirect_dma semaphore(%run_scoped3A_112 : memref<!tpu.dma_semaphore, #tpu.memory_space<semaphore_mem>>) src(%arg8 : memref<80x32xbf16, #tpu.memory_space<vmem>>) dst(%dma_wait3A_124 : memref<10000x32xbf16, #tpu.memory_space<vmem_shared>>)
        tpu.yield
      }) : () -> ()
      %dma_wait3A_88 = arith.constant 0 : i32
      %dma_wait3A_89 = tpu.memref_slice %arg5[%add3A_50, %dma_wait3A_88] : memref<125x80xi32, #tpu.memory_space<vmem>> -> memref<1x80xi32, #tpu.memory_space<vmem>>
      %dma_wait3A_90 = tpu.memref_squeeze %dma_wait3A_89 : memref<1x80xi32, #tpu.memory_space<vmem>> -> memref<80xi32, #tpu.memory_space<vmem>>
      %dma_wait3A_91 = arith.constant 0 : i32
      %dma_wait3A_92 = arith.constant 0 : i32
      %dma_wait3A_93 = tpu.memref_slice %arg2[%dma_wait3A_91, %dma_wait3A_92] : memref<10000x32xbf16, #tpu.memory_space<hbm>> -> memref<10000x32xbf16, #tpu.memory_space<hbm>>
      tpu.wait_indirect_dma semaphore(%arg15 : memref<!tpu.dma_semaphore, #tpu.memory_space<semaphore_mem>>) src(%dma_wait3A_93 : memref<10000x32xbf16, #tpu.memory_space<hbm>>) dst(%arg9 : memref<80x32xbf16, #tpu.memory_space<vmem>>)
      %add3A_94 = arith.constant 2 : i32
      %add3A_95 = arith.addi %mul3A_33, %add3A_94 : i32
      "tpu.region"() ({
        %run_scoped3A_112 = tpu.sem_alloc : memref<!tpu.dma_semaphore, #tpu.memory_space<semaphore_mem>>
        %dma_start3A_113 = arith.constant 0 : i32
        %dma_start3A_114 = tpu.memref_slice %arg6[%add3A_95, %dma_start3A_113] : memref<125x80xi32, #tpu.memory_space<vmem>> -> memref<1x80xi32, #tpu.memory_space<vmem>>
        %dma_start3A_115 = tpu.memref_squeeze %dma_start3A_114 : memref<1x80xi32, #tpu.memory_space<vmem>> -> memref<80xi32, #tpu.memory_space<vmem>>
        %dma_start3A_116 = arith.constant 0 : i32
        %dma_start3A_117 = arith.constant 0 : i32
        %dma_start3A_118 = tpu.memref_slice %arg12[%dma_start3A_116, %dma_start3A_117] : memref<10000x32xbf16, #tpu.memory_space<vmem_shared>> -> memref<10000x32xbf16, #tpu.memory_space<vmem_shared>>
        tpu.enqueue_indirect_dma source(%arg9 : memref<80x32xbf16, #tpu.memory_space<vmem>>) target(%dma_start3A_118 : memref<10000x32xbf16, #tpu.memory_space<vmem_shared>>) offsets(%dma_start3A_115 : memref<80xi32, #tpu.memory_space<vmem>>) semaphore(%run_scoped3A_112 : memref<!tpu.dma_semaphore, #tpu.memory_space<semaphore_mem>>) {add = true}
        %dma_wait3A_119 = arith.constant 0 : i32
        %dma_wait3A_120 = tpu.memref_slice %arg6[%add3A_95, %dma_wait3A_119] : memref<125x80xi32, #tpu.memory_space<vmem>> -> memref<1x80xi32, #tpu.memory_space<vmem>>
        %dma_wait3A_121 = tpu.memref_squeeze %dma_wait3A_120 : memref<1x80xi32, #tpu.memory_space<vmem>> -> memref<80xi32, #tpu.memory_space<vmem>>
        %dma_wait3A_122 = arith.constant 0 : i32
        %dma_wait3A_123 = arith.constant 0 : i32
        %dma_wait3A_124 = tpu.memref_slice %arg12[%dma_wait3A_122, %dma_wait3A_123] : memref<10000x32xbf16, #tpu.memory_space<vmem_shared>> -> memref<10000x32xbf16, #tpu.memory_space<vmem_shared>>
        tpu.wait_indirect_dma semaphore(%run_scoped3A_112 : memref<!tpu.dma_semaphore, #tpu.memory_space<semaphore_mem>>) src(%arg9 : memref<80x32xbf16, #tpu.memory_space<vmem>>) dst(%dma_wait3A_124 : memref<10000x32xbf16, #tpu.memory_space<vmem_shared>>)
        tpu.yield
      }) : () -> ()
      %dma_wait3A_96 = arith.constant 0 : i32
      %dma_wait3A_97 = tpu.memref_slice %arg5[%add3A_58, %dma_wait3A_96] : memref<125x80xi32, #tpu.memory_space<vmem>> -> memref<1x80xi32, #tpu.memory_space<vmem>>
      %dma_wait3A_98 = tpu.memref_squeeze %dma_wait3A_97 : memref<1x80xi32, #tpu.memory_space<vmem>> -> memref<80xi32, #tpu.memory_space<vmem>>
      %dma_wait3A_99 = arith.constant 0 : i32
      %dma_wait3A_100 = arith.constant 0 : i32
      %dma_wait3A_101 = tpu.memref_slice %arg2[%dma_wait3A_99, %dma_wait3A_100] : memref<10000x32xbf16, #tpu.memory_space<hbm>> -> memref<10000x32xbf16, #tpu.memory_space<hbm>>
      tpu.wait_indirect_dma semaphore(%arg16 : memref<!tpu.dma_semaphore, #tpu.memory_space<semaphore_mem>>) src(%dma_wait3A_101 : memref<10000x32xbf16, #tpu.memory_space<hbm>>) dst(%arg10 : memref<80x32xbf16, #tpu.memory_space<vmem>>)
      %add3A_102 = arith.constant 3 : i32
      %add3A_103 = arith.addi %mul3A_33, %add3A_102 : i32
      "tpu.region"() ({
        %run_scoped3A_112 = tpu.sem_alloc : memref<!tpu.dma_semaphore, #tpu.memory_space<semaphore_mem>>
        %dma_start3A_113 = arith.constant 0 : i32
        %dma_start3A_114 = tpu.memref_slice %arg6[%add3A_103, %dma_start3A_113] : memref<125x80xi32, #tpu.memory_space<vmem>> -> memref<1x80xi32, #tpu.memory_space<vmem>>
        %dma_start3A_115 = tpu.memref_squeeze %dma_start3A_114 : memref<1x80xi32, #tpu.memory_space<vmem>> -> memref<80xi32, #tpu.memory_space<vmem>>
        %dma_start3A_116 = arith.constant 0 : i32
        %dma_start3A_117 = arith.constant 0 : i32
        %dma_start3A_118 = tpu.memref_slice %arg12[%dma_start3A_116, %dma_start3A_117] : memref<10000x32xbf16, #tpu.memory_space<vmem_shared>> -> memref<10000x32xbf16, #tpu.memory_space<vmem_shared>>
        tpu.enqueue_indirect_dma source(%arg10 : memref<80x32xbf16, #tpu.memory_space<vmem>>) target(%dma_start3A_118 : memref<10000x32xbf16, #tpu.memory_space<vmem_shared>>) offsets(%dma_start3A_115 : memref<80xi32, #tpu.memory_space<vmem>>) semaphore(%run_scoped3A_112 : memref<!tpu.dma_semaphore, #tpu.memory_space<semaphore_mem>>) {add = true}
        %dma_wait3A_119 = arith.constant 0 : i32
        %dma_wait3A_120 = tpu.memref_slice %arg6[%add3A_103, %dma_wait3A_119] : memref<125x80xi32, #tpu.memory_space<vmem>> -> memref<1x80xi32, #tpu.memory_space<vmem>>
        %dma_wait3A_121 = tpu.memref_squeeze %dma_wait3A_120 : memref<1x80xi32, #tpu.memory_space<vmem>> -> memref<80xi32, #tpu.memory_space<vmem>>
        %dma_wait3A_122 = arith.constant 0 : i32
        %dma_wait3A_123 = arith.constant 0 : i32
        %dma_wait3A_124 = tpu.memref_slice %arg12[%dma_wait3A_122, %dma_wait3A_123] : memref<10000x32xbf16, #tpu.memory_space<vmem_shared>> -> memref<10000x32xbf16, #tpu.memory_space<vmem_shared>>
        tpu.wait_indirect_dma semaphore(%run_scoped3A_112 : memref<!tpu.dma_semaphore, #tpu.memory_space<semaphore_mem>>) src(%arg10 : memref<80x32xbf16, #tpu.memory_space<vmem>>) dst(%dma_wait3A_124 : memref<10000x32xbf16, #tpu.memory_space<vmem_shared>>)
        tpu.yield
      }) : () -> ()
      %dma_wait3A_104 = arith.constant 0 : i32
      %dma_wait3A_105 = tpu.memref_slice %arg5[%add3A_66, %dma_wait3A_104] : memref<125x80xi32, #tpu.memory_space<vmem>> -> memref<1x80xi32, #tpu.memory_space<vmem>>
      %dma_wait3A_106 = tpu.memref_squeeze %dma_wait3A_105 : memref<1x80xi32, #tpu.memory_space<vmem>> -> memref<80xi32, #tpu.memory_space<vmem>>
      %dma_wait3A_107 = arith.constant 0 : i32
      %dma_wait3A_108 = arith.constant 0 : i32
      %dma_wait3A_109 = tpu.memref_slice %arg2[%dma_wait3A_107, %dma_wait3A_108] : memref<10000x32xbf16, #tpu.memory_space<hbm>> -> memref<10000x32xbf16, #tpu.memory_space<hbm>>
      tpu.wait_indirect_dma semaphore(%arg17 : memref<!tpu.dma_semaphore, #tpu.memory_space<semaphore_mem>>) src(%dma_wait3A_109 : memref<10000x32xbf16, #tpu.memory_space<hbm>>) dst(%arg11 : memref<80x32xbf16, #tpu.memory_space<vmem>>)
      %add3A_110 = arith.constant 4 : i32
      %add3A_111 = arith.addi %mul3A_33, %add3A_110 : i32
      "tpu.region"() ({
        %run_scoped3A_112 = tpu.sem_alloc : memref<!tpu.dma_semaphore, #tpu.memory_space<semaphore_mem>>
        %dma_start3A_113 = arith.constant 0 : i32
        %dma_start3A_114 = tpu.memref_slice %arg6[%add3A_111, %dma_start3A_113] : memref<125x80xi32, #tpu.memory_space<vmem>> -> memref<1x80xi32, #tpu.memory_space<vmem>>
        %dma_start3A_115 = tpu.memref_squeeze %dma_start3A_114 : memref<1x80xi32, #tpu.memory_space<vmem>> -> memref<80xi32, #tpu.memory_space<vmem>>
        %dma_start3A_116 = arith.constant 0 : i32
        %dma_start3A_117 = arith.constant 0 : i32
        %dma_start3A_118 = tpu.memref_slice %arg12[%dma_start3A_116, %dma_start3A_117] : memref<10000x32xbf16, #tpu.memory_space<vmem_shared>> -> memref<10000x32xbf16, #tpu.memory_space<vmem_shared>>
        tpu.enqueue_indirect_dma source(%arg11 : memref<80x32xbf16, #tpu.memory_space<vmem>>) target(%dma_start3A_118 : memref<10000x32xbf16, #tpu.memory_space<vmem_shared>>) offsets(%dma_start3A_115 : memref<80xi32, #tpu.memory_space<vmem>>) semaphore(%run_scoped3A_112 : memref<!tpu.dma_semaphore, #tpu.memory_space<semaphore_mem>>) {add = true}
        %dma_wait3A_119 = arith.constant 0 : i32
        %dma_wait3A_120 = tpu.memref_slice %arg6[%add3A_111, %dma_wait3A_119] : memref<125x80xi32, #tpu.memory_space<vmem>> -> memref<1x80xi32, #tpu.memory_space<vmem>>
        %dma_wait3A_121 = tpu.memref_squeeze %dma_wait3A_120 : memref<1x80xi32, #tpu.memory_space<vmem>> -> memref<80xi32, #tpu.memory_space<vmem>>
        %dma_wait3A_122 = arith.constant 0 : i32
        %dma_wait3A_123 = arith.constant 0 : i32
        %dma_wait3A_124 = tpu.memref_slice %arg12[%dma_wait3A_122, %dma_wait3A_123] : memref<10000x32xbf16, #tpu.memory_space<vmem_shared>> -> memref<10000x32xbf16, #tpu.memory_space<vmem_shared>>
        tpu.wait_indirect_dma semaphore(%run_scoped3A_112 : memref<!tpu.dma_semaphore, #tpu.memory_space<semaphore_mem>>) src(%arg11 : memref<80x32xbf16, #tpu.memory_space<vmem>>) dst(%dma_wait3A_124 : memref<10000x32xbf16, #tpu.memory_space<vmem_shared>>)
        tpu.yield
      }) : () -> ()
    }
    %scan3A_23 = arith.constant 25 : i32
    %barrier3A_24 = arith.constant 0 : index
    tpu.barrier barrier_id(%barrier3A_24)
    %scan3A_25 = arith.constant 0 : i32
    %scan3A_26 = arith.constant 0 : i32
    %scan3A_27 = arith.constant 4 : i32
    %scan3A_28 = arith.addi %scan3A_26, %scan3A_27 : i32
    %scan3A_29 = arith.constant 1 : i32
    scf.for %scan3A_31 = %scan3A_26 to %scan3A_28 step %scan3A_29  : i32 {
      %mul3A_32 = arith.constant 16 : i32
      %mul3A_33 = arith.muli %scan3A_31, %mul3A_32 : i32
      %add3A_34 = arith.addi %arg1, %mul3A_33 : i32
      %lt3A = arith.constant 50 : i32
      %lt3A_35 = arith.cmpi slt, %add3A_34, %lt3A : i32
      %convert_element_type3A = arith.extui %lt3A_35 : i1 to i32
      %cond3A = arith.constant 0 : i32
      %cond3A_36 = arith.cmpi ne, %convert_element_type3A, %cond3A : i32
      scf.if %cond3A_36 {
        %mul3A_37 = arith.constant 200 : i32
        %mul3A_38 = arith.muli %add3A_34, %mul3A_37 : i32
        %mul3A_39 = arith.constant 200 : i32
        %mul3A_40 = arith.muli %add3A_34, %mul3A_39 : i32
        "tpu.region"() ({
          %run_scoped3A_41 = tpu.sem_alloc : memref<!tpu.dma_semaphore, #tpu.memory_space<semaphore_mem>>
          %dma_start3A = arith.constant 0 : i32
          %dma_start3A_42 = tpu.memref_slice %arg4[%arg0, %mul3A_40, %dma_start3A] : memref<2x10000x32xbf16, #tpu.memory_space<hbm>> -> memref<1x200x32xbf16, #tpu.memory_space<hbm>>
          %dma_start3A_43 = tpu.memref_squeeze %dma_start3A_42 : memref<1x200x32xbf16, #tpu.memory_space<hbm>> -> memref<200x32xbf16, #tpu.memory_space<hbm>>
          %dma_start3A_44 = arith.constant 0 : i32
          %dma_start3A_45 = tpu.memref_slice %arg12[%mul3A_38, %dma_start3A_44] : memref<10000x32xbf16, #tpu.memory_space<vmem_shared>> -> memref<200x32xbf16, #tpu.memory_space<vmem_shared>>
          tpu.enqueue_dma source(%dma_start3A_45 : memref<200x32xbf16, #tpu.memory_space<vmem_shared>>) target(%dma_start3A_43 : memref<200x32xbf16, #tpu.memory_space<hbm>>) target_semaphore(%run_scoped3A_41 : memref<!tpu.dma_semaphore, #tpu.memory_space<semaphore_mem>>)
          %dma_wait3A = arith.constant 0 : i32
          %dma_wait3A_46 = tpu.memref_slice %arg4[%arg0, %mul3A_40, %dma_wait3A] : memref<2x10000x32xbf16, #tpu.memory_space<hbm>> -> memref<1x200x32xbf16, #tpu.memory_space<hbm>>
          %dma_wait3A_47 = tpu.memref_squeeze %dma_wait3A_46 : memref<1x200x32xbf16, #tpu.memory_space<hbm>> -> memref<200x32xbf16, #tpu.memory_space<hbm>>
          %dma_wait3A_48 = arith.constant 0 : i32
          %dma_wait3A_49 = tpu.memref_slice %arg12[%mul3A_38, %dma_wait3A_48] : memref<10000x32xbf16, #tpu.memory_space<vmem_shared>> -> memref<200x32xbf16, #tpu.memory_space<vmem_shared>>
          tpu.wait_dma2 semaphore(%run_scoped3A_41 : memref<!tpu.dma_semaphore, #tpu.memory_space<semaphore_mem>>) src(%dma_wait3A_49 : memref<200x32xbf16, #tpu.memory_space<vmem_shared>>) dst(%dma_wait3A_47 : memref<200x32xbf16, #tpu.memory_space<hbm>>)
          tpu.yield
        }) : () -> ()
      } else {
      }
    }
    %scan3A_30 = arith.constant 4 : i32
    return
  }
}

#map = affine_map<(d0, d1) -> (0, 0)>
#map1 = affine_map<(d0, d1) -> (0, 0, 0)>
module attributes {stable_mosaic.version = 14 : i64} {
  func.func @msg(%arg0: i32, %arg1: i32, %arg2: memref<10000x64xbf16, #tpu.memory_space<hbm>>, %arg3: memref<2x4000x80xi32, #tpu.memory_space<hbm>>, %arg4: memref<2x10000x64xbf16, #tpu.memory_space<hbm>>, %arg5: memref<125x80xi32, #tpu.memory_space<vmem>>, %arg6: memref<125x80xi32, #tpu.memory_space<vmem>>, %arg7: memref<80x64xbf16, #tpu.memory_space<vmem>>, %arg8: memref<80x64xbf16, #tpu.memory_space<vmem>>, %arg9: memref<80x64xbf16, #tpu.memory_space<vmem>>, %arg10: memref<80x64xbf16, #tpu.memory_space<vmem>>, %arg11: memref<80x64xbf16, #tpu.memory_space<vmem>>, %arg12: memref<10000x64xbf16, #tpu.memory_space<vmem_shared>>, %arg13: memref<!tpu.dma_semaphore, #tpu.memory_space<semaphore_mem>>, %arg14: memref<!tpu.dma_semaphore, #tpu.memory_space<semaphore_mem>>, %arg15: memref<!tpu.dma_semaphore, #tpu.memory_space<semaphore_mem>>, %arg16: memref<!tpu.dma_semaphore, #tpu.memory_space<semaphore_mem>>, %arg17: memref<!tpu.dma_semaphore, #tpu.memory_space<semaphore_mem>>) attributes {dimension_semantics = [#tpu.dimension_semantics<core_parallel>, #tpu.dimension_semantics<subcore_parallel>], iteration_bounds = array<i64: 2, 16>, scalar_prefetch = 0 : i64, scratch_operands = 13 : i64, tpu.core_type = #tpu.core_type<sc_vector_subcore>, window_params = [{transform_indices = #map}, {transform_indices = #map1}, {transform_indices = #map1}]} {
    %mul3A = arith.constant 2 : i32
    %mul3A_0 = arith.muli %arg1, %mul3A : i32
    %add3A = arith.addi %mul3A_0, %arg0 : i32
    %mul3A_1 = arith.constant 125 : i32
    %mul3A_2 = arith.muli %add3A, %mul3A_1 : i32
    %run_scoped3A = arith.constant 0 : i32
    "tpu.region"() ({
      %run_scoped3A_31 = tpu.sem_alloc : memref<!tpu.dma_semaphore, #tpu.memory_space<semaphore_mem>>
      %dma_start3A = arith.constant 0 : i32
      %dma_start3A_32 = tpu.memref_slice %arg3[%run_scoped3A, %mul3A_2, %dma_start3A] : memref<2x4000x80xi32, #tpu.memory_space<hbm>> -> memref<1x125x80xi32, #tpu.memory_space<hbm>>
      %dma_start3A_33 = tpu.memref_squeeze %dma_start3A_32 : memref<1x125x80xi32, #tpu.memory_space<hbm>> -> memref<125x80xi32, #tpu.memory_space<hbm>>
      %dma_start3A_34 = arith.constant 0 : i32
      %dma_start3A_35 = tpu.memref_slice %arg3[%run_scoped3A, %mul3A_2, %dma_start3A_34] : memref<2x4000x80xi32, #tpu.memory_space<hbm>> -> memref<1x125x80xi32, #tpu.memory_space<hbm>>
      %dma_start3A_36 = tpu.memref_squeeze %dma_start3A_35 : memref<1x125x80xi32, #tpu.memory_space<hbm>> -> memref<125x80xi32, #tpu.memory_space<hbm>>
      tpu.enqueue_dma source(%dma_start3A_36 : memref<125x80xi32, #tpu.memory_space<hbm>>) target(%arg5 : memref<125x80xi32, #tpu.memory_space<vmem>>) target_semaphore(%run_scoped3A_31 : memref<!tpu.dma_semaphore, #tpu.memory_space<semaphore_mem>>)
      %dma_wait3A = arith.constant 0 : i32
      %dma_wait3A_37 = tpu.memref_slice %arg3[%run_scoped3A, %mul3A_2, %dma_wait3A] : memref<2x4000x80xi32, #tpu.memory_space<hbm>> -> memref<1x125x80xi32, #tpu.memory_space<hbm>>
      %dma_wait3A_38 = tpu.memref_squeeze %dma_wait3A_37 : memref<1x125x80xi32, #tpu.memory_space<hbm>> -> memref<125x80xi32, #tpu.memory_space<hbm>>
      %dma_wait3A_39 = arith.constant 0 : i32
      %dma_wait3A_40 = tpu.memref_slice %arg3[%run_scoped3A, %mul3A_2, %dma_wait3A_39] : memref<2x4000x80xi32, #tpu.memory_space<hbm>> -> memref<1x125x80xi32, #tpu.memory_space<hbm>>
      %dma_wait3A_41 = tpu.memref_squeeze %dma_wait3A_40 : memref<1x125x80xi32, #tpu.memory_space<hbm>> -> memref<125x80xi32, #tpu.memory_space<hbm>>
      tpu.wait_dma2 semaphore(%run_scoped3A_31 : memref<!tpu.dma_semaphore, #tpu.memory_space<semaphore_mem>>) src(%dma_wait3A_41 : memref<125x80xi32, #tpu.memory_space<hbm>>) dst(%arg5 : memref<125x80xi32, #tpu.memory_space<vmem>>)
      tpu.yield
    }) : () -> ()
    %mul3A_3 = arith.constant 125 : i32
    %mul3A_4 = arith.muli %add3A, %mul3A_3 : i32
    %run_scoped3A_5 = arith.constant 1 : i32
    "tpu.region"() ({
      %run_scoped3A_31 = tpu.sem_alloc : memref<!tpu.dma_semaphore, #tpu.memory_space<semaphore_mem>>
      %dma_start3A = arith.constant 0 : i32
      %dma_start3A_32 = tpu.memref_slice %arg3[%run_scoped3A_5, %mul3A_4, %dma_start3A] : memref<2x4000x80xi32, #tpu.memory_space<hbm>> -> memref<1x125x80xi32, #tpu.memory_space<hbm>>
      %dma_start3A_33 = tpu.memref_squeeze %dma_start3A_32 : memref<1x125x80xi32, #tpu.memory_space<hbm>> -> memref<125x80xi32, #tpu.memory_space<hbm>>
      %dma_start3A_34 = arith.constant 0 : i32
      %dma_start3A_35 = tpu.memref_slice %arg3[%run_scoped3A_5, %mul3A_4, %dma_start3A_34] : memref<2x4000x80xi32, #tpu.memory_space<hbm>> -> memref<1x125x80xi32, #tpu.memory_space<hbm>>
      %dma_start3A_36 = tpu.memref_squeeze %dma_start3A_35 : memref<1x125x80xi32, #tpu.memory_space<hbm>> -> memref<125x80xi32, #tpu.memory_space<hbm>>
      tpu.enqueue_dma source(%dma_start3A_36 : memref<125x80xi32, #tpu.memory_space<hbm>>) target(%arg6 : memref<125x80xi32, #tpu.memory_space<vmem>>) target_semaphore(%run_scoped3A_31 : memref<!tpu.dma_semaphore, #tpu.memory_space<semaphore_mem>>)
      %dma_wait3A = arith.constant 0 : i32
      %dma_wait3A_37 = tpu.memref_slice %arg3[%run_scoped3A_5, %mul3A_4, %dma_wait3A] : memref<2x4000x80xi32, #tpu.memory_space<hbm>> -> memref<1x125x80xi32, #tpu.memory_space<hbm>>
      %dma_wait3A_38 = tpu.memref_squeeze %dma_wait3A_37 : memref<1x125x80xi32, #tpu.memory_space<hbm>> -> memref<125x80xi32, #tpu.memory_space<hbm>>
      %dma_wait3A_39 = arith.constant 0 : i32
      %dma_wait3A_40 = tpu.memref_slice %arg3[%run_scoped3A_5, %mul3A_4, %dma_wait3A_39] : memref<2x4000x80xi32, #tpu.memory_space<hbm>> -> memref<1x125x80xi32, #tpu.memory_space<hbm>>
      %dma_wait3A_41 = tpu.memref_squeeze %dma_wait3A_40 : memref<1x125x80xi32, #tpu.memory_space<hbm>> -> memref<125x80xi32, #tpu.memory_space<hbm>>
      tpu.wait_dma2 semaphore(%run_scoped3A_31 : memref<!tpu.dma_semaphore, #tpu.memory_space<semaphore_mem>>) src(%dma_wait3A_41 : memref<125x80xi32, #tpu.memory_space<hbm>>) dst(%arg6 : memref<125x80xi32, #tpu.memory_space<vmem>>)
      tpu.yield
    }) : () -> ()
    %broadcast_in_dim3A = arith.constant 0.000000e+00 : bf16
    %broadcast_in_dim3A_6 = vector.broadcast %broadcast_in_dim3A : bf16 to vector<32xbf16>
    %scan3A = arith.constant 0 : i32
    %scan3A_7 = arith.constant 0 : i32
    %scan3A_8 = arith.constant 160 : i32
    %scan3A_9 = arith.addi %scan3A_7, %scan3A_8 : i32
    %scan3A_10 = arith.constant 1 : i32
    scf.for %scan3A_31 = %scan3A_7 to %scan3A_9 step %scan3A_10  : i32 {
      %jit3A = arith.constant 2 : i32
      %div3A = arith.divsi %scan3A_31, %jit3A : i32
      %sign3A = arith.constant 0 : i32
      %sign3A_32 = arith.cmpi sgt, %scan3A_31, %sign3A : i32
      %sign3A_33 = arith.extui %sign3A_32 : i1 to i32
      %sign3A_34 = arith.constant 0 : i32
      %sign3A_35 = arith.cmpi slt, %scan3A_31, %sign3A_34 : i32
      %sign3A_36 = arith.extui %sign3A_35 : i1 to i32
      %sign3A_37 = arith.subi %sign3A_33, %sign3A_36 : i32
      %sign3A_38 = arith.constant 0 : i32
      %sign3A_39 = arith.cmpi sgt, %jit3A, %sign3A_38 : i32
      %sign3A_40 = arith.extui %sign3A_39 : i1 to i32
      %sign3A_41 = arith.constant 0 : i32
      %sign3A_42 = arith.cmpi slt, %jit3A, %sign3A_41 : i32
      %sign3A_43 = arith.extui %sign3A_42 : i1 to i32
      %sign3A_44 = arith.subi %sign3A_40, %sign3A_43 : i32
      %ne3A = arith.cmpi ne, %sign3A_37, %sign3A_44 : i32
      %rem3A = arith.remsi %scan3A_31, %jit3A : i32
      %ne3A_45 = arith.constant 0 : i32
      %ne3A_46 = arith.cmpi ne, %rem3A, %ne3A_45 : i32
      %and3A = arith.andi %ne3A, %ne3A_46 : i1
      %sub3A = arith.constant 1 : i32
      %sub3A_47 = arith.subi %div3A, %sub3A : i32
      %select_n3A = arith.select %and3A, %sub3A_47, %div3A : i32
      %jit3A_48 = arith.constant 2 : i32
      %eq3A = arith.constant 0 : i32
      %eq3A_49 = arith.cmpi eq, %jit3A_48, %eq3A : i32
      %jit3A_50 = arith.constant 1 : i32
      %select_n3A_51 = arith.select %eq3A_49, %jit3A_50, %jit3A_48 : i32
      %rem3A_52 = arith.remsi %scan3A_31, %select_n3A_51 : i32
      %ne3A_53 = arith.constant 0 : i32
      %ne3A_54 = arith.cmpi ne, %rem3A_52, %ne3A_53 : i32
      %lt3A = arith.constant 0 : i32
      %lt3A_55 = arith.cmpi slt, %rem3A_52, %lt3A : i32
      %lt3A_56 = arith.constant 0 : i32
      %lt3A_57 = arith.cmpi slt, %select_n3A_51, %lt3A_56 : i32
      %ne3A_58 = arith.xori %lt3A_55, %lt3A_57 : i1
      %and3A_59 = arith.andi %ne3A_58, %ne3A_54 : i1
      %add3A_60 = arith.addi %rem3A_52, %select_n3A_51 : i32
      %select_n3A_61 = arith.select %and3A_59, %add3A_60, %rem3A_52 : i32
      %mul3A_62 = arith.constant 32 : i32
      %mul3A_63 = arith.muli %select_n3A_61, %mul3A_62 : i32
      %swap3A = arith.index_cast %select_n3A : i32 to index
      %swap3A_64 = arith.index_cast %mul3A_63 : i32 to index
      %swap3A_65 = tpu.vector_load %arg7[%swap3A, %swap3A_64] {strides = array<i32>} : memref<80x64xbf16, #tpu.memory_space<vmem>>, vector<1x32xbf16>,
      %swap3A_66 = vector.shape_cast %swap3A_65 : vector<1x32xbf16> to vector<32xbf16>
      %swap3A_67 = vector.shape_cast %broadcast_in_dim3A_6 : vector<32xbf16> to vector<1x32xbf16>
      tpu.vector_store %arg7[%swap3A, %swap3A_64], %swap3A_67 {strides = array<i32>} : memref<80x64xbf16, #tpu.memory_space<vmem>>, vector<1x32xbf16>,
    }
    %scan3A_11 = arith.constant 160 : i32
    %scan3A_12 = arith.constant 0 : i32
    %scan3A_13 = arith.constant 0 : i32
    %scan3A_14 = arith.constant 8 : i32
    %scan3A_15 = arith.addi %scan3A_13, %scan3A_14 : i32
    %scan3A_16 = arith.constant 1 : i32
    scf.for %scan3A_31 = %scan3A_13 to %scan3A_15 step %scan3A_16  : i32 {
      %mul3A_32 = arith.constant 16 : i32
      %mul3A_33 = arith.muli %scan3A_31, %mul3A_32 : i32
      %add3A_34 = arith.addi %arg1, %mul3A_33 : i32
      %lt3A = arith.constant 125 : i32
      %lt3A_35 = arith.cmpi slt, %add3A_34, %lt3A : i32
      %convert_element_type3A = arith.extui %lt3A_35 : i1 to i32
      %cond3A = arith.constant 0 : i32
      %cond3A_36 = arith.cmpi ne, %convert_element_type3A, %cond3A : i32
      scf.if %cond3A_36 {
        %mul3A_37 = arith.constant 80 : i32
        %mul3A_38 = arith.muli %add3A_34, %mul3A_37 : i32
        "tpu.region"() ({
          %run_scoped3A_39 = tpu.sem_alloc : memref<!tpu.dma_semaphore, #tpu.memory_space<semaphore_mem>>
          %dma_start3A = arith.constant 0 : i32
          %dma_start3A_40 = tpu.memref_slice %arg12[%mul3A_38, %dma_start3A] : memref<10000x64xbf16, #tpu.memory_space<vmem_shared>> -> memref<80x64xbf16, #tpu.memory_space<vmem_shared>>
          %dma_start3A_41 = arith.constant 0 : i32
          %dma_start3A_42 = tpu.memref_slice %arg12[%mul3A_38, %dma_start3A_41] : memref<10000x64xbf16, #tpu.memory_space<vmem_shared>> -> memref<80x64xbf16, #tpu.memory_space<vmem_shared>>
          tpu.enqueue_dma source(%arg7 : memref<80x64xbf16, #tpu.memory_space<vmem>>) target(%dma_start3A_42 : memref<80x64xbf16, #tpu.memory_space<vmem_shared>>) target_semaphore(%run_scoped3A_39 : memref<!tpu.dma_semaphore, #tpu.memory_space<semaphore_mem>>)
          %dma_wait3A = arith.constant 0 : i32
          %dma_wait3A_43 = tpu.memref_slice %arg12[%mul3A_38, %dma_wait3A] : memref<10000x64xbf16, #tpu.memory_space<vmem_shared>> -> memref<80x64xbf16, #tpu.memory_space<vmem_shared>>
          %dma_wait3A_44 = arith.constant 0 : i32
          %dma_wait3A_45 = tpu.memref_slice %arg12[%mul3A_38, %dma_wait3A_44] : memref<10000x64xbf16, #tpu.memory_space<vmem_shared>> -> memref<80x64xbf16, #tpu.memory_space<vmem_shared>>
          tpu.wait_dma2 semaphore(%run_scoped3A_39 : memref<!tpu.dma_semaphore, #tpu.memory_space<semaphore_mem>>) src(%arg7 : memref<80x64xbf16, #tpu.memory_space<vmem>>) dst(%dma_wait3A_45 : memref<80x64xbf16, #tpu.memory_space<vmem_shared>>)
          tpu.yield
        }) : () -> ()
      } else {
      }
    }
    %scan3A_17 = arith.constant 8 : i32
    %barrier3A = arith.constant 0 : index
    tpu.barrier barrier_id(%barrier3A)
    %scan3A_18 = arith.constant 0 : i32
    %scan3A_19 = arith.constant 0 : i32
    %scan3A_20 = arith.constant 25 : i32
    %scan3A_21 = arith.addi %scan3A_19, %scan3A_20 : i32
    %scan3A_22 = arith.constant 1 : i32
    scf.for %scan3A_31 = %scan3A_19 to %scan3A_21 step %scan3A_22  : i32 {
      %mul3A_32 = arith.constant 5 : i32
      %mul3A_33 = arith.muli %scan3A_31, %mul3A_32 : i32
      %add3A_34 = arith.constant 0 : i32
      %add3A_35 = arith.addi %mul3A_33, %add3A_34 : i32
      %dma_start3A = arith.constant 0 : i32
      %dma_start3A_36 = tpu.memref_slice %arg5[%add3A_35, %dma_start3A] : memref<125x80xi32, #tpu.memory_space<vmem>> -> memref<1x80xi32, #tpu.memory_space<vmem>>
      %dma_start3A_37 = tpu.memref_squeeze %dma_start3A_36 : memref<1x80xi32, #tpu.memory_space<vmem>> -> memref<80xi32, #tpu.memory_space<vmem>>
      %dma_start3A_38 = arith.constant 0 : i32
      %dma_start3A_39 = arith.constant 0 : i32
      %dma_start3A_40 = tpu.memref_slice %arg2[%dma_start3A_38, %dma_start3A_39] : memref<10000x64xbf16, #tpu.memory_space<hbm>> -> memref<10000x64xbf16, #tpu.memory_space<hbm>>
      tpu.enqueue_indirect_dma source(%dma_start3A_40 : memref<10000x64xbf16, #tpu.memory_space<hbm>>) target(%arg7 : memref<80x64xbf16, #tpu.memory_space<vmem>>) offsets(%dma_start3A_37 : memref<80xi32, #tpu.memory_space<vmem>>) semaphore(%arg13 : memref<!tpu.dma_semaphore, #tpu.memory_space<semaphore_mem>>)
      %add3A_41 = arith.constant 1 : i32
      %add3A_42 = arith.addi %mul3A_33, %add3A_41 : i32
      %dma_start3A_43 = arith.constant 0 : i32
      %dma_start3A_44 = tpu.memref_slice %arg5[%add3A_42, %dma_start3A_43] : memref<125x80xi32, #tpu.memory_space<vmem>> -> memref<1x80xi32, #tpu.memory_space<vmem>>
      %dma_start3A_45 = tpu.memref_squeeze %dma_start3A_44 : memref<1x80xi32, #tpu.memory_space<vmem>> -> memref<80xi32, #tpu.memory_space<vmem>>
      %dma_start3A_46 = arith.constant 0 : i32
      %dma_start3A_47 = arith.constant 0 : i32
      %dma_start3A_48 = tpu.memref_slice %arg2[%dma_start3A_46, %dma_start3A_47] : memref<10000x64xbf16, #tpu.memory_space<hbm>> -> memref<10000x64xbf16, #tpu.memory_space<hbm>>
      tpu.enqueue_indirect_dma source(%dma_start3A_48 : memref<10000x64xbf16, #tpu.memory_space<hbm>>) target(%arg8 : memref<80x64xbf16, #tpu.memory_space<vmem>>) offsets(%dma_start3A_45 : memref<80xi32, #tpu.memory_space<vmem>>) semaphore(%arg14 : memref<!tpu.dma_semaphore, #tpu.memory_space<semaphore_mem>>)
      %add3A_49 = arith.constant 2 : i32
      %add3A_50 = arith.addi %mul3A_33, %add3A_49 : i32
      %dma_start3A_51 = arith.constant 0 : i32
      %dma_start3A_52 = tpu.memref_slice %arg5[%add3A_50, %dma_start3A_51] : memref<125x80xi32, #tpu.memory_space<vmem>> -> memref<1x80xi32, #tpu.memory_space<vmem>>
      %dma_start3A_53 = tpu.memref_squeeze %dma_start3A_52 : memref<1x80xi32, #tpu.memory_space<vmem>> -> memref<80xi32, #tpu.memory_space<vmem>>
      %dma_start3A_54 = arith.constant 0 : i32
      %dma_start3A_55 = arith.constant 0 : i32
      %dma_start3A_56 = tpu.memref_slice %arg2[%dma_start3A_54, %dma_start3A_55] : memref<10000x64xbf16, #tpu.memory_space<hbm>> -> memref<10000x64xbf16, #tpu.memory_space<hbm>>
      tpu.enqueue_indirect_dma source(%dma_start3A_56 : memref<10000x64xbf16, #tpu.memory_space<hbm>>) target(%arg9 : memref<80x64xbf16, #tpu.memory_space<vmem>>) offsets(%dma_start3A_53 : memref<80xi32, #tpu.memory_space<vmem>>) semaphore(%arg15 : memref<!tpu.dma_semaphore, #tpu.memory_space<semaphore_mem>>)
      %add3A_57 = arith.constant 3 : i32
      %add3A_58 = arith.addi %mul3A_33, %add3A_57 : i32
      %dma_start3A_59 = arith.constant 0 : i32
      %dma_start3A_60 = tpu.memref_slice %arg5[%add3A_58, %dma_start3A_59] : memref<125x80xi32, #tpu.memory_space<vmem>> -> memref<1x80xi32, #tpu.memory_space<vmem>>
      %dma_start3A_61 = tpu.memref_squeeze %dma_start3A_60 : memref<1x80xi32, #tpu.memory_space<vmem>> -> memref<80xi32, #tpu.memory_space<vmem>>
      %dma_start3A_62 = arith.constant 0 : i32
      %dma_start3A_63 = arith.constant 0 : i32
      %dma_start3A_64 = tpu.memref_slice %arg2[%dma_start3A_62, %dma_start3A_63] : memref<10000x64xbf16, #tpu.memory_space<hbm>> -> memref<10000x64xbf16, #tpu.memory_space<hbm>>
      tpu.enqueue_indirect_dma source(%dma_start3A_64 : memref<10000x64xbf16, #tpu.memory_space<hbm>>) target(%arg10 : memref<80x64xbf16, #tpu.memory_space<vmem>>) offsets(%dma_start3A_61 : memref<80xi32, #tpu.memory_space<vmem>>) semaphore(%arg16 : memref<!tpu.dma_semaphore, #tpu.memory_space<semaphore_mem>>)
      %add3A_65 = arith.constant 4 : i32
      %add3A_66 = arith.addi %mul3A_33, %add3A_65 : i32
      %dma_start3A_67 = arith.constant 0 : i32
      %dma_start3A_68 = tpu.memref_slice %arg5[%add3A_66, %dma_start3A_67] : memref<125x80xi32, #tpu.memory_space<vmem>> -> memref<1x80xi32, #tpu.memory_space<vmem>>
      %dma_start3A_69 = tpu.memref_squeeze %dma_start3A_68 : memref<1x80xi32, #tpu.memory_space<vmem>> -> memref<80xi32, #tpu.memory_space<vmem>>
      %dma_start3A_70 = arith.constant 0 : i32
      %dma_start3A_71 = arith.constant 0 : i32
      %dma_start3A_72 = tpu.memref_slice %arg2[%dma_start3A_70, %dma_start3A_71] : memref<10000x64xbf16, #tpu.memory_space<hbm>> -> memref<10000x64xbf16, #tpu.memory_space<hbm>>
      tpu.enqueue_indirect_dma source(%dma_start3A_72 : memref<10000x64xbf16, #tpu.memory_space<hbm>>) target(%arg11 : memref<80x64xbf16, #tpu.memory_space<vmem>>) offsets(%dma_start3A_69 : memref<80xi32, #tpu.memory_space<vmem>>) semaphore(%arg17 : memref<!tpu.dma_semaphore, #tpu.memory_space<semaphore_mem>>)
      %dma_wait3A = arith.constant 0 : i32
      %dma_wait3A_73 = tpu.memref_slice %arg5[%add3A_35, %dma_wait3A] : memref<125x80xi32, #tpu.memory_space<vmem>> -> memref<1x80xi32, #tpu.memory_space<vmem>>
      %dma_wait3A_74 = tpu.memref_squeeze %dma_wait3A_73 : memref<1x80xi32, #tpu.memory_space<vmem>> -> memref<80xi32, #tpu.memory_space<vmem>>
      %dma_wait3A_75 = arith.constant 0 : i32
      %dma_wait3A_76 = arith.constant 0 : i32
      %dma_wait3A_77 = tpu.memref_slice %arg2[%dma_wait3A_75, %dma_wait3A_76] : memref<10000x64xbf16, #tpu.memory_space<hbm>> -> memref<10000x64xbf16, #tpu.memory_space<hbm>>
      tpu.wait_indirect_dma semaphore(%arg13 : memref<!tpu.dma_semaphore, #tpu.memory_space<semaphore_mem>>) src(%dma_wait3A_77 : memref<10000x64xbf16, #tpu.memory_space<hbm>>) dst(%arg7 : memref<80x64xbf16, #tpu.memory_space<vmem>>)
      %add3A_78 = arith.constant 0 : i32
      %add3A_79 = arith.addi %mul3A_33, %add3A_78 : i32
      "tpu.region"() ({
        %run_scoped3A_112 = tpu.sem_alloc : memref<!tpu.dma_semaphore, #tpu.memory_space<semaphore_mem>>
        %dma_start3A_113 = arith.constant 0 : i32
        %dma_start3A_114 = tpu.memref_slice %arg6[%add3A_79, %dma_start3A_113] : memref<125x80xi32, #tpu.memory_space<vmem>> -> memref<1x80xi32, #tpu.memory_space<vmem>>
        %dma_start3A_115 = tpu.memref_squeeze %dma_start3A_114 : memref<1x80xi32, #tpu.memory_space<vmem>> -> memref<80xi32, #tpu.memory_space<vmem>>
        %dma_start3A_116 = arith.constant 0 : i32
        %dma_start3A_117 = arith.constant 0 : i32
        %dma_start3A_118 = tpu.memref_slice %arg12[%dma_start3A_116, %dma_start3A_117] : memref<10000x64xbf16, #tpu.memory_space<vmem_shared>> -> memref<10000x64xbf16, #tpu.memory_space<vmem_shared>>
        tpu.enqueue_indirect_dma source(%arg7 : memref<80x64xbf16, #tpu.memory_space<vmem>>) target(%dma_start3A_118 : memref<10000x64xbf16, #tpu.memory_space<vmem_shared>>) offsets(%dma_start3A_115 : memref<80xi32, #tpu.memory_space<vmem>>) semaphore(%run_scoped3A_112 : memref<!tpu.dma_semaphore, #tpu.memory_space<semaphore_mem>>) {add = true}
        %dma_wait3A_119 = arith.constant 0 : i32
        %dma_wait3A_120 = tpu.memref_slice %arg6[%add3A_79, %dma_wait3A_119] : memref<125x80xi32, #tpu.memory_space<vmem>> -> memref<1x80xi32, #tpu.memory_space<vmem>>
        %dma_wait3A_121 = tpu.memref_squeeze %dma_wait3A_120 : memref<1x80xi32, #tpu.memory_space<vmem>> -> memref<80xi32, #tpu.memory_space<vmem>>
        %dma_wait3A_122 = arith.constant 0 : i32
        %dma_wait3A_123 = arith.constant 0 : i32
        %dma_wait3A_124 = tpu.memref_slice %arg12[%dma_wait3A_122, %dma_wait3A_123] : memref<10000x64xbf16, #tpu.memory_space<vmem_shared>> -> memref<10000x64xbf16, #tpu.memory_space<vmem_shared>>
        tpu.wait_indirect_dma semaphore(%run_scoped3A_112 : memref<!tpu.dma_semaphore, #tpu.memory_space<semaphore_mem>>) src(%arg7 : memref<80x64xbf16, #tpu.memory_space<vmem>>) dst(%dma_wait3A_124 : memref<10000x64xbf16, #tpu.memory_space<vmem_shared>>)
        tpu.yield
      }) : () -> ()
      %dma_wait3A_80 = arith.constant 0 : i32
      %dma_wait3A_81 = tpu.memref_slice %arg5[%add3A_42, %dma_wait3A_80] : memref<125x80xi32, #tpu.memory_space<vmem>> -> memref<1x80xi32, #tpu.memory_space<vmem>>
      %dma_wait3A_82 = tpu.memref_squeeze %dma_wait3A_81 : memref<1x80xi32, #tpu.memory_space<vmem>> -> memref<80xi32, #tpu.memory_space<vmem>>
      %dma_wait3A_83 = arith.constant 0 : i32
      %dma_wait3A_84 = arith.constant 0 : i32
      %dma_wait3A_85 = tpu.memref_slice %arg2[%dma_wait3A_83, %dma_wait3A_84] : memref<10000x64xbf16, #tpu.memory_space<hbm>> -> memref<10000x64xbf16, #tpu.memory_space<hbm>>
      tpu.wait_indirect_dma semaphore(%arg14 : memref<!tpu.dma_semaphore, #tpu.memory_space<semaphore_mem>>) src(%dma_wait3A_85 : memref<10000x64xbf16, #tpu.memory_space<hbm>>) dst(%arg8 : memref<80x64xbf16, #tpu.memory_space<vmem>>)
      %add3A_86 = arith.constant 1 : i32
      %add3A_87 = arith.addi %mul3A_33, %add3A_86 : i32
      "tpu.region"() ({
        %run_scoped3A_112 = tpu.sem_alloc : memref<!tpu.dma_semaphore, #tpu.memory_space<semaphore_mem>>
        %dma_start3A_113 = arith.constant 0 : i32
        %dma_start3A_114 = tpu.memref_slice %arg6[%add3A_87, %dma_start3A_113] : memref<125x80xi32, #tpu.memory_space<vmem>> -> memref<1x80xi32, #tpu.memory_space<vmem>>
        %dma_start3A_115 = tpu.memref_squeeze %dma_start3A_114 : memref<1x80xi32, #tpu.memory_space<vmem>> -> memref<80xi32, #tpu.memory_space<vmem>>
        %dma_start3A_116 = arith.constant 0 : i32
        %dma_start3A_117 = arith.constant 0 : i32
        %dma_start3A_118 = tpu.memref_slice %arg12[%dma_start3A_116, %dma_start3A_117] : memref<10000x64xbf16, #tpu.memory_space<vmem_shared>> -> memref<10000x64xbf16, #tpu.memory_space<vmem_shared>>
        tpu.enqueue_indirect_dma source(%arg8 : memref<80x64xbf16, #tpu.memory_space<vmem>>) target(%dma_start3A_118 : memref<10000x64xbf16, #tpu.memory_space<vmem_shared>>) offsets(%dma_start3A_115 : memref<80xi32, #tpu.memory_space<vmem>>) semaphore(%run_scoped3A_112 : memref<!tpu.dma_semaphore, #tpu.memory_space<semaphore_mem>>) {add = true}
        %dma_wait3A_119 = arith.constant 0 : i32
        %dma_wait3A_120 = tpu.memref_slice %arg6[%add3A_87, %dma_wait3A_119] : memref<125x80xi32, #tpu.memory_space<vmem>> -> memref<1x80xi32, #tpu.memory_space<vmem>>
        %dma_wait3A_121 = tpu.memref_squeeze %dma_wait3A_120 : memref<1x80xi32, #tpu.memory_space<vmem>> -> memref<80xi32, #tpu.memory_space<vmem>>
        %dma_wait3A_122 = arith.constant 0 : i32
        %dma_wait3A_123 = arith.constant 0 : i32
        %dma_wait3A_124 = tpu.memref_slice %arg12[%dma_wait3A_122, %dma_wait3A_123] : memref<10000x64xbf16, #tpu.memory_space<vmem_shared>> -> memref<10000x64xbf16, #tpu.memory_space<vmem_shared>>
        tpu.wait_indirect_dma semaphore(%run_scoped3A_112 : memref<!tpu.dma_semaphore, #tpu.memory_space<semaphore_mem>>) src(%arg8 : memref<80x64xbf16, #tpu.memory_space<vmem>>) dst(%dma_wait3A_124 : memref<10000x64xbf16, #tpu.memory_space<vmem_shared>>)
        tpu.yield
      }) : () -> ()
      %dma_wait3A_88 = arith.constant 0 : i32
      %dma_wait3A_89 = tpu.memref_slice %arg5[%add3A_50, %dma_wait3A_88] : memref<125x80xi32, #tpu.memory_space<vmem>> -> memref<1x80xi32, #tpu.memory_space<vmem>>
      %dma_wait3A_90 = tpu.memref_squeeze %dma_wait3A_89 : memref<1x80xi32, #tpu.memory_space<vmem>> -> memref<80xi32, #tpu.memory_space<vmem>>
      %dma_wait3A_91 = arith.constant 0 : i32
      %dma_wait3A_92 = arith.constant 0 : i32
      %dma_wait3A_93 = tpu.memref_slice %arg2[%dma_wait3A_91, %dma_wait3A_92] : memref<10000x64xbf16, #tpu.memory_space<hbm>> -> memref<10000x64xbf16, #tpu.memory_space<hbm>>
      tpu.wait_indirect_dma semaphore(%arg15 : memref<!tpu.dma_semaphore, #tpu.memory_space<semaphore_mem>>) src(%dma_wait3A_93 : memref<10000x64xbf16, #tpu.memory_space<hbm>>) dst(%arg9 : memref<80x64xbf16, #tpu.memory_space<vmem>>)
      %add3A_94 = arith.constant 2 : i32
      %add3A_95 = arith.addi %mul3A_33, %add3A_94 : i32
      "tpu.region"() ({
        %run_scoped3A_112 = tpu.sem_alloc : memref<!tpu.dma_semaphore, #tpu.memory_space<semaphore_mem>>
        %dma_start3A_113 = arith.constant 0 : i32
        %dma_start3A_114 = tpu.memref_slice %arg6[%add3A_95, %dma_start3A_113] : memref<125x80xi32, #tpu.memory_space<vmem>> -> memref<1x80xi32, #tpu.memory_space<vmem>>
        %dma_start3A_115 = tpu.memref_squeeze %dma_start3A_114 : memref<1x80xi32, #tpu.memory_space<vmem>> -> memref<80xi32, #tpu.memory_space<vmem>>
        %dma_start3A_116 = arith.constant 0 : i32
        %dma_start3A_117 = arith.constant 0 : i32
        %dma_start3A_118 = tpu.memref_slice %arg12[%dma_start3A_116, %dma_start3A_117] : memref<10000x64xbf16, #tpu.memory_space<vmem_shared>> -> memref<10000x64xbf16, #tpu.memory_space<vmem_shared>>
        tpu.enqueue_indirect_dma source(%arg9 : memref<80x64xbf16, #tpu.memory_space<vmem>>) target(%dma_start3A_118 : memref<10000x64xbf16, #tpu.memory_space<vmem_shared>>) offsets(%dma_start3A_115 : memref<80xi32, #tpu.memory_space<vmem>>) semaphore(%run_scoped3A_112 : memref<!tpu.dma_semaphore, #tpu.memory_space<semaphore_mem>>) {add = true}
        %dma_wait3A_119 = arith.constant 0 : i32
        %dma_wait3A_120 = tpu.memref_slice %arg6[%add3A_95, %dma_wait3A_119] : memref<125x80xi32, #tpu.memory_space<vmem>> -> memref<1x80xi32, #tpu.memory_space<vmem>>
        %dma_wait3A_121 = tpu.memref_squeeze %dma_wait3A_120 : memref<1x80xi32, #tpu.memory_space<vmem>> -> memref<80xi32, #tpu.memory_space<vmem>>
        %dma_wait3A_122 = arith.constant 0 : i32
        %dma_wait3A_123 = arith.constant 0 : i32
        %dma_wait3A_124 = tpu.memref_slice %arg12[%dma_wait3A_122, %dma_wait3A_123] : memref<10000x64xbf16, #tpu.memory_space<vmem_shared>> -> memref<10000x64xbf16, #tpu.memory_space<vmem_shared>>
        tpu.wait_indirect_dma semaphore(%run_scoped3A_112 : memref<!tpu.dma_semaphore, #tpu.memory_space<semaphore_mem>>) src(%arg9 : memref<80x64xbf16, #tpu.memory_space<vmem>>) dst(%dma_wait3A_124 : memref<10000x64xbf16, #tpu.memory_space<vmem_shared>>)
        tpu.yield
      }) : () -> ()
      %dma_wait3A_96 = arith.constant 0 : i32
      %dma_wait3A_97 = tpu.memref_slice %arg5[%add3A_58, %dma_wait3A_96] : memref<125x80xi32, #tpu.memory_space<vmem>> -> memref<1x80xi32, #tpu.memory_space<vmem>>
      %dma_wait3A_98 = tpu.memref_squeeze %dma_wait3A_97 : memref<1x80xi32, #tpu.memory_space<vmem>> -> memref<80xi32, #tpu.memory_space<vmem>>
      %dma_wait3A_99 = arith.constant 0 : i32
      %dma_wait3A_100 = arith.constant 0 : i32
      %dma_wait3A_101 = tpu.memref_slice %arg2[%dma_wait3A_99, %dma_wait3A_100] : memref<10000x64xbf16, #tpu.memory_space<hbm>> -> memref<10000x64xbf16, #tpu.memory_space<hbm>>
      tpu.wait_indirect_dma semaphore(%arg16 : memref<!tpu.dma_semaphore, #tpu.memory_space<semaphore_mem>>) src(%dma_wait3A_101 : memref<10000x64xbf16, #tpu.memory_space<hbm>>) dst(%arg10 : memref<80x64xbf16, #tpu.memory_space<vmem>>)
      %add3A_102 = arith.constant 3 : i32
      %add3A_103 = arith.addi %mul3A_33, %add3A_102 : i32
      "tpu.region"() ({
        %run_scoped3A_112 = tpu.sem_alloc : memref<!tpu.dma_semaphore, #tpu.memory_space<semaphore_mem>>
        %dma_start3A_113 = arith.constant 0 : i32
        %dma_start3A_114 = tpu.memref_slice %arg6[%add3A_103, %dma_start3A_113] : memref<125x80xi32, #tpu.memory_space<vmem>> -> memref<1x80xi32, #tpu.memory_space<vmem>>
        %dma_start3A_115 = tpu.memref_squeeze %dma_start3A_114 : memref<1x80xi32, #tpu.memory_space<vmem>> -> memref<80xi32, #tpu.memory_space<vmem>>
        %dma_start3A_116 = arith.constant 0 : i32
        %dma_start3A_117 = arith.constant 0 : i32
        %dma_start3A_118 = tpu.memref_slice %arg12[%dma_start3A_116, %dma_start3A_117] : memref<10000x64xbf16, #tpu.memory_space<vmem_shared>> -> memref<10000x64xbf16, #tpu.memory_space<vmem_shared>>
        tpu.enqueue_indirect_dma source(%arg10 : memref<80x64xbf16, #tpu.memory_space<vmem>>) target(%dma_start3A_118 : memref<10000x64xbf16, #tpu.memory_space<vmem_shared>>) offsets(%dma_start3A_115 : memref<80xi32, #tpu.memory_space<vmem>>) semaphore(%run_scoped3A_112 : memref<!tpu.dma_semaphore, #tpu.memory_space<semaphore_mem>>) {add = true}
        %dma_wait3A_119 = arith.constant 0 : i32
        %dma_wait3A_120 = tpu.memref_slice %arg6[%add3A_103, %dma_wait3A_119] : memref<125x80xi32, #tpu.memory_space<vmem>> -> memref<1x80xi32, #tpu.memory_space<vmem>>
        %dma_wait3A_121 = tpu.memref_squeeze %dma_wait3A_120 : memref<1x80xi32, #tpu.memory_space<vmem>> -> memref<80xi32, #tpu.memory_space<vmem>>
        %dma_wait3A_122 = arith.constant 0 : i32
        %dma_wait3A_123 = arith.constant 0 : i32
        %dma_wait3A_124 = tpu.memref_slice %arg12[%dma_wait3A_122, %dma_wait3A_123] : memref<10000x64xbf16, #tpu.memory_space<vmem_shared>> -> memref<10000x64xbf16, #tpu.memory_space<vmem_shared>>
        tpu.wait_indirect_dma semaphore(%run_scoped3A_112 : memref<!tpu.dma_semaphore, #tpu.memory_space<semaphore_mem>>) src(%arg10 : memref<80x64xbf16, #tpu.memory_space<vmem>>) dst(%dma_wait3A_124 : memref<10000x64xbf16, #tpu.memory_space<vmem_shared>>)
        tpu.yield
      }) : () -> ()
      %dma_wait3A_104 = arith.constant 0 : i32
      %dma_wait3A_105 = tpu.memref_slice %arg5[%add3A_66, %dma_wait3A_104] : memref<125x80xi32, #tpu.memory_space<vmem>> -> memref<1x80xi32, #tpu.memory_space<vmem>>
      %dma_wait3A_106 = tpu.memref_squeeze %dma_wait3A_105 : memref<1x80xi32, #tpu.memory_space<vmem>> -> memref<80xi32, #tpu.memory_space<vmem>>
      %dma_wait3A_107 = arith.constant 0 : i32
      %dma_wait3A_108 = arith.constant 0 : i32
      %dma_wait3A_109 = tpu.memref_slice %arg2[%dma_wait3A_107, %dma_wait3A_108] : memref<10000x64xbf16, #tpu.memory_space<hbm>> -> memref<10000x64xbf16, #tpu.memory_space<hbm>>
      tpu.wait_indirect_dma semaphore(%arg17 : memref<!tpu.dma_semaphore, #tpu.memory_space<semaphore_mem>>) src(%dma_wait3A_109 : memref<10000x64xbf16, #tpu.memory_space<hbm>>) dst(%arg11 : memref<80x64xbf16, #tpu.memory_space<vmem>>)
      %add3A_110 = arith.constant 4 : i32
      %add3A_111 = arith.addi %mul3A_33, %add3A_110 : i32
      "tpu.region"() ({
        %run_scoped3A_112 = tpu.sem_alloc : memref<!tpu.dma_semaphore, #tpu.memory_space<semaphore_mem>>
        %dma_start3A_113 = arith.constant 0 : i32
        %dma_start3A_114 = tpu.memref_slice %arg6[%add3A_111, %dma_start3A_113] : memref<125x80xi32, #tpu.memory_space<vmem>> -> memref<1x80xi32, #tpu.memory_space<vmem>>
        %dma_start3A_115 = tpu.memref_squeeze %dma_start3A_114 : memref<1x80xi32, #tpu.memory_space<vmem>> -> memref<80xi32, #tpu.memory_space<vmem>>
        %dma_start3A_116 = arith.constant 0 : i32
        %dma_start3A_117 = arith.constant 0 : i32
        %dma_start3A_118 = tpu.memref_slice %arg12[%dma_start3A_116, %dma_start3A_117] : memref<10000x64xbf16, #tpu.memory_space<vmem_shared>> -> memref<10000x64xbf16, #tpu.memory_space<vmem_shared>>
        tpu.enqueue_indirect_dma source(%arg11 : memref<80x64xbf16, #tpu.memory_space<vmem>>) target(%dma_start3A_118 : memref<10000x64xbf16, #tpu.memory_space<vmem_shared>>) offsets(%dma_start3A_115 : memref<80xi32, #tpu.memory_space<vmem>>) semaphore(%run_scoped3A_112 : memref<!tpu.dma_semaphore, #tpu.memory_space<semaphore_mem>>) {add = true}
        %dma_wait3A_119 = arith.constant 0 : i32
        %dma_wait3A_120 = tpu.memref_slice %arg6[%add3A_111, %dma_wait3A_119] : memref<125x80xi32, #tpu.memory_space<vmem>> -> memref<1x80xi32, #tpu.memory_space<vmem>>
        %dma_wait3A_121 = tpu.memref_squeeze %dma_wait3A_120 : memref<1x80xi32, #tpu.memory_space<vmem>> -> memref<80xi32, #tpu.memory_space<vmem>>
        %dma_wait3A_122 = arith.constant 0 : i32
        %dma_wait3A_123 = arith.constant 0 : i32
        %dma_wait3A_124 = tpu.memref_slice %arg12[%dma_wait3A_122, %dma_wait3A_123] : memref<10000x64xbf16, #tpu.memory_space<vmem_shared>> -> memref<10000x64xbf16, #tpu.memory_space<vmem_shared>>
        tpu.wait_indirect_dma semaphore(%run_scoped3A_112 : memref<!tpu.dma_semaphore, #tpu.memory_space<semaphore_mem>>) src(%arg11 : memref<80x64xbf16, #tpu.memory_space<vmem>>) dst(%dma_wait3A_124 : memref<10000x64xbf16, #tpu.memory_space<vmem_shared>>)
        tpu.yield
      }) : () -> ()
    }
    %scan3A_23 = arith.constant 25 : i32
    %barrier3A_24 = arith.constant 0 : index
    tpu.barrier barrier_id(%barrier3A_24)
    %scan3A_25 = arith.constant 0 : i32
    %scan3A_26 = arith.constant 0 : i32
    %scan3A_27 = arith.constant 4 : i32
    %scan3A_28 = arith.addi %scan3A_26, %scan3A_27 : i32
    %scan3A_29 = arith.constant 1 : i32
    scf.for %scan3A_31 = %scan3A_26 to %scan3A_28 step %scan3A_29  : i32 {
      %mul3A_32 = arith.constant 16 : i32
      %mul3A_33 = arith.muli %scan3A_31, %mul3A_32 : i32
      %add3A_34 = arith.addi %arg1, %mul3A_33 : i32
      %lt3A = arith.constant 50 : i32
      %lt3A_35 = arith.cmpi slt, %add3A_34, %lt3A : i32
      %convert_element_type3A = arith.extui %lt3A_35 : i1 to i32
      %cond3A = arith.constant 0 : i32
      %cond3A_36 = arith.cmpi ne, %convert_element_type3A, %cond3A : i32
      scf.if %cond3A_36 {
        %mul3A_37 = arith.constant 200 : i32
        %mul3A_38 = arith.muli %add3A_34, %mul3A_37 : i32
        %mul3A_39 = arith.constant 200 : i32
        %mul3A_40 = arith.muli %add3A_34, %mul3A_39 : i32
        "tpu.region"() ({
          %run_scoped3A_41 = tpu.sem_alloc : memref<!tpu.dma_semaphore, #tpu.memory_space<semaphore_mem>>
          %dma_start3A = arith.constant 0 : i32
          %dma_start3A_42 = tpu.memref_slice %arg4[%arg0, %mul3A_40, %dma_start3A] : memref<2x10000x64xbf16, #tpu.memory_space<hbm>> -> memref<1x200x64xbf16, #tpu.memory_space<hbm>>
          %dma_start3A_43 = tpu.memref_squeeze %dma_start3A_42 : memref<1x200x64xbf16, #tpu.memory_space<hbm>> -> memref<200x64xbf16, #tpu.memory_space<hbm>>
          %dma_start3A_44 = arith.constant 0 : i32
          %dma_start3A_45 = tpu.memref_slice %arg12[%mul3A_38, %dma_start3A_44] : memref<10000x64xbf16, #tpu.memory_space<vmem_shared>> -> memref<200x64xbf16, #tpu.memory_space<vmem_shared>>
          tpu.enqueue_dma source(%dma_start3A_45 : memref<200x64xbf16, #tpu.memory_space<vmem_shared>>) target(%dma_start3A_43 : memref<200x64xbf16, #tpu.memory_space<hbm>>) target_semaphore(%run_scoped3A_41 : memref<!tpu.dma_semaphore, #tpu.memory_space<semaphore_mem>>)
          %dma_wait3A = arith.constant 0 : i32
          %dma_wait3A_46 = tpu.memref_slice %arg4[%arg0, %mul3A_40, %dma_wait3A] : memref<2x10000x64xbf16, #tpu.memory_space<hbm>> -> memref<1x200x64xbf16, #tpu.memory_space<hbm>>
          %dma_wait3A_47 = tpu.memref_squeeze %dma_wait3A_46 : memref<1x200x64xbf16, #tpu.memory_space<hbm>> -> memref<200x64xbf16, #tpu.memory_space<hbm>>
          %dma_wait3A_48 = arith.constant 0 : i32
          %dma_wait3A_49 = tpu.memref_slice %arg12[%mul3A_38, %dma_wait3A_48] : memref<10000x64xbf16, #tpu.memory_space<vmem_shared>> -> memref<200x64xbf16, #tpu.memory_space<vmem_shared>>
          tpu.wait_dma2 semaphore(%run_scoped3A_41 : memref<!tpu.dma_semaphore, #tpu.memory_space<semaphore_mem>>) src(%dma_wait3A_49 : memref<200x64xbf16, #tpu.memory_space<vmem_shared>>) dst(%dma_wait3A_47 : memref<200x64xbf16, #tpu.memory_space<hbm>>)
          tpu.yield
        }) : () -> ()
      } else {
      }
    }
    %scan3A_30 = arith.constant 4 : i32
    return
  }
}

module attributes {stable_mosaic.version = 14 : i64} {
  func.func @body(%arg0: i32, %arg1: memref<2000x128xf32, #tpu.memory_space<vmem>>, %arg2: memref<128x128xf32, #tpu.memory_space<vmem>>, %arg3: memref<2x2000x16xf32, #tpu.memory_space<vmem>>, %arg4: memref<2000x128xbf16, #tpu.memory_space<vmem>>, %arg5: memref<2000x1xf32, #tpu.memory_space<vmem>>) attributes {dimension_semantics = [#tpu.dimension_semantics<arbitrary>], iteration_bounds = array<i64: 5>, scalar_prefetch = 0 : i64, scratch_operands = 0 : i64, tpu.core_type = #tpu.core_type<tc>, window_params = [{transform_indices = @transform_0, window_bounds = array<i64: 2000, 128>}, {pipeline_mode = #tpu.pipeline_mode<synchronous>, transform_indices = @transform_1, window_bounds = array<i64: 128, 128>}, {transform_indices = @transform_2, window_bounds = array<i64: 2, 2000, 16>}, {transform_indices = @transform_3, window_bounds = array<i64: 2000, 128>}, {transform_indices = @transform_4, window_bounds = array<i64: 2000, 1>}]} {
    %get3A = arith.constant 0 : index
    %get3A_0 = arith.constant 0 : index
    %get3A_1 = arith.constant 0 : index
    %get3A_2 = vector.load %arg3[%get3A, %get3A_0, %get3A_1] : memref<2x2000x16xf32, #tpu.memory_space<vmem>>, vector<1x2000x1xf32>
    %get3A_3 = vector.shape_cast %get3A_2 : vector<1x2000x1xf32> to vector<2000xf32>
    %get3A_4 = arith.constant 1 : index
    %get3A_5 = arith.constant 0 : index
    %get3A_6 = arith.constant 0 : index
    %get3A_7 = vector.load %arg3[%get3A_4, %get3A_5, %get3A_6] : memref<2x2000x16xf32, #tpu.memory_space<vmem>>, vector<1x2000x1xf32>
    %get3A_8 = vector.shape_cast %get3A_7 : vector<1x2000x1xf32> to vector<2000xf32>
    %add3A = arith.addf %get3A_3, %get3A_8 : vector<2000xf32>
    %gt3A = arith.constant 0.000000e+00 : f32
    %gt3A_9 = vector.broadcast %gt3A : f32 to vector<2000xf32>
    %gt3A_10 = arith.cmpf ogt, %add3A, %gt3A_9 : vector<2000xf32>
    %max3A = arith.constant 1.000000e+00 : f32
    %max3A_11 = vector.broadcast %max3A : f32 to vector<2000xf32>
    %max3A_12 = arith.maximumf %add3A, %max3A_11 : vector<2000xf32>
    %rsqrt3A = math.rsqrt %max3A_12 : vector<2000xf32>
    %jit3A = arith.constant 0.000000e+00 : f32
    %broadcast_in_dim3A = vector.broadcast %jit3A : f32 to vector<2000xf32>
    %select_n3A = arith.select %gt3A_10, %rsqrt3A, %broadcast_in_dim3A : vector<2000xi1>, vector<2000xf32>
    %get3A_13 = arith.constant 0 : index
    %get3A_14 = arith.constant 0 : index
    %get3A_15 = vector.load %arg1[%get3A_13, %get3A_14] : memref<2000x128xf32, #tpu.memory_space<vmem>>, vector<2000x128xf32>
    %get3A_16 = arith.constant 0 : index
    %get3A_17 = arith.constant 0 : index
    %get3A_18 = vector.load %arg2[%get3A_16, %get3A_17] : memref<128x128xf32, #tpu.memory_space<vmem>>, vector<128x128xf32>
    %dot_general3A = arith.constant dense<0.000000e+00> : vector<2000x128xf32>
    %dot_general3A_19 = tpu.matmul %get3A_15, %get3A_18, %dot_general3A {dimension_numbers = #tpu.dot_dimension_numbers<[1], [0], [0], [1], [0, 0, 1, 1], [], []>, transpose_lhs_hint = false} : vector<2000x128xf32>, vector<128x128xf32>, vector<2000x128xf32> -> vector<2000x128xf32>
    %broadcast_in_dim3A_20 = vector.shape_cast %select_n3A : vector<2000xf32> to vector<2000x1xf32>
    %mul3A = vector.broadcast %broadcast_in_dim3A_20 : vector<2000x1xf32> to vector<2000x128xf32>
    %mul3A_21 = arith.mulf %dot_general3A_19, %mul3A : vector<2000x128xf32>
    %convert_element_type3A = arith.truncf %mul3A_21 : vector<2000x128xf32> to vector<2000x128xbf16>
    %swap3A = arith.constant 0 : index
    %swap3A_22 = arith.constant 0 : index
    %swap3A_23 = vector.load %arg4[%swap3A, %swap3A_22] : memref<2000x128xbf16, #tpu.memory_space<vmem>>, vector<2000x128xbf16>
    tpu.vector_store %arg4[%swap3A, %swap3A_22], %convert_element_type3A {strides = array<i32>} : memref<2000x128xbf16, #tpu.memory_space<vmem>>, vector<2000x128xbf16>,
    %broadcast_in_dim3A_24 = vector.shape_cast %select_n3A : vector<2000xf32> to vector<2000x1xf32>
    %swap3A_25 = arith.constant 0 : index
    %swap3A_26 = arith.constant 0 : index
    %swap3A_27 = vector.load %arg5[%swap3A_25, %swap3A_26] : memref<2000x1xf32, #tpu.memory_space<vmem>>, vector<2000x1xf32>
    tpu.vector_store %arg5[%swap3A_25, %swap3A_26], %broadcast_in_dim3A_24 {strides = array<i32>} : memref<2000x1xf32, #tpu.memory_space<vmem>>, vector<2000x1xf32>,
    return
  }
  func.func @transform_0(%arg0: i32) -> (i32, i32) {
    %c0_i32 = arith.constant 0 : i32
    %c0_i32_0 = arith.constant 0 : i32
    return %arg0, %c0_i32 : i32, i32
  }
  func.func @transform_1(%arg0: i32) -> (i32, i32) {
    %c0_i32 = arith.constant 0 : i32
    %c0_i32_0 = arith.constant 0 : i32
    %c0_i32_1 = arith.constant 0 : i32
    return %c0_i32, %c0_i32_0 : i32, i32
  }
  func.func @transform_2(%arg0: i32) -> (i32, i32, i32) {
    %c0_i32 = arith.constant 0 : i32
    %c0_i32_0 = arith.constant 0 : i32
    %c0_i32_1 = arith.constant 0 : i32
    return %c0_i32, %arg0, %c0_i32_0 : i32, i32, i32
  }
  func.func @transform_3(%arg0: i32) -> (i32, i32) {
    %c0_i32 = arith.constant 0 : i32
    %c0_i32_0 = arith.constant 0 : i32
    return %arg0, %c0_i32 : i32, i32
  }
  func.func @transform_4(%arg0: i32) -> (i32, i32) {
    %c0_i32 = arith.constant 0 : i32
    %c0_i32_0 = arith.constant 0 : i32
    return %arg0, %c0_i32 : i32, i32
  }
}

module attributes {stable_mosaic.version = 14 : i64} {
  func.func @body(%arg0: i32, %arg1: memref<2x2000x128xbf16, #tpu.memory_space<vmem>>, %arg2: memref<2000x1xf32, #tpu.memory_space<vmem>>, %arg3: memref<1x128xf32, #tpu.memory_space<vmem>>, %arg4: memref<128x64xf32, #tpu.memory_space<vmem>>, %arg5: memref<2000x64xbf16, #tpu.memory_space<vmem>>) attributes {dimension_semantics = [#tpu.dimension_semantics<arbitrary>], iteration_bounds = array<i64: 5>, scalar_prefetch = 0 : i64, scratch_operands = 0 : i64, tpu.core_type = #tpu.core_type<tc>, window_params = [{transform_indices = @transform_0, window_bounds = array<i64: 2, 2000, 128>}, {transform_indices = @transform_1, window_bounds = array<i64: 2000, 1>}, {pipeline_mode = #tpu.pipeline_mode<synchronous>, transform_indices = @transform_2, window_bounds = array<i64: 1, 128>}, {pipeline_mode = #tpu.pipeline_mode<synchronous>, transform_indices = @transform_3, window_bounds = array<i64: 128, 64>}, {transform_indices = @transform_4, window_bounds = array<i64: 2000, 64>}]} {
    %get3A = arith.constant 0 : index
    %get3A_0 = arith.constant 0 : index
    %get3A_1 = arith.constant 0 : index
    %get3A_2 = vector.load %arg1[%get3A, %get3A_0, %get3A_1] : memref<2x2000x128xbf16, #tpu.memory_space<vmem>>, vector<1x2000x128xbf16>
    %get3A_3 = vector.shape_cast %get3A_2 : vector<1x2000x128xbf16> to vector<2000x128xbf16>
    %convert_element_type3A = arith.extf %get3A_3 : vector<2000x128xbf16> to vector<2000x128xf32>
    %get3A_4 = arith.constant 1 : index
    %get3A_5 = arith.constant 0 : index
    %get3A_6 = arith.constant 0 : index
    %get3A_7 = vector.load %arg1[%get3A_4, %get3A_5, %get3A_6] : memref<2x2000x128xbf16, #tpu.memory_space<vmem>>, vector<1x2000x128xbf16>
    %get3A_8 = vector.shape_cast %get3A_7 : vector<1x2000x128xbf16> to vector<2000x128xbf16>
    %convert_element_type3A_9 = arith.extf %get3A_8 : vector<2000x128xbf16> to vector<2000x128xf32>
    %add3A = arith.addf %convert_element_type3A, %convert_element_type3A_9 : vector<2000x128xf32>
    %get3A_10 = arith.constant 0 : index
    %get3A_11 = arith.constant 0 : index
    %get3A_12 = vector.load %arg2[%get3A_10, %get3A_11] : memref<2000x1xf32, #tpu.memory_space<vmem>>, vector<2000x1xf32>
    %mul3A = vector.broadcast %get3A_12 : vector<2000x1xf32> to vector<2000x128xf32>
    %mul3A_13 = arith.mulf %add3A, %mul3A : vector<2000x128xf32>
    %get3A_14 = arith.constant 0 : index
    %get3A_15 = arith.constant 0 : index
    %get3A_16 = vector.load %arg3[%get3A_14, %get3A_15] : memref<1x128xf32, #tpu.memory_space<vmem>>, vector<1x128xf32>
    %add3A_17 = vector.broadcast %get3A_16 : vector<1x128xf32> to vector<2000x128xf32>
    %add3A_18 = arith.addf %mul3A_13, %add3A_17 : vector<2000x128xf32>
    %max3A = arith.constant 0.000000e+00 : f32
    %max3A_19 = vector.broadcast %max3A : f32 to vector<2000x128xf32>
    %max3A_20 = arith.maximumf %add3A_18, %max3A_19 : vector<2000x128xf32>
    %get3A_21 = arith.constant 0 : index
    %get3A_22 = arith.constant 0 : index
    %get3A_23 = vector.load %arg4[%get3A_21, %get3A_22] : memref<128x64xf32, #tpu.memory_space<vmem>>, vector<128x64xf32>
    %dot_general3A = arith.constant dense<0.000000e+00> : vector<2000x64xf32>
    %dot_general3A_24 = tpu.matmul %max3A_20, %get3A_23, %dot_general3A {dimension_numbers = #tpu.dot_dimension_numbers<[1], [0], [0], [1], [0, 0, 1, 1], [], []>, transpose_lhs_hint = false} : vector<2000x128xf32>, vector<128x64xf32>, vector<2000x64xf32> -> vector<2000x64xf32>
    %get3A_25 = arith.constant 0 : index
    %get3A_26 = arith.constant 0 : index
    %get3A_27 = vector.load %arg2[%get3A_25, %get3A_26] : memref<2000x1xf32, #tpu.memory_space<vmem>>, vector<2000x1xf32>
    %mul3A_28 = vector.broadcast %get3A_27 : vector<2000x1xf32> to vector<2000x64xf32>
    %mul3A_29 = arith.mulf %dot_general3A_24, %mul3A_28 : vector<2000x64xf32>
    %convert_element_type3A_30 = arith.truncf %mul3A_29 : vector<2000x64xf32> to vector<2000x64xbf16>
    %swap3A = arith.constant 0 : index
    %swap3A_31 = arith.constant 0 : index
    %swap3A_32 = vector.load %arg5[%swap3A, %swap3A_31] : memref<2000x64xbf16, #tpu.memory_space<vmem>>, vector<2000x64xbf16>
    tpu.vector_store %arg5[%swap3A, %swap3A_31], %convert_element_type3A_30 {strides = array<i32>} : memref<2000x64xbf16, #tpu.memory_space<vmem>>, vector<2000x64xbf16>,
    return
  }
  func.func @transform_0(%arg0: i32) -> (i32, i32, i32) {
    %c0_i32 = arith.constant 0 : i32
    %c0_i32_0 = arith.constant 0 : i32
    %c0_i32_1 = arith.constant 0 : i32
    return %c0_i32, %arg0, %c0_i32_0 : i32, i32, i32
  }
  func.func @transform_1(%arg0: i32) -> (i32, i32) {
    %c0_i32 = arith.constant 0 : i32
    %c0_i32_0 = arith.constant 0 : i32
    return %arg0, %c0_i32 : i32, i32
  }
  func.func @transform_2(%arg0: i32) -> (i32, i32) {
    %c0_i32 = arith.constant 0 : i32
    %c0_i32_0 = arith.constant 0 : i32
    %c0_i32_1 = arith.constant 0 : i32
    return %c0_i32, %c0_i32_0 : i32, i32
  }
  func.func @transform_3(%arg0: i32) -> (i32, i32) {
    %c0_i32 = arith.constant 0 : i32
    %c0_i32_0 = arith.constant 0 : i32
    %c0_i32_1 = arith.constant 0 : i32
    return %c0_i32, %c0_i32_0 : i32, i32
  }
  func.func @transform_4(%arg0: i32) -> (i32, i32) {
    %c0_i32 = arith.constant 0 : i32
    %c0_i32_0 = arith.constant 0 : i32
    return %arg0, %c0_i32 : i32, i32
  }
}

module attributes {stable_mosaic.version = 14 : i64} {
  func.func @body(%arg0: i32, %arg1: memref<2x2000x64xbf16, #tpu.memory_space<vmem>>, %arg2: memref<2000x1xf32, #tpu.memory_space<vmem>>, %arg3: memref<1x64xf32, #tpu.memory_space<vmem>>, %arg4: memref<64x32xf32, #tpu.memory_space<vmem>>, %arg5: memref<2000x32xbf16, #tpu.memory_space<vmem>>) attributes {dimension_semantics = [#tpu.dimension_semantics<arbitrary>], iteration_bounds = array<i64: 5>, scalar_prefetch = 0 : i64, scratch_operands = 0 : i64, tpu.core_type = #tpu.core_type<tc>, window_params = [{transform_indices = @transform_0, window_bounds = array<i64: 2, 2000, 64>}, {transform_indices = @transform_1, window_bounds = array<i64: 2000, 1>}, {pipeline_mode = #tpu.pipeline_mode<synchronous>, transform_indices = @transform_2, window_bounds = array<i64: 1, 64>}, {pipeline_mode = #tpu.pipeline_mode<synchronous>, transform_indices = @transform_3, window_bounds = array<i64: 64, 32>}, {transform_indices = @transform_4, window_bounds = array<i64: 2000, 32>}]} {
    %get3A = arith.constant 0 : index
    %get3A_0 = arith.constant 0 : index
    %get3A_1 = arith.constant 0 : index
    %get3A_2 = vector.load %arg1[%get3A, %get3A_0, %get3A_1] : memref<2x2000x64xbf16, #tpu.memory_space<vmem>>, vector<1x2000x64xbf16>
    %get3A_3 = vector.shape_cast %get3A_2 : vector<1x2000x64xbf16> to vector<2000x64xbf16>
    %convert_element_type3A = arith.extf %get3A_3 : vector<2000x64xbf16> to vector<2000x64xf32>
    %get3A_4 = arith.constant 1 : index
    %get3A_5 = arith.constant 0 : index
    %get3A_6 = arith.constant 0 : index
    %get3A_7 = vector.load %arg1[%get3A_4, %get3A_5, %get3A_6] : memref<2x2000x64xbf16, #tpu.memory_space<vmem>>, vector<1x2000x64xbf16>
    %get3A_8 = vector.shape_cast %get3A_7 : vector<1x2000x64xbf16> to vector<2000x64xbf16>
    %convert_element_type3A_9 = arith.extf %get3A_8 : vector<2000x64xbf16> to vector<2000x64xf32>
    %add3A = arith.addf %convert_element_type3A, %convert_element_type3A_9 : vector<2000x64xf32>
    %get3A_10 = arith.constant 0 : index
    %get3A_11 = arith.constant 0 : index
    %get3A_12 = vector.load %arg2[%get3A_10, %get3A_11] : memref<2000x1xf32, #tpu.memory_space<vmem>>, vector<2000x1xf32>
    %mul3A = vector.broadcast %get3A_12 : vector<2000x1xf32> to vector<2000x64xf32>
    %mul3A_13 = arith.mulf %add3A, %mul3A : vector<2000x64xf32>
    %get3A_14 = arith.constant 0 : index
    %get3A_15 = arith.constant 0 : index
    %get3A_16 = vector.load %arg3[%get3A_14, %get3A_15] : memref<1x64xf32, #tpu.memory_space<vmem>>, vector<1x64xf32>
    %add3A_17 = vector.broadcast %get3A_16 : vector<1x64xf32> to vector<2000x64xf32>
    %add3A_18 = arith.addf %mul3A_13, %add3A_17 : vector<2000x64xf32>
    %max3A = arith.constant 0.000000e+00 : f32
    %max3A_19 = vector.broadcast %max3A : f32 to vector<2000x64xf32>
    %max3A_20 = arith.maximumf %add3A_18, %max3A_19 : vector<2000x64xf32>
    %get3A_21 = arith.constant 0 : index
    %get3A_22 = arith.constant 0 : index
    %get3A_23 = vector.load %arg4[%get3A_21, %get3A_22] : memref<64x32xf32, #tpu.memory_space<vmem>>, vector<64x32xf32>
    %dot_general3A = arith.constant dense<0.000000e+00> : vector<2000x32xf32>
    %dot_general3A_24 = tpu.matmul %max3A_20, %get3A_23, %dot_general3A {dimension_numbers = #tpu.dot_dimension_numbers<[1], [0], [0], [1], [0, 0, 1, 1], [], []>, transpose_lhs_hint = false} : vector<2000x64xf32>, vector<64x32xf32>, vector<2000x32xf32> -> vector<2000x32xf32>
    %get3A_25 = arith.constant 0 : index
    %get3A_26 = arith.constant 0 : index
    %get3A_27 = vector.load %arg2[%get3A_25, %get3A_26] : memref<2000x1xf32, #tpu.memory_space<vmem>>, vector<2000x1xf32>
    %mul3A_28 = vector.broadcast %get3A_27 : vector<2000x1xf32> to vector<2000x32xf32>
    %mul3A_29 = arith.mulf %dot_general3A_24, %mul3A_28 : vector<2000x32xf32>
    %convert_element_type3A_30 = arith.truncf %mul3A_29 : vector<2000x32xf32> to vector<2000x32xbf16>
    %swap3A = arith.constant 0 : index
    %swap3A_31 = arith.constant 0 : index
    %swap3A_32 = vector.load %arg5[%swap3A, %swap3A_31] : memref<2000x32xbf16, #tpu.memory_space<vmem>>, vector<2000x32xbf16>
    tpu.vector_store %arg5[%swap3A, %swap3A_31], %convert_element_type3A_30 {strides = array<i32>} : memref<2000x32xbf16, #tpu.memory_space<vmem>>, vector<2000x32xbf16>,
    return
  }
  func.func @transform_0(%arg0: i32) -> (i32, i32, i32) {
    %c0_i32 = arith.constant 0 : i32
    %c0_i32_0 = arith.constant 0 : i32
    %c0_i32_1 = arith.constant 0 : i32
    return %c0_i32, %arg0, %c0_i32_0 : i32, i32, i32
  }
  func.func @transform_1(%arg0: i32) -> (i32, i32) {
    %c0_i32 = arith.constant 0 : i32
    %c0_i32_0 = arith.constant 0 : i32
    return %arg0, %c0_i32 : i32, i32
  }
  func.func @transform_2(%arg0: i32) -> (i32, i32) {
    %c0_i32 = arith.constant 0 : i32
    %c0_i32_0 = arith.constant 0 : i32
    %c0_i32_1 = arith.constant 0 : i32
    return %c0_i32, %c0_i32_0 : i32, i32
  }
  func.func @transform_3(%arg0: i32) -> (i32, i32) {
    %c0_i32 = arith.constant 0 : i32
    %c0_i32_0 = arith.constant 0 : i32
    %c0_i32_1 = arith.constant 0 : i32
    return %c0_i32, %c0_i32_0 : i32, i32
  }
  func.func @transform_4(%arg0: i32) -> (i32, i32) {
    %c0_i32 = arith.constant 0 : i32
    %c0_i32_0 = arith.constant 0 : i32
    return %arg0, %c0_i32 : i32, i32
  }
}

module attributes {stable_mosaic.version = 14 : i64} {
  func.func @body(%arg0: i32, %arg1: memref<2x2000x32xbf16, #tpu.memory_space<vmem>>, %arg2: memref<2000x1xf32, #tpu.memory_space<vmem>>, %arg3: memref<1x32xf32, #tpu.memory_space<vmem>>, %arg4: memref<1x1x2000xi32, #tpu.memory_space<vmem>>, %arg5: memref<2x1000x16xf32, #tpu.memory_space<vmem>>, %arg6: memref<1000x8xf32, #tpu.memory_space<vmem>>, %arg7: memref<32x16xf32, #tpu.memory_space<vmem>>, %arg8: memref<8x16xf32, #tpu.memory_space<vmem>>, %arg9: memref<1x16xf32, #tpu.memory_space<vmem>>, %arg10: memref<1x16xf32, #tpu.memory_space<vmem>>, %arg11: memref<1000x32xf32, #tpu.memory_space<vmem>>) attributes {dimension_semantics = [#tpu.dimension_semantics<arbitrary>], iteration_bounds = array<i64: 5>, scalar_prefetch = 0 : i64, scratch_operands = 1 : i64, tpu.core_type = #tpu.core_type<tc>, window_params = [{transform_indices = @transform_0, window_bounds = array<i64: 2, 2000, 32>}, {transform_indices = @transform_1, window_bounds = array<i64: 2000, 1>}, {pipeline_mode = #tpu.pipeline_mode<synchronous>, transform_indices = @transform_2, window_bounds = array<i64: 1, 32>}, {transform_indices = @transform_3, window_bounds = array<i64: 1, 1, 2000>}, {pipeline_mode = #tpu.pipeline_mode<synchronous>, transform_indices = @transform_4, window_bounds = array<i64: 2, 1000, 16>}, {pipeline_mode = #tpu.pipeline_mode<synchronous>, transform_indices = @transform_5, window_bounds = array<i64: 1000, 8>}, {pipeline_mode = #tpu.pipeline_mode<synchronous>, transform_indices = @transform_6, window_bounds = array<i64: 32, 16>}, {pipeline_mode = #tpu.pipeline_mode<synchronous>, transform_indices = @transform_7, window_bounds = array<i64: 8, 16>}, {pipeline_mode = #tpu.pipeline_mode<synchronous>, transform_indices = @transform_8, window_bounds = array<i64: 1, 16>}, {pipeline_mode = #tpu.pipeline_mode<synchronous>, transform_indices = @transform_9, window_bounds = array<i64: 1, 16>}]} {
    %get3A = arith.constant 0 : index
    %get3A_0 = arith.constant 0 : index
    %get3A_1 = arith.constant 0 : index
    %get3A_2 = vector.load %arg1[%get3A, %get3A_0, %get3A_1] : memref<2x2000x32xbf16, #tpu.memory_space<vmem>>, vector<1x2000x32xbf16>
    %get3A_3 = vector.shape_cast %get3A_2 : vector<1x2000x32xbf16> to vector<2000x32xbf16>
    %convert_element_type3A = arith.extf %get3A_3 : vector<2000x32xbf16> to vector<2000x32xf32>
    %get3A_4 = arith.constant 1 : index
    %get3A_5 = arith.constant 0 : index
    %get3A_6 = arith.constant 0 : index
    %get3A_7 = vector.load %arg1[%get3A_4, %get3A_5, %get3A_6] : memref<2x2000x32xbf16, #tpu.memory_space<vmem>>, vector<1x2000x32xbf16>
    %get3A_8 = vector.shape_cast %get3A_7 : vector<1x2000x32xbf16> to vector<2000x32xbf16>
    %convert_element_type3A_9 = arith.extf %get3A_8 : vector<2000x32xbf16> to vector<2000x32xf32>
    %add3A = arith.addf %convert_element_type3A, %convert_element_type3A_9 : vector<2000x32xf32>
    %get3A_10 = arith.constant 0 : index
    %get3A_11 = arith.constant 0 : index
    %get3A_12 = vector.load %arg2[%get3A_10, %get3A_11] : memref<2000x1xf32, #tpu.memory_space<vmem>>, vector<2000x1xf32>
    %mul3A = vector.broadcast %get3A_12 : vector<2000x1xf32> to vector<2000x32xf32>
    %mul3A_13 = arith.mulf %add3A, %mul3A : vector<2000x32xf32>
    %get3A_14 = arith.constant 0 : index
    %get3A_15 = arith.constant 0 : index
    %get3A_16 = vector.load %arg3[%get3A_14, %get3A_15] : memref<1x32xf32, #tpu.memory_space<vmem>>, vector<1x32xf32>
    %add3A_17 = vector.broadcast %get3A_16 : vector<1x32xf32> to vector<2000x32xf32>
    %add3A_18 = arith.addf %mul3A_13, %add3A_17 : vector<2000x32xf32>
    %get3A_19 = arith.constant 0 : index
    %get3A_20 = arith.constant 0 : index
    %get3A_21 = arith.constant 0 : index
    %get3A_22 = vector.load %arg4[%get3A_19, %get3A_20, %get3A_21] : memref<1x1x2000xi32, #tpu.memory_space<vmem>>, vector<1x1x2000xi32>
    %get3A_23 = vector.shape_cast %get3A_22 : vector<1x1x2000xi32> to vector<2000xi32>
    %iota3A = tpu.iota {dimensions = array<i32: 0>} : vector<1000x2000xi32>
    %broadcast_in_dim3A = vector.shape_cast %get3A_23 : vector<2000xi32> to vector<1x2000xi32>
    %eq3A = vector.broadcast %broadcast_in_dim3A : vector<1x2000xi32> to vector<1000x2000xi32>
    %eq3A_24 = arith.cmpi eq, %iota3A, %eq3A : vector<1000x2000xi32>
    %convert_element_type3A_25 = arith.extui %eq3A_24 : vector<1000x2000xi1> to vector<1000x2000xi32>
    %convert_element_type3A_26 = arith.sitofp %convert_element_type3A_25 : vector<1000x2000xi32> to vector<1000x2000xf32>
    %dot_general3A = arith.constant dense<0.000000e+00> : vector<1000x32xf32>
    %dot_general3A_27 = tpu.matmul %convert_element_type3A_26, %add3A_18, %dot_general3A {dimension_numbers = #tpu.dot_dimension_numbers<[1], [0], [0], [1], [0, 0, 1, 1], [], []>, transpose_lhs_hint = false} : vector<1000x2000xf32>, vector<2000x32xf32>, vector<1000x32xf32> -> vector<1000x32xf32>
    %eq3A_28 = arith.constant 0 : i32
    %eq3A_29 = arith.cmpi eq, %arg0, %eq3A_28 : i32
    %convert_element_type3A_30 = arith.extui %eq3A_29 : i1 to i32
    %cond3A = arith.constant 0 : i32
    %cond3A_31 = arith.cmpi ne, %convert_element_type3A_30, %cond3A : i32
    scf.if %cond3A_31 {
      %swap3A = arith.constant 0 : index
      %swap3A_41 = arith.constant 0 : index
      %swap3A_42 = vector.load %arg11[%swap3A, %swap3A_41] : memref<1000x32xf32, #tpu.memory_space<vmem>>, vector<1000x32xf32>
      tpu.vector_store %arg11[%swap3A, %swap3A_41], %dot_general3A_27 {strides = array<i32>} : memref<1000x32xf32, #tpu.memory_space<vmem>>, vector<1000x32xf32>,
    } else {
    }
    %gt3A = arith.constant 0 : i32
    %gt3A_32 = arith.cmpi sgt, %arg0, %gt3A : i32
    %convert_element_type3A_33 = arith.extui %gt3A_32 : i1 to i32
    %cond3A_34 = arith.constant 0 : i32
    %cond3A_35 = arith.cmpi ne, %convert_element_type3A_33, %cond3A_34 : i32
    scf.if %cond3A_35 {
      %get3A_41 = arith.constant 0 : index
      %get3A_42 = arith.constant 0 : index
      %get3A_43 = vector.load %arg11[%get3A_41, %get3A_42] : memref<1000x32xf32, #tpu.memory_space<vmem>>, vector<1000x32xf32>
      %add3A_44 = arith.addf %get3A_43, %dot_general3A_27 : vector<1000x32xf32>
      %swap3A = arith.constant 0 : index
      %swap3A_45 = arith.constant 0 : index
      %swap3A_46 = vector.load %arg11[%swap3A, %swap3A_45] : memref<1000x32xf32, #tpu.memory_space<vmem>>, vector<1000x32xf32>
      tpu.vector_store %arg11[%swap3A, %swap3A_45], %add3A_44 {strides = array<i32>} : memref<1000x32xf32, #tpu.memory_space<vmem>>, vector<1000x32xf32>,
    } else {
    }
    %eq3A_36 = arith.constant 4 : i32
    %eq3A_37 = arith.cmpi eq, %arg0, %eq3A_36 : i32
    %convert_element_type3A_38 = arith.extui %eq3A_37 : i1 to i32
    %cond3A_39 = arith.constant 0 : i32
    %cond3A_40 = arith.cmpi ne, %convert_element_type3A_38, %cond3A_39 : i32
    scf.if %cond3A_40 {
      %get3A_41 = arith.constant 0 : index
      %get3A_42 = arith.constant 0 : index
      %get3A_43 = arith.constant 0 : index
      %get3A_44 = vector.load %arg5[%get3A_41, %get3A_42, %get3A_43] : memref<2x1000x16xf32, #tpu.memory_space<vmem>>, vector<1x1000x1xf32>
      %get3A_45 = vector.shape_cast %get3A_44 : vector<1x1000x1xf32> to vector<1000xf32>
      %get3A_46 = arith.constant 1 : index
      %get3A_47 = arith.constant 0 : index
      %get3A_48 = arith.constant 0 : index
      %get3A_49 = vector.load %arg5[%get3A_46, %get3A_47, %get3A_48] : memref<2x1000x16xf32, #tpu.memory_space<vmem>>, vector<1x1000x1xf32>
      %get3A_50 = vector.shape_cast %get3A_49 : vector<1x1000x1xf32> to vector<1000xf32>
      %add3A_51 = arith.addf %get3A_45, %get3A_50 : vector<1000xf32>
      %get3A_52 = arith.constant 0 : index
      %get3A_53 = arith.constant 0 : index
      %get3A_54 = vector.load %arg11[%get3A_52, %get3A_53] : memref<1000x32xf32, #tpu.memory_space<vmem>>, vector<1000x32xf32>
      %max3A = arith.constant 1.000000e+00 : f32
      %max3A_55 = vector.broadcast %max3A : f32 to vector<1000xf32>
      %max3A_56 = arith.maximumf %add3A_51, %max3A_55 : vector<1000xf32>
      %broadcast_in_dim3A_57 = vector.shape_cast %max3A_56 : vector<1000xf32> to vector<1000x1xf32>
      %div3A = vector.broadcast %broadcast_in_dim3A_57 : vector<1000x1xf32> to vector<1000x32xf32>
      %div3A_58 = arith.divf %get3A_54, %div3A : vector<1000x32xf32>
      %reduce_sum3A = arith.constant dense<0.000000e+00> : vector<32xf32>
      %reduce_sum3A_59 = vector.multi_reduction <add>, %div3A_58, %reduce_sum3A [0] : vector<1000x32xf32> to vector<32xf32>
      %broadcast_in_dim3A_60 = vector.shape_cast %reduce_sum3A_59 : vector<32xf32> to vector<1x32xf32>
      %div3A_61 = arith.constant 1.000000e+03 : f32
      %div3A_62 = vector.broadcast %div3A_61 : f32 to vector<1x32xf32>
      %div3A_63 = arith.divf %broadcast_in_dim3A_60, %div3A_62 : vector<1x32xf32>
      %get3A_64 = arith.constant 0 : index
      %get3A_65 = arith.constant 0 : index
      %get3A_66 = vector.load %arg6[%get3A_64, %get3A_65] : memref<1000x8xf32, #tpu.memory_space<vmem>>, vector<1000x8xf32>
      %reduce_sum3A_67 = arith.constant dense<0.000000e+00> : vector<8xf32>
      %reduce_sum3A_68 = vector.multi_reduction <add>, %get3A_66, %reduce_sum3A_67 [0] : vector<1000x8xf32> to vector<8xf32>
      %broadcast_in_dim3A_69 = vector.shape_cast %reduce_sum3A_68 : vector<8xf32> to vector<1x8xf32>
      %div3A_70 = arith.constant 1.000000e+03 : f32
      %div3A_71 = vector.broadcast %div3A_70 : f32 to vector<1x8xf32>
      %div3A_72 = arith.divf %broadcast_in_dim3A_69, %div3A_71 : vector<1x8xf32>
      %get3A_73 = arith.constant 0 : index
      %get3A_74 = arith.constant 0 : index
      %get3A_75 = vector.load %arg7[%get3A_73, %get3A_74] : memref<32x16xf32, #tpu.memory_space<vmem>>, vector<32x16xf32>
      %dot_general3A_76 = arith.constant dense<0.000000e+00> : vector<1x16xf32>
      %dot_general3A_77 = tpu.matmul %div3A_63, %get3A_75, %dot_general3A_76 {dimension_numbers = #tpu.dot_dimension_numbers<[1], [0], [0], [1], [0, 0, 1, 1], [], []>, transpose_lhs_hint = false} : vector<1x32xf32>, vector<32x16xf32>, vector<1x16xf32> -> vector<1x16xf32>
      %get3A_78 = arith.constant 0 : index
      %get3A_79 = arith.constant 0 : index
      %get3A_80 = vector.load %arg8[%get3A_78, %get3A_79] : memref<8x16xf32, #tpu.memory_space<vmem>>, vector<8x16xf32>
      %dot_general3A_81 = arith.constant dense<0.000000e+00> : vector<1x16xf32>
      %dot_general3A_82 = tpu.matmul %div3A_72, %get3A_80, %dot_general3A_81 {dimension_numbers = #tpu.dot_dimension_numbers<[1], [0], [0], [1], [0, 0, 1, 1], [], []>, transpose_lhs_hint = false} : vector<1x8xf32>, vector<8x16xf32>, vector<1x16xf32> -> vector<1x16xf32>
      %add3A_83 = arith.addf %dot_general3A_77, %dot_general3A_82 : vector<1x16xf32>
      %get3A_84 = arith.constant 0 : index
      %get3A_85 = arith.constant 0 : index
      %get3A_86 = vector.load %arg9[%get3A_84, %get3A_85] : memref<1x16xf32, #tpu.memory_space<vmem>>, vector<1x16xf32>
      %add3A_87 = arith.addf %add3A_83, %get3A_86 : vector<1x16xf32>
      %reduce_max3A = arith.constant dense<0xFF800000> : vector<1xf32>
      %reduce_max3A_88 = vector.multi_reduction <maximumf>, %add3A_87, %reduce_max3A [1] : vector<1x16xf32> to vector<1xf32>
      %broadcast_in_dim3A_89 = vector.shape_cast %reduce_max3A_88 : vector<1xf32> to vector<1x1xf32>
      %sub3A = vector.broadcast %broadcast_in_dim3A_89 : vector<1x1xf32> to vector<1x16xf32>
      %sub3A_90 = arith.subf %add3A_87, %sub3A : vector<1x16xf32>
      %exp3A = math.exp %sub3A_90 : vector<1x16xf32>
      %reduce_sum3A_91 = arith.constant dense<0.000000e+00> : vector<1xf32>
      %reduce_sum3A_92 = vector.multi_reduction <add>, %exp3A, %reduce_sum3A_91 [1] : vector<1x16xf32> to vector<1xf32>
      %broadcast_in_dim3A_93 = vector.shape_cast %reduce_sum3A_92 : vector<1xf32> to vector<1x1xf32>
      %div3A_94 = vector.broadcast %broadcast_in_dim3A_93 : vector<1x1xf32> to vector<1x16xf32>
      %div3A_95 = arith.divf %exp3A, %div3A_94 : vector<1x16xf32>
      %swap3A = arith.constant 0 : index
      %swap3A_96 = arith.constant 0 : index
      %swap3A_97 = vector.load %arg10[%swap3A, %swap3A_96] : memref<1x16xf32, #tpu.memory_space<vmem>>, vector<1x16xf32>
      tpu.vector_store %arg10[%swap3A, %swap3A_96], %div3A_95 {strides = array<i32>} : memref<1x16xf32, #tpu.memory_space<vmem>>, vector<1x16xf32>,
    } else {
    }
    return
  }
  func.func @transform_0(%arg0: i32) -> (i32, i32, i32) {
    %c0_i32 = arith.constant 0 : i32
    %c0_i32_0 = arith.constant 0 : i32
    %c0_i32_1 = arith.constant 0 : i32
    return %c0_i32, %arg0, %c0_i32_0 : i32, i32, i32
  }
  func.func @transform_1(%arg0: i32) -> (i32, i32) {
    %c0_i32 = arith.constant 0 : i32
    %c0_i32_0 = arith.constant 0 : i32
    return %arg0, %c0_i32 : i32, i32
  }
  func.func @transform_2(%arg0: i32) -> (i32, i32) {
    %c0_i32 = arith.constant 0 : i32
    %c0_i32_0 = arith.constant 0 : i32
    %c0_i32_1 = arith.constant 0 : i32
    return %c0_i32, %c0_i32_0 : i32, i32
  }
  func.func @transform_3(%arg0: i32) -> (i32, i32, i32) {
    %c0_i32 = arith.constant 0 : i32
    %c0_i32_0 = arith.constant 0 : i32
    %c0_i32_1 = arith.constant 0 : i32
    return %arg0, %c0_i32, %c0_i32_0 : i32, i32, i32
  }
  func.func @transform_4(%arg0: i32) -> (i32, i32, i32) {
    %c0_i32 = arith.constant 0 : i32
    %c0_i32_0 = arith.constant 0 : i32
    %c0_i32_1 = arith.constant 0 : i32
    %c0_i32_2 = arith.constant 0 : i32
    return %c0_i32, %c0_i32_0, %c0_i32_1 : i32, i32, i32
  }
  func.func @transform_5(%arg0: i32) -> (i32, i32) {
    %c0_i32 = arith.constant 0 : i32
    %c0_i32_0 = arith.constant 0 : i32
    %c0_i32_1 = arith.constant 0 : i32
    return %c0_i32, %c0_i32_0 : i32, i32
  }
  func.func @transform_6(%arg0: i32) -> (i32, i32) {
    %c0_i32 = arith.constant 0 : i32
    %c0_i32_0 = arith.constant 0 : i32
    %c0_i32_1 = arith.constant 0 : i32
    return %c0_i32, %c0_i32_0 : i32, i32
  }
  func.func @transform_7(%arg0: i32) -> (i32, i32) {
    %c0_i32 = arith.constant 0 : i32
    %c0_i32_0 = arith.constant 0 : i32
    %c0_i32_1 = arith.constant 0 : i32
    return %c0_i32, %c0_i32_0 : i32, i32
  }
  func.func @transform_8(%arg0: i32) -> (i32, i32) {
    %c0_i32 = arith.constant 0 : i32
    %c0_i32_0 = arith.constant 0 : i32
    %c0_i32_1 = arith.constant 0 : i32
    return %c0_i32, %c0_i32_0 : i32, i32
  }
  func.func @transform_9(%arg0: i32) -> (i32, i32) {
    %c0_i32 = arith.constant 0 : i32
    %c0_i32_0 = arith.constant 0 : i32
    %c0_i32_1 = arith.constant 0 : i32
    return %c0_i32, %c0_i32_0 : i32, i32
  }
}

</mosaic_0001>

<sc_bundles>
// kernel: kernel.10.cloned.1.call-start
scs
__scs_entry_jumppad:
0x0: {  	(pc) =	sbr.rel $0x88, $3  }
0x1: {  	(tag) =	ssettag $0x0;
	lr =	simm.s32 $0x1  }
0x2: {  	[smem:$0x3F95] =	sst lr;
	_ =	strace $0xD0000000  }
0x3: {  	_ = 	snop  }
0x4: {  	_ = 	snop  }
0x5: {  	_ = 	snop  }
0x6: {  	_ = 	snop  }
0x7: {  	_ = 	snop  }
__scs_overlays_trampoline_lowered:
0x8: {  	[smem:$0x3FA4] =	sst s0  }
0x9: {  	[smem:$0x3FA5] =	sst s1  }
0xa: {  	[smem:$0x3FA6] =	sst s2  }
0xb: {  	[smem:$0x3FA7] =	sst s3  }
0xc: {  	[smem:$0x3FA8] =	sst s4  }
0xd: {  	[smem:$0x3FA9] =	sst s5  }
0xe: {  	[smem:$0x3FAA] =	sst s6  }
0xf: {  	[smem:$0x3FAB] =	sst s7  }
0x10: {  	[smem:$0x3FAC] =	sst s8  }
0x11: {  	[smem:$0x3FAD] =	sst s9;
	s0 =	simm.s32 @!p0 $0x0  }
0x12: {  	s1 =	sld [smem:$0x3F93];
	s0 =	simm.s32 @p0 $0x1  }
0x13: {  	[smem:$0x3FAE] =	sst s0;
	s0 =	simm.s32 @!p1 $0x0  }
0x14: {  	s2 =	sld [smem:$0x3F92];
	s0 =	simm.s32 @p1 $0x1  }
0x15: {  	[smem:$0x3FAF] =	sst s0;
	s0 =	simm.s32 @!p2 $0x0  }
0x16: {  	s3 =	sld [smem:$0x3FDB];
	s0 =	simm.s32 @p2 $0x1  }
0x17: {  	s4 =	simm.s32 $0x1BF5;
	[smem:$0x3FB1] =	sst s0  }
0x18: {  	s0 =	sld [smem:$0x3F94];
	_ =	swait.ge [sflag:s4], $0x0  }
0x19: {  	s7 =	sld [smem:$0x3F95]  }
0x1a: {  	s8 =	sadd.s32 $0xFFFFE003, lr  }
0x1b: {  	s9 =	sadd.s32 $0xFFFFFEF7, lr;
	s5 =	simm.s32 $0xFFFFFFFF;
	p2 =	slt.u32 s8, $0xFFFFF086  }
0x1c: {  	p1 =	slt.u32 s9, $0xF7A;
	s5 =	simm.s32 @!p2 $0x0  }
0x1d: {  	s5 =	simm.s32 @p1 $0x1;
	p0 =	seq.s32 s7, s2  }
0x1e: {  	s7 =	smul.u32 @!p0 $0xF7A, s2;
	p2 =	seq.s32 @!p0 s5, $0x0  }
0x1f: {  	s9 =	smul.u32 $0xF7A, s1;
	s8 =	simm.s32 @!p0 $0x1BF5;
	p2 =	por !p2, p0  }
0x20: {  	[sflag:s8] =	ssyncset.s32 @!p0 $0xFFFFF086;
	s6 =	sadd.s32 @!p0 s3, s7;
	s7 =	simm.s32 @!p0 $0x108  }
0x21: {  	s3 =	sadd.s32 s3, s9;
	s6 =	sadd.s32 @!p0 $0x88, s6;
	s7 =	simm.s32 @p2 $0x1082  }
0x22: {  	[simem:s7], [sflag:s8] =	dma.local @!p0 [hbm:s6], $0xF7A  }
0x23: {  	s9 =	sor.u32 $0xD0000000, s2;
	s6 =	simm.s32 $0x108;
	_ =	swait.ge @!p0 [sflag:s8], $0x0  }
0x24: {  	s3 =	sadd.s32 $0x88, s3;
	s6 =	simm.s32 @!p1 $0x1082;
	[sflag:s4] =	ssyncset.s32 $0xFFFFF086  }
0x25: {  	[simem:s6], [sflag:s4] =	dma.local [hbm:s3], $0xF7A  }
0x26: {  	[smem:$0x3F95] =	sst s1;
	(tag) =	ssettag s2;
	_ =	strace s9  }
0x27: {  	s1 =	sld [smem:$0x3FA5]  }
0x28: {  	s2 =	sld [smem:$0x3FA6]  }
0x29: {  	s4 =	sld [smem:$0x3FA8]  }
0x2a: {  	p0 =	seq.s32 s5, $0x0;
	s5 =	sld [smem:$0x3FA9]  }
0x2b: {  	s6 =	sld [smem:$0x3FAA]  }
0x2c: {  	s7 =	sld [smem:$0x3FAB]  }
0x2d: {  	s3 =	simm.s32 $0x108;
	s8 =	sld [smem:$0x3FAC]  }
0x2e: {  	s3 =	simm.s32 @!p0 $0x1082;
	s9 =	sld [smem:$0x3FAD]  }
0x2f: {  	lr =	sadd.s32 s0, s3;
	s0 =	sld [smem:$0x3FA4]  }
0x30: {  	s3 =	sld [smem:$0x3FA7]  }
0x31: {  	[smem:$0x3FB0] =	sst s10  }
0x32: {  	s10 =	sld [smem:$0x3FAE];
	_ =	sdelay $0x3  }
0x33: {  	p0 =	seq.s32 s10, $0x1;
	s10 =	sld [smem:$0x3FB0];
	_ =	sdelay $0x3  }
0x34: {  	[smem:$0x3FB0] =	sst s10  }
0x35: {  	s10 =	sld [smem:$0x3FAF];
	_ =	sdelay $0x3  }
0x36: {  	p1 =	seq.s32 s10, $0x1;
	s10 =	sld [smem:$0x3FB0];
	_ =	sdelay $0x3  }
0x37: {  	[smem:$0x3FB0] =	sst s10  }
0x38: {  	s10 =	sld [smem:$0x3FB1]  }
0x39: {  	_ = 	snop;
	(pc) =	sbr.ind lr, $3  }
0x3a: {  	_ = 	snop  }
0x3b: {  	_ = 	snop  }
0x3c: {  	p2 =	seq.s32 s10, $0x1;
	s10 =	sld [smem:$0x3FB0]  }
0x3d: {  	_ =	shalt  }
0x3e: {  	_ =	shalt  }
0x3f: {  	_ =	shalt  }
0x40: {  	_ =	shalt  }
0x41: {  	_ =	shalt  }
0x42: {  	_ =	shalt  }
0x43: {  	_ =	shalt  }
0x44: {  	_ =	shalt  }
0x45: {  	_ =	shalt  }
0x46: {  	_ =	shalt  }
0x47: {  	_ =	shalt  }
0x48: {  	_ =	shalt  }
0x49: {  	_ =	shalt  }
0x4a: {  	_ =	shalt  }
0x4b: {  	_ =	shalt  }
0x4c: {  	_ =	shalt  }
0x4d: {  	_ =	shalt  }
0x4e: {  	_ =	shalt  }
0x4f: {  	_ =	shalt  }
0x50: {  	_ =	shalt  }
0x51: {  	_ =	shalt  }
0x52: {  	_ =	shalt  }
0x53: {  	_ =	shalt  }
0x54: {  	_ =	shalt  }
0x55: {  	_ =	shalt  }
0x56: {  	_ =	shalt  }
0x57: {  	_ =	shalt  }
0x58: {  	_ =	shalt  }
0x59: {  	_ =	shalt  }
0x5a: {  	_ =	shalt  }
0x5b: {  	_ =	shalt  }
0x5c: {  	_ =	shalt  }
0x5d: {  	_ =	shalt  }
0x5e: {  	_ =	shalt  }
0x5f: {  	_ =	shalt  }
0x60: {  	_ =	shalt  }
0x61: {  	_ =	shalt  }
0x62: {  	_ =	shalt  }
0x63: {  	_ =	shalt  }
0x64: {  	_ =	shalt  }
0x65: {  	_ =	shalt  }
0x66: {  	_ =	shalt  }
0x67: {  	_ =	shalt  }
0x68: {  	_ =	shalt  }
0x69: {  	_ =	shalt  }
0x6a: {  	_ =	shalt  }
0x6b: {  	_ =	shalt  }
0x6c: {  	_ =	shalt  }
0x6d: {  	_ =	shalt  }
0x6e: {  	_ =	shalt  }
0x6f: {  	_ =	shalt  }
0x70: {  	_ =	shalt  }
0x71: {  	_ =	shalt  }
0x72: {  	_ =	shalt  }
0x73: {  	_ =	shalt  }
0x74: {  	_ =	shalt  }
0x75: {  	_ =	shalt  }
0x76: {  	_ =	shalt  }
0x77: {  	_ =	shalt  }
0x78: {  	_ =	shalt  }
0x79: {  	_ =	shalt  }
0x7a: {  	_ =	shalt  }
0x7b: {  	_ =	shalt  }
0x7c: {  	_ =	shalt  }
0x7d: {  	_ =	shalt  }
0x7e: {  	_ =	shalt  }
0x7f: {  	_ =	shalt  }
0x80: {  	_ =	shalt  }
0x81: {  	_ =	shalt  }
0x82: {  	_ =	shalt  }
0x83: {  	_ =	shalt  }
0x84: {  	_ =	shalt  }
0x85: {  	_ =	shalt  }
0x86: {  	_ =	shalt  }
0x87: {  	_ =	shalt  }
.Lfunc_end0:
.L_simem_size_0:
called_computation_lowered:
.L_overlay_start_0:
0x88: {  	s2 =	sld [smem:$0x3FD9]  }
0x89: {  	s3 =	sld [smem:$0x3FFE];
	_ =	sdelay $0x1  }
0x8a: {  	s1 =	srdreg.scid  }
0x8b: {  	s0 =	sand.u32 $0x1, s1  }
0x8c: {  	s17 =	sshll.u32 s0, $0xA;
	s2 =	sadd.s32 s3, s2  }
0x8d: {  	s2 =	sadd.s32 s2, s17  }
0x8e: {  	[smem:$0x3FBC] =	sst s2  }
0x8f: {  	_ = 	snop  }
0x90: {  	s2 =	sld [smem:$0x3FC7];
	(tm) =	ssettm $0x1  }
0x91: {  	s18 =	sld [smem:$0x3FFB];
	_ =	sdelay $0x3  }
0x92: {  	_ =	strace s18  }
0x93: {  	s3 =	sld [smem:$0x3FFC];
	_ =	sdelay $0x3  }
0x94: {  	_ =	strace s3  }
0x95: {  	s3 =	sld [smem:$0x3FFD];
	_ =	sdelay $0x3  }
0x96: {  	_ =	strace s3  }
0x97: {  	_ =	strace $0x8FFFFFFF  }
0x98: {  	s19 =	sld [smem:$0x3FDB];
	_ =	sdelay $0x1  }
0x99: {  	s4 =	simm.s32 $_scs_section_size  }
0x9a: {  	s5 =	simm.s32 $_size__tile_overlayer_lowered;
	s6 =	simm.s32 $_tile_overlayer_lowered  }
0x9b: {  	s22 =	simm.s32 $0x1BFF;
	s21 =	sshll.u32 s6, $0x1;
	s3 =	sadd.s32 s4, s19  }
0x9c: {  	s7 =	simm.s32 $0x0;
	s20 =	sshll.u32 s5, $0x1;
	s5 =	sadd.s32 s21, s3  }
0x9d: {  	[timem:s7], [sflag:s22] =	dma.local [hbm:s5], s20  }
0x9e: {  	_ =	swait.ge [sflag:s22], s20  }
0x9f: {  	s4 =	ssub.s32 $0x0, s20;
	[sflag:s22] =	ssyncset.done $0x0  }
0xa0: {  	[sflag:s22] =	ssyncadd.s32 s4;
	_ =	sdelay $0x1  }
0xa1: {  	s23 =	simm.s32 $0x1B8B  }
0xa2: {  	_ =	swait.ge [sflag:s23], $0x1  }
0xa3: {  	[sflag:s23] =	ssyncset.done $0x0  }
0xa4: {  	s25 =	simm.s32 $0x1B8E;
	s24 =	sld [smem:$0x3FFE];
	[sflag:s23] =	ssyncadd.s32 $0xFFFFFFFF  }
0xa5: {  	s26 =	simm.s32 $execute0_lowered;
	[smem:$0x3FD2] =	sst s25  }
0xa6: {  	s5 =	sshll.u32 s26, $0x1;
	_ =	strace $0x80000046;
	[dreg:$0x1] =	wrdreg $0xFFFFFFFF  }
0xa7: {  	s28 =	simm.s32 $_size_execute0_lowered;
	s3 =	sadd.s32 s3, s5;
	[dreg:$0x0] =	wrdreg $0x0  }
0xa8: {  	s5 =	sshll.u32 s28, $0x1;
	[dreg:$0x2] =	wrdreg s3  }
0xa9: {  	[dreg:$0x3] =	wrdreg s5  }
0xaa: {  	[dreg:$0x4] =	wrdreg $0xC0  }
0xab: {  	_ =	task [dreg:s7], $0x5FFFF  }
0xac: {  	[dreg:$0x1] =	wrdreg $0xFFFFFFFF  }
0xad: {  	[dreg:$0x0] =	wrdreg $0x60  }
0xae: {  	[dreg:$0x2] =	wrdreg s24  }
0xaf: {  	[dreg:$0x3] =	wrdreg s2  }
0xb0: {  	[dreg:$0x4] =	wrdreg $0x38E00  }
0xb1: {  	[dreg:$0x5] =	wrdreg $0x5FF00  }
0xb2: {  	[dreg:$0x6] =	wrdreg $0x9  }
0xb3: {  	_ =	task.clear_ibuf [dreg:s7], $0x7FFFF;
	_ =	strace $0x90000046  }
0xb4: {  	s29 =	simm.s32 $0x9;
	_ =	strace $0x80000048  }
0xb5: {  	_ =	swait.ge [sflag:s29], $0x1  }
0xb6: {  	[sflag:s29] =	ssyncadd.s32 $0xFFFFFFFF  }
0xb7: {  	_ =	strace $0x90000048  }
0xb8: {  	_ =	sfence  }
0xb9: {  	s30 =	sld [smem:$0x0];
	_ =	sdelay $0x2  }
0xba: {  	s31 =	sshll.u32 s1, $0xD;
	s1 =	sshrl.u32 s1, $0x2  }
0xbb: {  	s3 =	sand.u32 $0x4000, s31;
	s1 =	sadd.s32 s1, s30  }
0xbc: {  	s0 =	sor.u32 s3, s0;
	s1 =	sshll.u32 s1, $0x11  }
0xbd: {  	s0 =	sor.u32 s1, s0  }
0xbe: {  	s0 =	sadd.s32 $0x8F2B, s0  }
0xbf: {  	[sflag:s0] =	ssyncadd.remote.s32 $0x1  }
0xc0: {  	_ =	sfence.sel $0xFFFF  }
0xc1: {  	[dreg:$0x0] =	wrdreg $0xFFFFFFFF;
	(pc) =	sbr.abs _section_cstart, $3  }
0xc2: {  	[dreg:$0x1] =	wrdreg $0xFFFFFFFF  }
0xc3: {  	_ =	task.clear_ibuf [dreg:s7], $0x2FFFF;
	_ =	strace $0x9FFFFFFF  }
0xc4: {  	(tm) =	ssettm $0x7FFFFFFF  }
0xc5: {  	_ =	shalt  }
tec
execute0_lowered:
.L_overlay_start_1:
0x0: {  	(tag) =	ssettag $0x1  }
0x1: {  	s0 =	rddreg [dreg:$0x0]  }
0x2: {  	s1 =	rddreg [dreg:$0x1];
	s25 =	stileid.u32  }
0x3: {  	s4 =	srdreg.scid;
	s21 =	smul.u32 $0xC80, s25  }
0x4: {  	s2 =	rddreg [dreg:$0x2];
	s5 =	sand.u32 $0x1, s4;
	s9 =	smul.u32 $0x3200, s25  }
0x5: {  	s3 =	rddreg [dreg:$0x3];
	s28 =	simm.s32 $0x2C60;
	s6 =	smul.u32 $0x3E80, s5  }
0x6: {  	s29 =	simm.s32 $0x50;
	s10 =	sor.u32 $0x10, s25;
	s11 =	smul.u32 $0x27100, s5  }
0x7: {  	s30 =	simm.s32 $0x2760;
	s12 =	sor.u32 $0x20, s25;
	s16 =	smul.u32 $0x3200, s10  }
0x8: {  	s31 =	simm.s32 $0x2710;
	s19 =	sor.u32 $0x30, s25;
	s17 =	smul.u32 $0x3200, s12  }
0x9: {  	s7 =	sshll.u32 s25, $0x1;
	s4 =	simm.s32 $0x0;
	s18 =	smul.u32 $0x3200, s19  }
0xa: {  	s13 =	sadd.s32 $0x16E00, s0;
	p2 =	sgt.u32 s25, $0x4;
	s22 =	smul.u32 $0xC80, s10  }
0xb: {  	s7 =	sor.u32 s5, s7;
	[smem:$0x7FF] =	sst s4;
	s23 =	smul.u32 $0xC80, s12  }
0xc: {  	s5 =	ssub.s32 $0x2, s5;
	s24 =	smul.u32 $0xC80, s19;
	p0 =	sgt.u32 s19, $0x31  }
0xd: {  	s8 =	smul.u32 $0x2710, s7;
	_ =	strace $0x80000047;
	s14 =	sshrl.u32 s5, $0x1  }
0xe: {  	s15 =	smul.u32 $0xA, s7;
	s20 =	sor.u32 $0x60, s7;
	s26 =	sshrl.u32 s9, $0x2  }
0xf: {  	s6 =	sadd.s32 s21, s6;
	s5 =	ssub.s32 s5, s14;
	s14 =	smul.u32 $0xA, s20  }
0x10: {  	s9 =	sadd.s32 s11, s21;
	s12 =	sadd.s32 s11, s22;
	s16 =	sshrl.u32 s16, $0x2  }
0x11: {  	s17 =	sshrl.u32 s17, $0x2;
	s18 =	sshrl.u32 s18, $0x2;
	p1 =	sgt.u32 s20, $0x7C  }
0x12: {  	s22 =	sadd.s32 s22, s2;
	s6 =	sshrl.u32 s6, $0x3;
	s8 =	sshrl.u32 s8, $0x3  }
0x13: {  	s10 =	sshrl.u32 s9, $0x3;
	s16 =	sadd.s32 s16, s2;
	s17 =	sadd.s32 s17, s2  }
0x14: {  	s18 =	sadd.s32 s18, s2;
	s22 =	sshrl.u32 s22, $0x3;
	s6 =	sadd.s32 s6, s0  }
0x15: {  	s0 =	sadd.s32 s0, s8;
	s8 =	sadd.s32 s26, s3;
	s9 =	sadd.s32 s1, s14  }
0x16: {  	s10 =	sadd.s32 s13, s10;
	s14 =	sadd.s32 s11, s23;
	s11 =	sadd.s32 s11, s24  }
0x17: {  	s24 =	sadd.s32 s24, s2;
	s0 =	sadd.s32 $0xD040, s0;
	[dreg:$0x6] =	wrdreg s8  }
0x18: {  	s6 =	sadd.s32 $0x20C00, s6;
	s8 =	sadd.s32 s1, s15;
	s1 =	sshrl.u32 s12, $0x3  }
0x19: {  	s15 =	sshrl.u32 s11, $0x3;
	s24 =	sshrl.u32 @!p0 s24, $0x3;
	[dreg:$0x5] =	wrdreg s0  }
0x1a: {  	[dreg:$0x7] =	wrdreg s6;
	s6 =	sshrl.u32 s14, $0x3;
	s11 =	sadd.s32 s13, s1  }
0x1b: {  	s1 =	sadd.s32 s21, s3;
	s14 =	smax.u32 s5, $0x1;
	s19 =	sadd.s32 $0x140, s8  }
0x1c: {  	s20 =	sadd.s32 $0x280, s8;
	s21 =	sadd.s32 s21, s2;
	s0 =	simm.s32 $0x2  }
0x1d: {  	s12 =	sadd.s32 s13, s6;
	s13 =	sadd.s32 s13, s15;
	s15 =	sadd.s32 s26, s2  }
0x1e: {  	s26 =	sadd.s32 s23, s2;
	s21 =	sshrl.u32 s21, $0x3;
	s25 =	sshrl.u32 @!p2 s1, $0x3  }
0x1f: {  	v0 =	vimm.f32 $0.0e+00;
	v1 =	vimm.f32 $1.000000000e+00;
	s1 =	simm.s32 $0x0;
	s23 =	sshrl.u32 s26, $0x3;
	s26 =	simm.s32 $0x1  }
.LBB2_1:
0x20: {  	s5 =	rddreg [dreg:$0x5]  }
0x21: {  	[tilespmem:s4], [sflag:$0x1] =	stream.linear.gather [hbm4b:s5+s4], $0x2710, $0x38;
	[tilespmem:$0x63D8] =	vst v63  }
0x22: {  	_ =	swait.ge [sflag:s26], $0x2710  }
0x23: {  	[sflag:s26] =	ssyncset.done $0x0  }
0x24: {  	s5 =	simm.s32 $0x0;
	[sflag:s26] =	ssyncadd.s32 $0xFFFFD8F0  }
.LBB2_2:
0x25: {  	p3 =	sne.s32 s5, $0x31C0  }
.Ltmp0:
0x26: {  	_ = 	snop;
	(pc) =	sbr.rel @p3 .LBB2_2-.Ltmp0, $3  }
0x27: {  	_ =	sdelay $0x1  }
0x28: {  	s6 =	sshra.s32 s5, $0x2  }
0x29: {  	s5 =	sadd.s32 $0x40, s5;
	[tilespmem:s6+$0x2C60] =	vst v0  }
0x2a: {  	s5 =	simm.s32 $0x40;
	s6 =	simm.s32 $0x0  }
.LBB2_4:
0x2b: {  	p3 =	sne.s32 s5, $0x13C0;
	[tilespmem:s6+$0x2760] =	vst v1;
	s6 =	smov.u32 s5;
	s5 =	sadd.s32 $0x40, s5  }
.Ltmp1:
0x2c: {  	(pc) =	sbr.rel @p3 .LBB2_4-.Ltmp1, $2  }
0x2d: {  	_ =	sdelay $0x2  }
0x2e: {  	s6 =	sshra.s32 s6, $0x2  }
0x2f: {  	[tilespmem:s6+$0x2760] =	vst v1  }
0x30: {  	[spmem:s15] =	stream.linear.scatter [tilespmem:s28], [sflag:$0x1], $0xC80, $0x38;
	[tilespmem:$0x63D8] =	vst v63  }
0x31: {  	_ =	swait.ge [sflag:s26], $0xC80  }
0x32: {  	[sflag:s26] =	ssyncset.done $0x0  }
0x33: {  	[sflag:s26] =	ssyncadd.s32 $0xFFFFF380  }
0x34: {  	[spmem:s16] =	stream.linear.scatter [tilespmem:s28], [sflag:$0x1], $0xC80, $0x38;
	[tilespmem:$0x63D8] =	vst v63  }
0x35: {  	_ =	swait.ge [sflag:s26], $0xC80  }
0x36: {  	[sflag:s26] =	ssyncset.done $0x0  }
0x37: {  	[sflag:s26] =	ssyncadd.s32 $0xFFFFF380  }
0x38: {  	[spmem:s17] =	stream.linear.scatter [tilespmem:s28], [sflag:$0x1], $0xC80, $0x38;
	[tilespmem:$0x63D8] =	vst v63  }
0x39: {  	_ =	swait.ge [sflag:s26], $0xC80  }
0x3a: {  	[sflag:s26] =	ssyncset.done $0x0  }
0x3b: {  	s5 =	simm.s32 @!p0 $0x2C60;
	[sflag:s26] =	ssyncadd.s32 $0xFFFFF380  }
0x3c: {  	[spmem:s18] =	stream.linear.scatter @!p0 [tilespmem:s5], [sflag:$0x1], $0xC80, $0x38;
	[tilespmem:$0x63D8] =	vst v63  }
0x3d: {  	s5 =	simm.s32 @!p0 $0x1  }
0x3e: {  	_ =	swait.ge @!p0 [sflag:s5], $0xC80  }
0x3f: {  	[sflag:s5] =	ssyncset.done @!p0 $0x0  }
0x40: {  	s6 =	rddreg [dreg:$0x6];
	[sflag:s5] =	ssyncadd.s32 @!p0 $0xFFFFF380;
	s5 =	simm.s32 @!p2 $0x2C60  }
0x41: {  	[spmem:s6] =	stream.linear.scatter @!p2 [tilespmem:s5], [sflag:$0x1], $0xC80, $0x38;
	[tilespmem:$0x63D8] =	vst v63  }
0x42: {  	s5 =	simm.s32 @!p2 $0x1  }
0x43: {  	_ =	swait.ge @!p2 [sflag:s5], $0xC80  }
0x44: {  	[sflag:s5] =	ssyncset.done @!p2 $0x0  }
0x45: {  	[sflag:s5] =	ssyncadd.s32 @!p2 $0xFFFFF380  }
0x46: {  	s7 =	simm.s32 $0x0;
	[bflag:$0x0] =	sbarrier.arrive $0xFFFF  }
0x47: {  	[spmem:s2] =	stream.indirect.scatter.add.f32 [tilespmem:s30], [sflag:$0x1], $0x10, s7, s29, $0xb8;
	[tilespmem:$0x63D8] =	vst v63  }
0x48: {  	_ =	swait.ge [sflag:s26], $0x500  }
0x49: {  	s5 =	simm.s32 $0x140;
	[sflag:s26] =	ssyncset.done $0x0  }
.LBB2_6:
0x4a: {  	s6 =	sshra.s32 s5, $0x2;
	[sflag:s26] =	ssyncadd.s32 $0xFFFFFB00;
	p3 =	sne.s32 s5, $0x9B00  }
0x4b: {  	[spmem:s2] =	stream.indirect.scatter.add.f32 [tilespmem:s30], [sflag:$0x1], $0x10, s6, s29, $0xb8;
	[tilespmem:$0x63D8] =	vst v63  }
.Ltmp2:
0x4c: {  	_ = 	snop;
	(pc) =	sbr.rel @p3 .LBB2_6-.Ltmp2, $4  }
0x4d: {  	_ = 	snop  }
0x4e: {  	s5 =	sadd.s32 $0x140, s5  }
0x4f: {  	_ =	swait.ge [sflag:s26], $0x500  }
0x50: {  	[sflag:s26] =	ssyncset.done $0x0  }
0x51: {  	[sflag:s26] =	ssyncadd.s32 $0xFFFFFB00  }
0x52: {  	[tilespmem:s31], [sflag:$0x2] =	stream.linear.gather [hbm4b:s8+s4], $0x50, $0x38;
	[tilespmem:$0x63D8] =	vst v63  }
0x53: {  	_ =	swait.ge [sflag:s0], $0x50  }
0x54: {  	[sflag:s0] =	ssyncset.done $0x0  }
0x55: {  	[sflag:s0] =	ssyncadd.s32 $0xFFFFFFB0  }
0x56: {  	[spmem:s3] =	stream.indirect.scatter.add.f32 [tilespmem:s30], [sflag:$0x1], $0x10, s31, s29, $0xb8;
	[tilespmem:$0x63D8] =	vst v63  }
0x57: {  	_ =	swait.ge [sflag:s26], $0x500  }
0x58: {  	[sflag:s26] =	ssyncset.done $0x0  }
0x59: {  	[sflag:s26] =	ssyncadd.s32 $0xFFFFFB00  }
0x5a: {  	[tilespmem:s31], [sflag:$0x2] =	stream.linear.gather [hbm4b:s19+s4], $0x50, $0x38;
	[tilespmem:$0x63D8] =	vst v63  }
0x5b: {  	_ =	swait.ge [sflag:s0], $0x50  }
0x5c: {  	[sflag:s0] =	ssyncset.done $0x0  }
0x5d: {  	[sflag:s0] =	ssyncadd.s32 $0xFFFFFFB0  }
0x5e: {  	[spmem:s3] =	stream.indirect.scatter.add.f32 [tilespmem:s30], [sflag:$0x1], $0x10, s31, s29, $0xb8;
	[tilespmem:$0x63D8] =	vst v63  }
0x5f: {  	_ =	swait.ge [sflag:s26], $0x500  }
0x60: {  	[sflag:s26] =	ssyncset.done $0x0  }
0x61: {  	[sflag:s26] =	ssyncadd.s32 $0xFFFFFB00  }
0x62: {  	[tilespmem:s31], [sflag:$0x2] =	stream.linear.gather [hbm4b:s20+s4], $0x50, $0x38;
	[tilespmem:$0x63D8] =	vst v63  }
0x63: {  	_ =	swait.ge [sflag:s0], $0x50  }
0x64: {  	[sflag:s0] =	ssyncset.done $0x0  }
0x65: {  	[sflag:s0] =	ssyncadd.s32 $0xFFFFFFB0  }
0x66: {  	[spmem:s3] =	stream.indirect.scatter.add.f32 [tilespmem:s30], [sflag:$0x1], $0x10, s31, s29, $0xb8;
	[tilespmem:$0x63D8] =	vst v63  }
0x67: {  	_ =	swait.ge [sflag:s26], $0x500  }
0x68: {  	[sflag:s26] =	ssyncset.done $0x0  }
0x69: {  	s5 =	simm.s32 @!p1 $0x0;
	s6 =	simm.s32 @!p1 $0x2710;
	[sflag:s26] =	ssyncadd.s32 $0xFFFFFB00  }
0x6a: {  	[tilespmem:s6], [sflag:$0x2] =	stream.linear.gather @!p1 [hbm4b:s9+s5], $0x50, $0x38;
	[tilespmem:$0x63D8] =	vst v63  }
0x6b: {  	s5 =	simm.s32 @!p1 $0x2  }
0x6c: {  	_ =	swait.ge @!p1 [sflag:s5], $0x50  }
0x6d: {  	[sflag:s5] =	ssyncset.done @!p1 $0x0  }
0x6e: {  	s7 =	simm.s32 @!p1 $0x2760;
	[sflag:s5] =	ssyncadd.s32 @!p1 $0xFFFFFFB0;
	s5 =	simm.s32 @!p1 $0x50  }
0x6f: {  	[spmem:s3] =	stream.indirect.scatter.add.f32 @!p1 [tilespmem:s7], [sflag:$0x1], $0x10, s6, s5, $0xb8;
	[tilespmem:$0x63D8] =	vst v63  }
0x70: {  	s5 =	simm.s32 @!p1 $0x1  }
0x71: {  	_ =	swait.ge @!p1 [sflag:s5], $0x500  }
0x72: {  	s7 =	stileid.u32;
	[sflag:s5] =	ssyncset.done @!p1 $0x0  }
0x73: {  	[sflag:s5] =	ssyncadd.s32 @!p1 $0xFFFFFB00;
	s5 =	sshll.u32 s7, $0x6  }
0x74: {  	[bflag:$0x0] =	sbarrier.arrive $0xFFFF;
	s5 =	sor.u32 $0x1C01, s5  }
0x75: {  	[hbm:s10], [sflag:s5] =	dma.local [spmem:s21], $0x190  }
0x76: {  	_ =	swait.ge [sflag:s26], $0x190  }
0x77: {  	[sflag:s26] =	ssyncset.done $0x0  }
0x78: {  	[sflag:s26] =	ssyncadd.s32 $0xFFFFFE70  }
0x79: {  	[hbm:s11], [sflag:s5] =	dma.local [spmem:s22], $0x190  }
0x7a: {  	_ =	swait.ge [sflag:s26], $0x190  }
0x7b: {  	[sflag:s26] =	ssyncset.done $0x0  }
0x7c: {  	[sflag:s26] =	ssyncadd.s32 $0xFFFFFE70  }
0x7d: {  	[hbm:s12], [sflag:s5] =	dma.local [spmem:s23], $0x190  }
0x7e: {  	_ =	swait.ge [sflag:s26], $0x190  }
0x7f: {  	[sflag:s26] =	ssyncset.done $0x0  }
0x80: {  	s6 =	simm.s32 @!p0 $0x1;
	[sflag:s26] =	ssyncadd.s32 $0xFFFFFE70  }
0x81: {  	[hbm:s13], [sflag:s5] =	dma.local @!p0 [spmem:s24], $0x190  }
0x82: {  	_ =	swait.ge @!p0 [sflag:s6], $0x190  }
0x83: {  	s1 =	sadd.s32 $0x1, s1;
	[sflag:s6] =	ssyncset.done @!p0 $0x0  }
0x84: {  	p3 =	sne.s32 s1, s14;
	[sflag:s6] =	ssyncadd.s32 @!p0 $0xFFFFFE70;
	s6 =	rddreg [dreg:$0x7]  }
0x85: {  	[hbm:s6], [sflag:s5] =	dma.local @!p2 [spmem:s25], $0x190  }
.Ltmp3:
0x86: {  	_ = 	snop;
	(pc) =	sbr.rel @p3 .LBB2_1-.Ltmp3, $4  }
0x87: {  	s5 =	simm.s32 @!p2 $0x1  }
0x88: {  	_ =	swait.ge @!p2 [sflag:s5], $0x190  }
0x89: {  	[sflag:s5] =	ssyncset.done @!p2 $0x0  }
0x8a: {  	[sflag:s5] =	ssyncadd.s32 @!p2 $0xFFFFFE70  }
0x8b: {  	_ =	sfence.sel $0x180000  }
0x8c: {  	[bflag:$0x0] =	sbarrier.arrive $0xFFFF  }
0x8d: {  	_ =	strace $0x90000047  }
0x8e: {  	s0 =	stileid.u32;
	[bflag:$0x2] =	sbarrier.arrive $0xFFFF  }
0x8f: {  	p0 =	sne.s32 s0, $0x0;
	s0 =	rddreg [dreg:$0x4]  }
0x90: {  	s0 =	sadd.s32 @!p0 $0x100000, s0  }
0x91: {  	[sflag:s0] =	ssyncadd.tile.s32 @!p0 $0x1;
	_ =	shalt  }
.Lfunc_end2:
_tile_overlayer_lowered:
.L_overlay_start_2:
0x92: {  	(tag) =	ssettag $0x2  }
0x93: {  	s0 =	rddreg [dreg:$0x0];
	s2 =	stileid.u32  }
0x94: {  	s1 =	rddreg [dreg:$0x1];
	p0 =	sne.s32 s2, $0x0  }
0x95: {  	s3 =	rddreg [dreg:$0x2];
	[bflag:$0x3] =	sbarrier.arrive $0xFFFF;
	s2 =	simm.s32 @!p0 $0x1C01  }
0x96: {  	[timem:s3], [sflag:s2] =	dma.local @!p0 [hbm:s0], s1  }
0x97: {  	s0 =	simm.s32 @!p0 $0x1  }
0x98: {  	_ =	swait.ge @!p0 [sflag:s0], s1  }
0x99: {  	s1 =	ssub.s32 @!p0 $0x0, s1;
	[sflag:s0] =	ssyncset.done @!p0 $0x0  }
0x9a: {  	[sflag:s0] =	ssyncadd.s32 @!p0 s1  }
0x9b: {  	[bflag:$0x3] =	sbarrier.arrive $0xFFFF  }
0x9c: {  	_ =	shalt  }

// kernel: kernel.13.cloned.1.call-start
scs
__scs_entry_jumppad:
0x0: {  	(pc) =	sbr.rel $0x88, $3  }
0x1: {  	(tag) =	ssettag $0x0;
	lr =	simm.s32 $0x1  }
0x2: {  	[smem:$0x3F95] =	sst lr;
	_ =	strace $0xD0000000  }
0x3: {  	_ = 	snop  }
0x4: {  	_ = 	snop  }
0x5: {  	_ = 	snop  }
0x6: {  	_ = 	snop  }
0x7: {  	_ = 	snop  }
__scs_overlays_trampoline_lowered:
0x8: {  	[smem:$0x3FA4] =	sst s0  }
0x9: {  	[smem:$0x3FA5] =	sst s1  }
0xa: {  	[smem:$0x3FA6] =	sst s2  }
0xb: {  	[smem:$0x3FA7] =	sst s3  }
0xc: {  	[smem:$0x3FA8] =	sst s4  }
0xd: {  	[smem:$0x3FA9] =	sst s5  }
0xe: {  	[smem:$0x3FAA] =	sst s6  }
0xf: {  	[smem:$0x3FAB] =	sst s7  }
0x10: {  	[smem:$0x3FAC] =	sst s8  }
0x11: {  	[smem:$0x3FAD] =	sst s9;
	s0 =	simm.s32 @!p0 $0x0  }
0x12: {  	s1 =	sld [smem:$0x3F93];
	s0 =	simm.s32 @p0 $0x1  }
0x13: {  	[smem:$0x3FAE] =	sst s0;
	s0 =	simm.s32 @!p1 $0x0  }
0x14: {  	s2 =	sld [smem:$0x3F92];
	s0 =	simm.s32 @p1 $0x1  }
0x15: {  	[smem:$0x3FAF] =	sst s0;
	s0 =	simm.s32 @!p2 $0x0  }
0x16: {  	s3 =	sld [smem:$0x3FDB];
	s0 =	simm.s32 @p2 $0x1  }
0x17: {  	s4 =	simm.s32 $0x1BF5;
	[smem:$0x3FB1] =	sst s0  }
0x18: {  	s0 =	sld [smem:$0x3F94];
	_ =	swait.ge [sflag:s4], $0x0  }
0x19: {  	s7 =	sld [smem:$0x3F95]  }
0x1a: {  	s8 =	sadd.s32 $0xFFFFE003, lr  }
0x1b: {  	s9 =	sadd.s32 $0xFFFFFEF7, lr;
	s5 =	simm.s32 $0xFFFFFFFF;
	p2 =	slt.u32 s8, $0xFFFFF086  }
0x1c: {  	p1 =	slt.u32 s9, $0xF7A;
	s5 =	simm.s32 @!p2 $0x0  }
0x1d: {  	s5 =	simm.s32 @p1 $0x1;
	p0 =	seq.s32 s7, s2  }
0x1e: {  	s7 =	smul.u32 @!p0 $0xF7A, s2;
	p2 =	seq.s32 @!p0 s5, $0x0  }
0x1f: {  	s9 =	smul.u32 $0xF7A, s1;
	s8 =	simm.s32 @!p0 $0x1BF5;
	p2 =	por !p2, p0  }
0x20: {  	[sflag:s8] =	ssyncset.s32 @!p0 $0xFFFFF086;
	s6 =	sadd.s32 @!p0 s3, s7;
	s7 =	simm.s32 @!p0 $0x108  }
0x21: {  	s3 =	sadd.s32 s3, s9;
	s6 =	sadd.s32 @!p0 $0x88, s6;
	s7 =	simm.s32 @p2 $0x1082  }
0x22: {  	[simem:s7], [sflag:s8] =	dma.local @!p0 [hbm:s6], $0xF7A  }
0x23: {  	s9 =	sor.u32 $0xD0000000, s2;
	s6 =	simm.s32 $0x108;
	_ =	swait.ge @!p0 [sflag:s8], $0x0  }
0x24: {  	s3 =	sadd.s32 $0x88, s3;
	s6 =	simm.s32 @!p1 $0x1082;
	[sflag:s4] =	ssyncset.s32 $0xFFFFF086  }
0x25: {  	[simem:s6], [sflag:s4] =	dma.local [hbm:s3], $0xF7A  }
0x26: {  	[smem:$0x3F95] =	sst s1;
	(tag) =	ssettag s2;
	_ =	strace s9  }
0x27: {  	s1 =	sld [smem:$0x3FA5]  }
0x28: {  	s2 =	sld [smem:$0x3FA6]  }
0x29: {  	s4 =	sld [smem:$0x3FA8]  }
0x2a: {  	p0 =	seq.s32 s5, $0x0;
	s5 =	sld [smem:$0x3FA9]  }
0x2b: {  	s6 =	sld [smem:$0x3FAA]  }
0x2c: {  	s7 =	sld [smem:$0x3FAB]  }
0x2d: {  	s3 =	simm.s32 $0x108;
	s8 =	sld [smem:$0x3FAC]  }
0x2e: {  	s3 =	simm.s32 @!p0 $0x1082;
	s9 =	sld [smem:$0x3FAD]  }
0x2f: {  	lr =	sadd.s32 s0, s3;
	s0 =	sld [smem:$0x3FA4]  }
0x30: {  	s3 =	sld [smem:$0x3FA7]  }
0x31: {  	[smem:$0x3FB0] =	sst s10  }
0x32: {  	s10 =	sld [smem:$0x3FAE];
	_ =	sdelay $0x3  }
0x33: {  	p0 =	seq.s32 s10, $0x1;
	s10 =	sld [smem:$0x3FB0];
	_ =	sdelay $0x3  }
0x34: {  	[smem:$0x3FB0] =	sst s10  }
0x35: {  	s10 =	sld [smem:$0x3FAF];
	_ =	sdelay $0x3  }
0x36: {  	p1 =	seq.s32 s10, $0x1;
	s10 =	sld [smem:$0x3FB0];
	_ =	sdelay $0x3  }
0x37: {  	[smem:$0x3FB0] =	sst s10  }
0x38: {  	s10 =	sld [smem:$0x3FB1]  }
0x39: {  	_ = 	snop;
	(pc) =	sbr.ind lr, $3  }
0x3a: {  	_ = 	snop  }
0x3b: {  	_ = 	snop  }
0x3c: {  	p2 =	seq.s32 s10, $0x1;
	s10 =	sld [smem:$0x3FB0]  }
0x3d: {  	_ =	shalt  }
0x3e: {  	_ =	shalt  }
0x3f: {  	_ =	shalt  }
0x40: {  	_ =	shalt  }
0x41: {  	_ =	shalt  }
0x42: {  	_ =	shalt  }
0x43: {  	_ =	shalt  }
0x44: {  	_ =	shalt  }
0x45: {  	_ =	shalt  }
0x46: {  	_ =	shalt  }
0x47: {  	_ =	shalt  }
0x48: {  	_ =	shalt  }
0x49: {  	_ =	shalt  }
0x4a: {  	_ =	shalt  }
0x4b: {  	_ =	shalt  }
0x4c: {  	_ =	shalt  }
0x4d: {  	_ =	shalt  }
0x4e: {  	_ =	shalt  }
0x4f: {  	_ =	shalt  }
0x50: {  	_ =	shalt  }
0x51: {  	_ =	shalt  }
0x52: {  	_ =	shalt  }
0x53: {  	_ =	shalt  }
0x54: {  	_ =	shalt  }
0x55: {  	_ =	shalt  }
0x56: {  	_ =	shalt  }
0x57: {  	_ =	shalt  }
0x58: {  	_ =	shalt  }
0x59: {  	_ =	shalt  }
0x5a: {  	_ =	shalt  }
0x5b: {  	_ =	shalt  }
0x5c: {  	_ =	shalt  }
0x5d: {  	_ =	shalt  }
0x5e: {  	_ =	shalt  }
0x5f: {  	_ =	shalt  }
0x60: {  	_ =	shalt  }
0x61: {  	_ =	shalt  }
0x62: {  	_ =	shalt  }
0x63: {  	_ =	shalt  }
0x64: {  	_ =	shalt  }
0x65: {  	_ =	shalt  }
0x66: {  	_ =	shalt  }
0x67: {  	_ =	shalt  }
0x68: {  	_ =	shalt  }
0x69: {  	_ =	shalt  }
0x6a: {  	_ =	shalt  }
0x6b: {  	_ =	shalt  }
0x6c: {  	_ =	shalt  }
0x6d: {  	_ =	shalt  }
0x6e: {  	_ =	shalt  }
0x6f: {  	_ =	shalt  }
0x70: {  	_ =	shalt  }
0x71: {  	_ =	shalt  }
0x72: {  	_ =	shalt  }
0x73: {  	_ =	shalt  }
0x74: {  	_ =	shalt  }
0x75: {  	_ =	shalt  }
0x76: {  	_ =	shalt  }
0x77: {  	_ =	shalt  }
0x78: {  	_ =	shalt  }
0x79: {  	_ =	shalt  }
0x7a: {  	_ =	shalt  }
0x7b: {  	_ =	shalt  }
0x7c: {  	_ =	shalt  }
0x7d: {  	_ =	shalt  }
0x7e: {  	_ =	shalt  }
0x7f: {  	_ =	shalt  }
0x80: {  	_ =	shalt  }
0x81: {  	_ =	shalt  }
0x82: {  	_ =	shalt  }
0x83: {  	_ =	shalt  }
0x84: {  	_ =	shalt  }
0x85: {  	_ =	shalt  }
0x86: {  	_ =	shalt  }
0x87: {  	_ =	shalt  }
.Lfunc_end0:
.L_simem_size_0:
called_computation.1_lowered:
.L_overlay_start_0:
0x88: {  	s2 =	sld [smem:$0x3FD9]  }
0x89: {  	s3 =	sld [smem:$0x3FFE];
	_ =	sdelay $0x1  }
0x8a: {  	s1 =	srdreg.scid  }
0x8b: {  	s0 =	sand.u32 $0x1, s1  }
0x8c: {  	s16 =	sshll.u32 s0, $0xA;
	s2 =	sadd.s32 s3, s2  }
0x8d: {  	s2 =	sadd.s32 s2, s16  }
0x8e: {  	[smem:$0x3FBC] =	sst s2  }
0x8f: {  	_ = 	snop  }
0x90: {  	(tm) =	ssettm $0x1  }
0x91: {  	s17 =	sld [smem:$0x3FFB];
	_ =	sdelay $0x3  }
0x92: {  	_ =	strace s17  }
0x93: {  	s2 =	sld [smem:$0x3FFC];
	_ =	sdelay $0x3  }
0x94: {  	_ =	strace s2  }
0x95: {  	s2 =	sld [smem:$0x3FFD];
	_ =	sdelay $0x3  }
0x96: {  	_ =	strace s2  }
0x97: {  	_ =	strace $0x8FFFFFFF  }
0x98: {  	s18 =	sld [smem:$0x3FDB];
	_ =	sdelay $0x1  }
0x99: {  	s19 =	simm.s32 $_scs_section_size  }
0x9a: {  	s4 =	simm.s32 $_size__tile_overlayer_lowered;
	s5 =	simm.s32 $_tile_overlayer_lowered  }
0x9b: {  	s22 =	simm.s32 $0x1BFF;
	s21 =	sshll.u32 s5, $0x1;
	s2 =	sadd.s32 s19, s18  }
0x9c: {  	s6 =	simm.s32 $0x0;
	s20 =	sshll.u32 s4, $0x1;
	s4 =	sadd.s32 s21, s2  }
0x9d: {  	[timem:s6], [sflag:s22] =	dma.local [hbm:s4], s20  }
0x9e: {  	_ =	swait.ge [sflag:s22], s20  }
0x9f: {  	s3 =	ssub.s32 $0x0, s20;
	[sflag:s22] =	ssyncset.done $0x0  }
0xa0: {  	[sflag:s22] =	ssyncadd.s32 s3;
	_ =	sdelay $0x1  }
0xa1: {  	s23 =	simm.s32 $0x1B8B  }
0xa2: {  	_ =	swait.ge [sflag:s23], $0x1  }
0xa3: {  	[sflag:s23] =	ssyncset.done $0x0  }
0xa4: {  	s25 =	simm.s32 $0x1B8E;
	s24 =	sld [smem:$0x3FFE];
	[sflag:s23] =	ssyncadd.s32 $0xFFFFFFFF  }
0xa5: {  	s26 =	simm.s32 $execute0_lowered;
	[smem:$0x3FD2] =	sst s25  }
0xa6: {  	s4 =	sshll.u32 s26, $0x1;
	_ =	strace $0x80000049;
	[dreg:$0x1] =	wrdreg $0xFFFFFFFF  }
0xa7: {  	s28 =	simm.s32 $_size_execute0_lowered;
	s2 =	sadd.s32 s2, s4;
	[dreg:$0x0] =	wrdreg $0x0  }
0xa8: {  	s4 =	sshll.u32 s28, $0x1;
	[dreg:$0x2] =	wrdreg s2  }
0xa9: {  	[dreg:$0x3] =	wrdreg s4  }
0xaa: {  	[dreg:$0x4] =	wrdreg $0xC0  }
0xab: {  	_ =	task [dreg:s6], $0x5FFFF  }
0xac: {  	[dreg:$0x1] =	wrdreg $0xFFFFFFFF  }
0xad: {  	[dreg:$0x0] =	wrdreg $0x60  }
0xae: {  	[dreg:$0x2] =	wrdreg s24  }
0xaf: {  	[dreg:$0x3] =	wrdreg $0xB2200  }
0xb0: {  	[dreg:$0x4] =	wrdreg $0x9  }
0xb1: {  	_ =	task.clear_ibuf [dreg:s6], $0x5FFFF;
	_ =	strace $0x90000049  }
0xb2: {  	s29 =	simm.s32 $0x9;
	_ =	strace $0x8000004B  }
0xb3: {  	_ =	swait.ge [sflag:s29], $0x1  }
0xb4: {  	[sflag:s29] =	ssyncadd.s32 $0xFFFFFFFF  }
0xb5: {  	_ =	strace $0x9000004B  }
0xb6: {  	_ =	sfence  }
0xb7: {  	s30 =	sld [smem:$0x0];
	_ =	sdelay $0x2  }
0xb8: {  	s31 =	sshll.u32 s1, $0xD;
	s1 =	sshrl.u32 s1, $0x2  }
0xb9: {  	s3 =	sand.u32 $0x4000, s31;
	s1 =	sadd.s32 s1, s30  }
0xba: {  	s0 =	sor.u32 s3, s0;
	s1 =	sshll.u32 s1, $0x11  }
0xbb: {  	s0 =	sor.u32 s1, s0  }
0xbc: {  	s0 =	sadd.s32 $0x8F2B, s0  }
0xbd: {  	[sflag:s0] =	ssyncadd.remote.s32 $0x1  }
0xbe: {  	_ =	sfence.sel $0xFFFF  }
0xbf: {  	[dreg:$0x0] =	wrdreg $0xFFFFFFFF;
	(pc) =	sbr.abs _section_cstart, $3  }
0xc0: {  	[dreg:$0x1] =	wrdreg $0xFFFFFFFF  }
0xc1: {  	_ =	task.clear_ibuf [dreg:s6], $0x2FFFF;
	_ =	strace $0x9FFFFFFF  }
0xc2: {  	(tm) =	ssettm $0x7FFFFFFF  }
0xc3: {  	_ =	shalt  }
tec
execute0_lowered:
.L_overlay_start_1:
0x0: {  	(tag) =	ssettag $0x1  }
0x1: {  	s0 =	srdreg.scid;
	s14 =	stileid.u32  }
0x2: {  	s0 =	sand.u32 $0x1, s0;
	s21 =	smul.u32 $0x5000, s14  }
0x3: {  	s3 =	sshll.u32 s14, $0x1;
	s9 =	sor.u32 $0x10, s14;
	s26 =	smul.u32 $0x6400, s14  }
0x4: {  	s4 =	sor.u32 s0, s3;
	s6 =	ssub.s32 $0x2, s0;
	s0 =	smul.u32 $0x138800, s0  }
0x5: {  	s10 =	sor.u32 $0x20, s14;
	s22 =	smul.u32 $0x5000, s9  }
0x6: {  	s11 =	sor.u32 $0x30, s14;
	s23 =	smul.u32 $0x5000, s10  }
0x7: {  	s1 =	rddreg [dreg:$0x0];
	s13 =	sor.u32 $0x70, s14;
	s12 =	smul.u32 $0x5000, s11  }
0x8: {  	s2 =	rddreg [dreg:$0x1];
	s28 =	simm.s32 $0x50;
	s24 =	smul.u32 $0x5000, s13  }
0x9: {  	s29 =	simm.s32 $0x6220;
	s30 =	simm.s32 $0x7620;
	s9 =	smul.u32 $0x6400, s9  }
0xa: {  	s31 =	simm.s32 $0x8A20;
	s3 =	simm.s32 $0x0;
	s10 =	smul.u32 $0x6400, s10  }
0xb: {  	p0 =	sgt.u32 s13, $0x7C;
	p1 =	sgt.u32 s11, $0x31;
	[smem:$0x7FF] =	sst s3  }
0xc: {  	s4 =	smul.u32 $0x2710, s4;
	s7 =	sshrl.u32 s6, $0x1;
	_ =	strace $0x8000004A  }
0xd: {  	s6 =	ssub.s32 s6, s7;
	s7 =	sshrl.u32 s21, $0x2;
	s25 =	sshrl.u32 s23, $0x2  }
0xe: {  	s17 =	sshrl.u32 s12, $0x2;
	s18 =	sadd.s32 s0, s26;
	s15 =	sadd.s32 s0, s10  }
0xf: {  	s23 =	sshrl.u32 s26, $0x1;
	s5 =	sshrl.u32 s4, $0x3;
	s4 =	sadd.s32 $0x21C00, s1  }
0x10: {  	s6 =	smax.u32 s6, $0x1;
	s8 =	sadd.s32 s7, s2;
	s7 =	sshrl.u32 s24, $0x2  }
0x11: {  	s16 =	sshrl.u32 s15, $0x4;
	s24 =	sshrl.u32 s9, $0x1;
	s5 =	sadd.s32 s5, s1  }
0x12: {  	s1 =	sadd.s32 $0x35600, s1;
	[dreg:$0x5] =	wrdreg s6;
	s19 =	sadd.s32 $0x50000, s8  }
0x13: {  	s21 =	sadd.s32 $0x64000, s8;
	s20 =	sadd.s32 $0x3400, s5;
	[dreg:$0x9] =	wrdreg s19  }
0x14: {  	s5 =	sadd.s32 $0xD040, s5;
	[dreg:$0xa] =	wrdreg s21;
	s16 =	sadd.s32 s1, s16  }
0x15: {  	s19 =	sadd.s32 s7, s2;
	s21 =	simm.s32 $0x1;
	[dreg:$0x3] =	wrdreg s20  }
0x16: {  	s7 =	simm.s32 $0x5;
	[dreg:$0x4] =	wrdreg s5;
	s5 =	sshrl.u32 s22, $0x2  }
0x17: {  	s20 =	smul.u32 $0x6400, s11;
	s22 =	sadd.s32 s0, s9;
	s5 =	sadd.s32 s5, s2  }
0x18: {  	s9 =	simm.s32 $0x0;
	[dreg:$0x6] =	wrdreg s5;
	s5 =	sadd.s32 s25, s2  }
0x19: {  	s0 =	sadd.s32 s0, s20;
	s25 =	sshrl.u32 s10, $0x1;
	s26 =	sshrl.u32 s20, $0x1  }
0x1a: {  	s20 =	simm.s32 $0x6;
	[dreg:$0x7] =	wrdreg s5;
	s5 =	sadd.s32 s17, s2  }
0x1b: {  	s0 =	sshrl.u32 s0, $0x4;
	s6 =	sadd.s32 s26, s2;
	s26 =	simm.s32 $0x4E20  }
0x1c: {  	[dreg:$0x8] =	wrdreg s5;
	s5 =	sshrl.u32 s18, $0x4;
	s17 =	sadd.s32 s1, s0  }
0x1d: {  	s18 =	sadd.s32 $0x78000, s8;
	s0 =	sadd.s32 s23, s2;
	s14 =	sadd.s32 s1, s5  }
0x1e: {  	s5 =	sshrl.u32 s22, $0x4;
	s22 =	sshrl.u32 s0, $0x3;
	s0 =	simm.s32 $0x2  }
0x1f: {  	s15 =	sadd.s32 s1, s5;
	s1 =	sadd.s32 s24, s2;
	s5 =	sadd.s32 s25, s2  }
0x20: {  	s25 =	sshrl.u32 @!p1 s6, $0x3;
	s6 =	simm.s32 $0x4;
	s23 =	sshrl.u32 s1, $0x3  }
0x21: {  	v0 =	vimm.bf16 $0.0e+00;
	s24 =	sshrl.u32 s5, $0x3;
	s1 =	simm.s32 $0x9E20;
	s5 =	simm.s32 $0x3  }
.LBB2_1:
0x22: {  	s10 =	rddreg [dreg:$0x3]  }
0x23: {  	[tilespmem:s3], [sflag:$0x6] =	stream.linear.gather [hbm4b:s10+s3], $0x2710, $0x38;
	[tilespmem:$0x14E60] =	vst v63  }
0x24: {  	_ =	swait.ge [sflag:s20], $0x2710  }
0x25: {  	[sflag:s20] =	ssyncset.done $0x0  }
0x26: {  	s11 =	simm.s32 $0x2710;
	s13 =	rddreg [dreg:$0x4];
	[sflag:s20] =	ssyncadd.s32 $0xFFFFD8F0  }
0x27: {  	[tilespmem:s11], [sflag:$0x6] =	stream.linear.gather [hbm4b:s13+s3], $0x2710, $0x38;
	[tilespmem:$0x14E60] =	vst v63  }
0x28: {  	s12 =	sand.u32 $0x7F00, s3;
	s13 =	sand.u32 $0x60, s3;
	_ =	swait.ge [sflag:s20], $0x2710  }
0x29: {  	s10 =	sshrl.u32 s12, $0x2;
	s11 =	sshrl.u32 s13, $0x1;
	[sflag:s20] =	ssyncset.done $0x0  }
0x2a: {  	s11 =	sor.u32 s11, s10;
	[sflag:s20] =	ssyncadd.s32 $0xFFFFD8F0  }
0x2b: {  	s10 =	simm.s32 $0x40;
	[tilespmem:s11+$0x4E20] =	vst v0;
	s11 =	simm.s32 $0x0  }
.LBB2_2:
0x2c: {  	p2 =	sne.s32 s10, $0x4FC0  }
.Ltmp0:
0x2d: {  	s12 =	sand.u32 $0x7F00, s10;
	s11 =	sadd.s32 $0x20, s11;
	(pc) =	sbr.rel @p2 .LBB2_2-.Ltmp0, $4  }
0x2e: {  	s10 =	sadd.s32 $0x40, s10;
	s13 =	sand.u32 $0x60, s11  }
0x2f: {  	s12 =	sshrl.u32 s12, $0x2;
	s13 =	sshrl.u32 s13, $0x1  }
0x30: {  	s12 =	sor.u32 s13, s12  }
0x31: {  	[tilespmem:s12+$0x4E20] =	vst v0  }
0x32: {  	[spmem:s8] =	stream.linear.scatter [tilespmem:s26], [sflag:$0x6], $0x1400, $0x38;
	[tilespmem:$0x14E60] =	vst v63  }
0x33: {  	_ =	swait.ge [sflag:s20], $0x1400  }
0x34: {  	[sflag:s20] =	ssyncset.done $0x0  }
0x35: {  	s10 =	rddreg [dreg:$0x6];
	[sflag:s20] =	ssyncadd.s32 $0xFFFFEC00  }
0x36: {  	[spmem:s10] =	stream.linear.scatter [tilespmem:s26], [sflag:$0x6], $0x1400, $0x38;
	[tilespmem:$0x14E60] =	vst v63  }
0x37: {  	_ =	swait.ge [sflag:s20], $0x1400  }
0x38: {  	[sflag:s20] =	ssyncset.done $0x0  }
0x39: {  	s12 =	rddreg [dreg:$0x7];
	[sflag:s20] =	ssyncadd.s32 $0xFFFFEC00  }
0x3a: {  	[spmem:s12] =	stream.linear.scatter [tilespmem:s26], [sflag:$0x6], $0x1400, $0x38;
	[tilespmem:$0x14E60] =	vst v63  }
0x3b: {  	_ =	swait.ge [sflag:s20], $0x1400  }
0x3c: {  	[sflag:s20] =	ssyncset.done $0x0  }
0x3d: {  	s13 =	rddreg [dreg:$0x8];
	[sflag:s20] =	ssyncadd.s32 $0xFFFFEC00  }
0x3e: {  	[spmem:s13] =	stream.linear.scatter [tilespmem:s26], [sflag:$0x6], $0x1400, $0x38;
	[tilespmem:$0x14E60] =	vst v63  }
0x3f: {  	_ =	swait.ge [sflag:s20], $0x1400  }
0x40: {  	[sflag:s20] =	ssyncset.done $0x0  }
0x41: {  	s11 =	rddreg [dreg:$0x9];
	[sflag:s20] =	ssyncadd.s32 $0xFFFFEC00  }
0x42: {  	[spmem:s11] =	stream.linear.scatter [tilespmem:s26], [sflag:$0x6], $0x1400, $0x38;
	[tilespmem:$0x14E60] =	vst v63  }
0x43: {  	_ =	swait.ge [sflag:s20], $0x1400  }
0x44: {  	[sflag:s20] =	ssyncset.done $0x0  }
0x45: {  	s12 =	rddreg [dreg:$0xa];
	[sflag:s20] =	ssyncadd.s32 $0xFFFFEC00  }
0x46: {  	[spmem:s12] =	stream.linear.scatter [tilespmem:s26], [sflag:$0x6], $0x1400, $0x38;
	[tilespmem:$0x14E60] =	vst v63  }
0x47: {  	_ =	swait.ge [sflag:s20], $0x1400  }
0x48: {  	[sflag:s20] =	ssyncset.done $0x0  }
0x49: {  	[sflag:s20] =	ssyncadd.s32 $0xFFFFEC00  }
0x4a: {  	[spmem:s18] =	stream.linear.scatter [tilespmem:s26], [sflag:$0x6], $0x1400, $0x38;
	[tilespmem:$0x14E60] =	vst v63  }
0x4b: {  	_ =	swait.ge [sflag:s20], $0x1400  }
0x4c: {  	[sflag:s20] =	ssyncset.done $0x0  }
0x4d: {  	s10 =	simm.s32 @!p0 $0x4E20;
	[sflag:s20] =	ssyncadd.s32 $0xFFFFEC00  }
0x4e: {  	[spmem:s19] =	stream.linear.scatter @!p0 [tilespmem:s10], [sflag:$0x6], $0x1400, $0x38;
	[tilespmem:$0x14E60] =	vst v63  }
0x4f: {  	s10 =	simm.s32 @!p0 $0x6  }
0x50: {  	_ =	swait.ge @!p0 [sflag:s10], $0x1400  }
0x51: {  	[sflag:s10] =	ssyncset.done @!p0 $0x0  }
0x52: {  	[sflag:s10] =	ssyncadd.s32 @!p0 $0xFFFFEC00  }
0x53: {  	s13 =	simm.s32 $0x0;
	[bflag:$0x0] =	sbarrier.arrive $0xFFFF  }
0x54: {  	[tilespmem:s26], [sflag:$0x1] =	stream.indirect.gather [hbm4b:s4+s28], $0x40, s13, s28, $0xb8;
	[tilespmem:$0x14E60] =	vst v63  }
0x55: {  	s11 =	simm.s32 $0x50  }
0x56: {  	[tilespmem:s29], [sflag:$0x2] =	stream.indirect.gather [hbm4b:s4+s28], $0x40, s11, s28, $0xb8;
	[tilespmem:$0x14E60] =	vst v63  }
0x57: {  	s12 =	simm.s32 $0xA0  }
0x58: {  	[tilespmem:s30], [sflag:$0x3] =	stream.indirect.gather [hbm4b:s4+s28], $0x40, s12, s28, $0xb8;
	[tilespmem:$0x14E60] =	vst v63  }
0x59: {  	s13 =	simm.s32 $0xF0  }
0x5a: {  	[tilespmem:s31], [sflag:$0x4] =	stream.indirect.gather [hbm4b:s4+s28], $0x40, s13, s28, $0xb8;
	[tilespmem:$0x14E60] =	vst v63  }
0x5b: {  	s11 =	simm.s32 $0x140  }
0x5c: {  	[tilespmem:s1], [sflag:$0x5] =	stream.indirect.gather [hbm4b:s4+s28], $0x40, s11, s28, $0xb8;
	[tilespmem:$0x14E60] =	vst v63  }
0x5d: {  	_ =	swait.ge [sflag:s21], $0x1400  }
0x5e: {  	[sflag:s21] =	ssyncset.done $0x0  }
0x5f: {  	s12 =	simm.s32 $0x2710;
	[sflag:s21] =	ssyncadd.s32 $0xFFFFEC00  }
0x60: {  	[spmem:s2] =	stream.indirect.scatter.add.bf16 [tilespmem:s26], [sflag:$0x6], $0x40, s12, s28, $0xb8;
	[tilespmem:$0x14E60] =	vst v63  }
0x61: {  	_ =	swait.ge [sflag:s20], $0x1400  }
0x62: {  	[sflag:s20] =	ssyncset.done $0x0  }
0x63: {  	[sflag:s20] =	ssyncadd.s32 $0xFFFFEC00  }
0x64: {  	_ =	swait.ge [sflag:s0], $0x1400  }
0x65: {  	[sflag:s0] =	ssyncset.done $0x0  }
0x66: {  	s13 =	simm.s32 $0x2760;
	[sflag:s0] =	ssyncadd.s32 $0xFFFFEC00  }
0x67: {  	[spmem:s2] =	stream.indirect.scatter.add.bf16 [tilespmem:s29], [sflag:$0x6], $0x40, s13, s28, $0xb8;
	[tilespmem:$0x14E60] =	vst v63  }
0x68: {  	_ =	swait.ge [sflag:s20], $0x1400  }
0x69: {  	[sflag:s20] =	ssyncset.done $0x0  }
0x6a: {  	[sflag:s20] =	ssyncadd.s32 $0xFFFFEC00  }
0x6b: {  	_ =	swait.ge [sflag:s5], $0x1400  }
0x6c: {  	[sflag:s5] =	ssyncset.done $0x0  }
0x6d: {  	s11 =	simm.s32 $0x27B0;
	[sflag:s5] =	ssyncadd.s32 $0xFFFFEC00  }
0x6e: {  	[spmem:s2] =	stream.indirect.scatter.add.bf16 [tilespmem:s30], [sflag:$0x6], $0x40, s11, s28, $0xb8;
	[tilespmem:$0x14E60] =	vst v63  }
0x6f: {  	_ =	swait.ge [sflag:s20], $0x1400  }
0x70: {  	[sflag:s20] =	ssyncset.done $0x0  }
0x71: {  	[sflag:s20] =	ssyncadd.s32 $0xFFFFEC00  }
0x72: {  	_ =	swait.ge [sflag:s6], $0x1400  }
0x73: {  	[sflag:s6] =	ssyncset.done $0x0  }
0x74: {  	s12 =	simm.s32 $0x2800;
	[sflag:s6] =	ssyncadd.s32 $0xFFFFEC00  }
0x75: {  	[spmem:s2] =	stream.indirect.scatter.add.bf16 [tilespmem:s31], [sflag:$0x6], $0x40, s12, s28, $0xb8;
	[tilespmem:$0x14E60] =	vst v63  }
0x76: {  	_ =	swait.ge [sflag:s20], $0x1400  }
0x77: {  	[sflag:s20] =	ssyncset.done $0x0  }
0x78: {  	[sflag:s20] =	ssyncadd.s32 $0xFFFFEC00  }
0x79: {  	_ =	swait.ge [sflag:s7], $0x1400  }
0x7a: {  	[sflag:s7] =	ssyncset.done $0x0  }
0x7b: {  	s13 =	simm.s32 $0x2850;
	[sflag:s7] =	ssyncadd.s32 $0xFFFFEC00  }
0x7c: {  	[spmem:s2] =	stream.indirect.scatter.add.bf16 [tilespmem:s1], [sflag:$0x6], $0x40, s13, s28, $0xb8;
	[tilespmem:$0x14E60] =	vst v63  }
0x7d: {  	_ =	swait.ge [sflag:s20], $0x1400  }
0x7e: {  	s10 =	simm.s32 $0x640;
	s11 =	simm.s32 $0xC80;
	[sflag:s20] =	ssyncset.done $0x0  }
.LBB2_4:
0x7f: {  	s12 =	sshra.s32 s10, $0x2  }
0x80: {  	[sflag:s20] =	ssyncadd.s32 $0xFFFFEC00;
	s10 =	smov.u32 s11;
	s13 =	sadd.s32 $0x640, s11  }
0x81: {  	[tilespmem:s26], [sflag:$0x1] =	stream.indirect.gather [hbm4b:s4+s28], $0x40, s12, s28, $0xb8;
	[tilespmem:$0x14E60] =	vst v63  }
0x82: {  	p2 =	sne.s32 s11, $0x9600;
	s11 =	sadd.s32 $0x50, s12  }
0x83: {  	[tilespmem:s29], [sflag:$0x2] =	stream.indirect.gather [hbm4b:s4+s28], $0x40, s11, s28, $0xb8;
	[tilespmem:$0x14E60] =	vst v63  }
0x84: {  	s11 =	sadd.s32 $0xA0, s12  }
0x85: {  	[tilespmem:s30], [sflag:$0x3] =	stream.indirect.gather [hbm4b:s4+s28], $0x40, s11, s28, $0xb8;
	[tilespmem:$0x14E60] =	vst v63  }
0x86: {  	s11 =	sadd.s32 $0xF0, s12  }
0x87: {  	[tilespmem:s31], [sflag:$0x4] =	stream.indirect.gather [hbm4b:s4+s28], $0x40, s11, s28, $0xb8;
	[tilespmem:$0x14E60] =	vst v63  }
0x88: {  	s11 =	sadd.s32 $0x140, s12  }
0x89: {  	[tilespmem:s1], [sflag:$0x5] =	stream.indirect.gather [hbm4b:s4+s28], $0x40, s11, s28, $0xb8;
	[tilespmem:$0x14E60] =	vst v63  }
0x8a: {  	_ =	swait.ge [sflag:s21], $0x1400  }
0x8b: {  	[sflag:s21] =	ssyncset.done $0x0  }
0x8c: {  	s11 =	sadd.s32 $0x2710, s12;
	[sflag:s21] =	ssyncadd.s32 $0xFFFFEC00  }
0x8d: {  	[spmem:s2] =	stream.indirect.scatter.add.bf16 [tilespmem:s26], [sflag:$0x6], $0x40, s11, s28, $0xb8;
	[tilespmem:$0x14E60] =	vst v63  }
0x8e: {  	_ =	swait.ge [sflag:s20], $0x1400  }
0x8f: {  	[sflag:s20] =	ssyncset.done $0x0  }
0x90: {  	[sflag:s20] =	ssyncadd.s32 $0xFFFFEC00  }
0x91: {  	_ =	swait.ge [sflag:s0], $0x1400  }
0x92: {  	[sflag:s0] =	ssyncset.done $0x0  }
0x93: {  	s11 =	sadd.s32 $0x2760, s12;
	[sflag:s0] =	ssyncadd.s32 $0xFFFFEC00  }
0x94: {  	[spmem:s2] =	stream.indirect.scatter.add.bf16 [tilespmem:s29], [sflag:$0x6], $0x40, s11, s28, $0xb8;
	[tilespmem:$0x14E60] =	vst v63  }
0x95: {  	_ =	swait.ge [sflag:s20], $0x1400  }
0x96: {  	[sflag:s20] =	ssyncset.done $0x0  }
0x97: {  	[sflag:s20] =	ssyncadd.s32 $0xFFFFEC00  }
0x98: {  	_ =	swait.ge [sflag:s5], $0x1400  }
0x99: {  	[sflag:s5] =	ssyncset.done $0x0  }
0x9a: {  	s11 =	sadd.s32 $0x27B0, s12;
	[sflag:s5] =	ssyncadd.s32 $0xFFFFEC00  }
0x9b: {  	[spmem:s2] =	stream.indirect.scatter.add.bf16 [tilespmem:s30], [sflag:$0x6], $0x40, s11, s28, $0xb8;
	[tilespmem:$0x14E60] =	vst v63  }
0x9c: {  	_ =	swait.ge [sflag:s20], $0x1400  }
0x9d: {  	[sflag:s20] =	ssyncset.done $0x0  }
0x9e: {  	[sflag:s20] =	ssyncadd.s32 $0xFFFFEC00  }
0x9f: {  	_ =	swait.ge [sflag:s6], $0x1400  }
0xa0: {  	[sflag:s6] =	ssyncset.done $0x0  }
0xa1: {  	s11 =	sadd.s32 $0x2800, s12;
	[sflag:s6] =	ssyncadd.s32 $0xFFFFEC00  }
0xa2: {  	[spmem:s2] =	stream.indirect.scatter.add.bf16 [tilespmem:s31], [sflag:$0x6], $0x40, s11, s28, $0xb8;
	[tilespmem:$0x14E60] =	vst v63  }
0xa3: {  	_ =	swait.ge [sflag:s20], $0x1400  }
0xa4: {  	[sflag:s20] =	ssyncset.done $0x0  }
0xa5: {  	[sflag:s20] =	ssyncadd.s32 $0xFFFFEC00  }
0xa6: {  	_ =	swait.ge [sflag:s7], $0x1400  }
.Ltmp1:
0xa7: {  	[sflag:s7] =	ssyncset.done $0x0;
	(pc) =	sbr.rel @p2 .LBB2_4-.Ltmp1, $4  }
0xa8: {  	s11 =	sadd.s32 $0x2850, s12;
	[sflag:s7] =	ssyncadd.s32 $0xFFFFEC00  }
0xa9: {  	[spmem:s2] =	stream.indirect.scatter.add.bf16 [tilespmem:s1], [sflag:$0x6], $0x40, s11, s28, $0xb8;
	[tilespmem:$0x14E60] =	vst v63  }
0xaa: {  	_ =	swait.ge [sflag:s20], $0x1400  }
0xab: {  	s11 =	smov.u32 s13;
	[sflag:s20] =	ssyncset.done $0x0  }
0xac: {  	s10 =	sshra.s32 s10, $0x2;
	[sflag:s20] =	ssyncadd.s32 $0xFFFFEC00  }
0xad: {  	[tilespmem:s26], [sflag:$0x1] =	stream.indirect.gather [hbm4b:s4+s28], $0x40, s10, s28, $0xb8;
	[tilespmem:$0x14E60] =	vst v63  }
0xae: {  	s11 =	sadd.s32 $0x50, s10  }
0xaf: {  	[tilespmem:s29], [sflag:$0x2] =	stream.indirect.gather [hbm4b:s4+s28], $0x40, s11, s28, $0xb8;
	[tilespmem:$0x14E60] =	vst v63  }
0xb0: {  	s13 =	sadd.s32 $0xA0, s10  }
0xb1: {  	[tilespmem:s30], [sflag:$0x3] =	stream.indirect.gather [hbm4b:s4+s28], $0x40, s13, s28, $0xb8;
	[tilespmem:$0x14E60] =	vst v63  }
0xb2: {  	s12 =	sadd.s32 $0xF0, s10  }
0xb3: {  	[tilespmem:s31], [sflag:$0x4] =	stream.indirect.gather [hbm4b:s4+s28], $0x40, s12, s28, $0xb8;
	[tilespmem:$0x14E60] =	vst v63  }
0xb4: {  	s13 =	sadd.s32 $0x140, s10  }
0xb5: {  	[tilespmem:s1], [sflag:$0x5] =	stream.indirect.gather [hbm4b:s4+s28], $0x40, s13, s28, $0xb8;
	[tilespmem:$0x14E60] =	vst v63  }
0xb6: {  	_ =	swait.ge [sflag:s21], $0x1400  }
0xb7: {  	[sflag:s21] =	ssyncset.done $0x0  }
0xb8: {  	s12 =	sadd.s32 $0x2710, s10;
	[sflag:s21] =	ssyncadd.s32 $0xFFFFEC00  }
0xb9: {  	[spmem:s2] =	stream.indirect.scatter.add.bf16 [tilespmem:s26], [sflag:$0x6], $0x40, s12, s28, $0xb8;
	[tilespmem:$0x14E60] =	vst v63  }
0xba: {  	_ =	swait.ge [sflag:s20], $0x1400  }
0xbb: {  	[sflag:s20] =	ssyncset.done $0x0  }
0xbc: {  	[sflag:s20] =	ssyncadd.s32 $0xFFFFEC00  }
0xbd: {  	_ =	swait.ge [sflag:s0], $0x1400  }
0xbe: {  	[sflag:s0] =	ssyncset.done $0x0  }
0xbf: {  	s13 =	sadd.s32 $0x2760, s10;
	[sflag:s0] =	ssyncadd.s32 $0xFFFFEC00  }
0xc0: {  	[spmem:s2] =	stream.indirect.scatter.add.bf16 [tilespmem:s29], [sflag:$0x6], $0x40, s13, s28, $0xb8;
	[tilespmem:$0x14E60] =	vst v63  }
0xc1: {  	_ =	swait.ge [sflag:s20], $0x1400  }
0xc2: {  	[sflag:s20] =	ssyncset.done $0x0  }
0xc3: {  	[sflag:s20] =	ssyncadd.s32 $0xFFFFEC00  }
0xc4: {  	_ =	swait.ge [sflag:s5], $0x1400  }
0xc5: {  	[sflag:s5] =	ssyncset.done $0x0  }
0xc6: {  	s12 =	sadd.s32 $0x27B0, s10;
	[sflag:s5] =	ssyncadd.s32 $0xFFFFEC00  }
0xc7: {  	[spmem:s2] =	stream.indirect.scatter.add.bf16 [tilespmem:s30], [sflag:$0x6], $0x40, s12, s28, $0xb8;
	[tilespmem:$0x14E60] =	vst v63  }
0xc8: {  	_ =	swait.ge [sflag:s20], $0x1400  }
0xc9: {  	[sflag:s20] =	ssyncset.done $0x0  }
0xca: {  	[sflag:s20] =	ssyncadd.s32 $0xFFFFEC00  }
0xcb: {  	_ =	swait.ge [sflag:s6], $0x1400  }
0xcc: {  	[sflag:s6] =	ssyncset.done $0x0  }
0xcd: {  	s13 =	sadd.s32 $0x2800, s10;
	[sflag:s6] =	ssyncadd.s32 $0xFFFFEC00  }
0xce: {  	[spmem:s2] =	stream.indirect.scatter.add.bf16 [tilespmem:s31], [sflag:$0x6], $0x40, s13, s28, $0xb8;
	[tilespmem:$0x14E60] =	vst v63  }
0xcf: {  	_ =	swait.ge [sflag:s20], $0x1400  }
0xd0: {  	[sflag:s20] =	ssyncset.done $0x0  }
0xd1: {  	[sflag:s20] =	ssyncadd.s32 $0xFFFFEC00  }
0xd2: {  	_ =	swait.ge [sflag:s7], $0x1400  }
0xd3: {  	[sflag:s7] =	ssyncset.done $0x0  }
0xd4: {  	s10 =	sadd.s32 $0x2850, s10;
	[sflag:s7] =	ssyncadd.s32 $0xFFFFEC00  }
0xd5: {  	[spmem:s2] =	stream.indirect.scatter.add.bf16 [tilespmem:s1], [sflag:$0x6], $0x40, s10, s28, $0xb8;
	[tilespmem:$0x14E60] =	vst v63  }
0xd6: {  	_ =	swait.ge [sflag:s20], $0x1400  }
0xd7: {  	s12 =	stileid.u32;
	[sflag:s20] =	ssyncset.done $0x0  }
0xd8: {  	s10 =	sshll.u32 s12, $0x6;
	[sflag:s20] =	ssyncadd.s32 $0xFFFFEC00  }
0xd9: {  	s10 =	sor.u32 $0x1C06, s10;
	[bflag:$0x0] =	sbarrier.arrive $0xFFFF  }
0xda: {  	[hbm:s14], [sflag:s10] =	dma.local [spmem:s22], $0x640  }
0xdb: {  	_ =	swait.ge [sflag:s20], $0x640  }
0xdc: {  	[sflag:s20] =	ssyncset.done $0x0  }
0xdd: {  	[sflag:s20] =	ssyncadd.s32 $0xFFFFF9C0  }
0xde: {  	[hbm:s15], [sflag:s10] =	dma.local [spmem:s23], $0x640  }
0xdf: {  	_ =	swait.ge [sflag:s20], $0x640  }
0xe0: {  	[sflag:s20] =	ssyncset.done $0x0  }
0xe1: {  	[sflag:s20] =	ssyncadd.s32 $0xFFFFF9C0  }
0xe2: {  	[hbm:s16], [sflag:s10] =	dma.local [spmem:s24], $0x640  }
0xe3: {  	_ =	swait.ge [sflag:s20], $0x640  }
0xe4: {  	[sflag:s20] =	ssyncset.done $0x0  }
0xe5: {  	[sflag:s20] =	ssyncadd.s32 $0xFFFFF9C0  }
0xe6: {  	[hbm:s17], [sflag:s10] =	dma.local @!p1 [spmem:s25], $0x640  }
0xe7: {  	s10 =	simm.s32 @!p1 $0x6  }
0xe8: {  	_ =	swait.ge @!p1 [sflag:s10], $0x640  }
0xe9: {  	s9 =	sadd.s32 $0x1, s9;
	s13 =	rddreg [dreg:$0x5]  }
0xea: {  	p2 =	sne.s32 s9, s13  }
.Ltmp2:
0xeb: {  	_ = 	snop;
	(pc) =	sbr.rel @p2 .LBB2_1-.Ltmp2, $3  }
0xec: {  	_ =	sdelay $0x1  }
0xed: {  	[sflag:s10] =	ssyncset.done @!p1 $0x0  }
0xee: {  	[sflag:s10] =	ssyncadd.s32 @!p1 $0xFFFFF9C0  }
0xef: {  	_ =	sfence.sel $0x180000  }
0xf0: {  	[bflag:$0x0] =	sbarrier.arrive $0xFFFF  }
0xf1: {  	_ =	strace $0x9000004A  }
0xf2: {  	s0 =	stileid.u32;
	[bflag:$0x2] =	sbarrier.arrive $0xFFFF  }
0xf3: {  	p0 =	sne.s32 s0, $0x0;
	s0 =	rddreg [dreg:$0x2]  }
0xf4: {  	s0 =	sadd.s32 @!p0 $0x100000, s0  }
0xf5: {  	[sflag:s0] =	ssyncadd.tile.s32 @!p0 $0x1;
	_ =	shalt  }
.Lfunc_end2:
_tile_overlayer_lowered:
.L_overlay_start_2:
0xf6: {  	(tag) =	ssettag $0x2  }
0xf7: {  	s0 =	rddreg [dreg:$0x0];
	s2 =	stileid.u32  }
0xf8: {  	s1 =	rddreg [dreg:$0x1];
	p0 =	sne.s32 s2, $0x0  }
0xf9: {  	s3 =	rddreg [dreg:$0x2];
	[bflag:$0x3] =	sbarrier.arrive $0xFFFF;
	s2 =	simm.s32 @!p0 $0x1C06  }
0xfa: {  	[timem:s3], [sflag:s2] =	dma.local @!p0 [hbm:s0], s1  }
0xfb: {  	s0 =	simm.s32 @!p0 $0x6  }
0xfc: {  	_ =	swait.ge @!p0 [sflag:s0], s1  }
0xfd: {  	s1 =	ssub.s32 @!p0 $0x0, s1;
	[sflag:s0] =	ssyncset.done @!p0 $0x0  }
0xfe: {  	[sflag:s0] =	ssyncadd.s32 @!p0 s1  }
0xff: {  	[bflag:$0x3] =	sbarrier.arrive $0xFFFF  }
0x100: {  	_ =	shalt  }

// kernel: kernel.16.cloned.1.call-start
scs
__scs_entry_jumppad:
0x0: {  	(pc) =	sbr.rel $0x88, $3  }
0x1: {  	(tag) =	ssettag $0x0;
	lr =	simm.s32 $0x1  }
0x2: {  	[smem:$0x3F95] =	sst lr;
	_ =	strace $0xD0000000  }
0x3: {  	_ = 	snop  }
0x4: {  	_ = 	snop  }
0x5: {  	_ = 	snop  }
0x6: {  	_ = 	snop  }
0x7: {  	_ = 	snop  }
__scs_overlays_trampoline_lowered:
0x8: {  	[smem:$0x3FA4] =	sst s0  }
0x9: {  	[smem:$0x3FA5] =	sst s1  }
0xa: {  	[smem:$0x3FA6] =	sst s2  }
0xb: {  	[smem:$0x3FA7] =	sst s3  }
0xc: {  	[smem:$0x3FA8] =	sst s4  }
0xd: {  	[smem:$0x3FA9] =	sst s5  }
0xe: {  	[smem:$0x3FAA] =	sst s6  }
0xf: {  	[smem:$0x3FAB] =	sst s7  }
0x10: {  	[smem:$0x3FAC] =	sst s8  }
0x11: {  	[smem:$0x3FAD] =	sst s9;
	s0 =	simm.s32 @!p0 $0x0  }
0x12: {  	s1 =	sld [smem:$0x3F93];
	s0 =	simm.s32 @p0 $0x1  }
0x13: {  	[smem:$0x3FAE] =	sst s0;
	s0 =	simm.s32 @!p1 $0x0  }
0x14: {  	s2 =	sld [smem:$0x3F92];
	s0 =	simm.s32 @p1 $0x1  }
0x15: {  	[smem:$0x3FAF] =	sst s0;
	s0 =	simm.s32 @!p2 $0x0  }
0x16: {  	s3 =	sld [smem:$0x3FDB];
	s0 =	simm.s32 @p2 $0x1  }
0x17: {  	s4 =	simm.s32 $0x1BF5;
	[smem:$0x3FB1] =	sst s0  }
0x18: {  	s0 =	sld [smem:$0x3F94];
	_ =	swait.ge [sflag:s4], $0x0  }
0x19: {  	s7 =	sld [smem:$0x3F95]  }
0x1a: {  	s8 =	sadd.s32 $0xFFFFE003, lr  }
0x1b: {  	s9 =	sadd.s32 $0xFFFFFEF7, lr;
	s5 =	simm.s32 $0xFFFFFFFF;
	p2 =	slt.u32 s8, $0xFFFFF086  }
0x1c: {  	p1 =	slt.u32 s9, $0xF7A;
	s5 =	simm.s32 @!p2 $0x0  }
0x1d: {  	s5 =	simm.s32 @p1 $0x1;
	p0 =	seq.s32 s7, s2  }
0x1e: {  	s7 =	smul.u32 @!p0 $0xF7A, s2;
	p2 =	seq.s32 @!p0 s5, $0x0  }
0x1f: {  	s9 =	smul.u32 $0xF7A, s1;
	s8 =	simm.s32 @!p0 $0x1BF5;
	p2 =	por !p2, p0  }
0x20: {  	[sflag:s8] =	ssyncset.s32 @!p0 $0xFFFFF086;
	s6 =	sadd.s32 @!p0 s3, s7;
	s7 =	simm.s32 @!p0 $0x108  }
0x21: {  	s3 =	sadd.s32 s3, s9;
	s6 =	sadd.s32 @!p0 $0x88, s6;
	s7 =	simm.s32 @p2 $0x1082  }
0x22: {  	[simem:s7], [sflag:s8] =	dma.local @!p0 [hbm:s6], $0xF7A  }
0x23: {  	s9 =	sor.u32 $0xD0000000, s2;
	s6 =	simm.s32 $0x108;
	_ =	swait.ge @!p0 [sflag:s8], $0x0  }
0x24: {  	s3 =	sadd.s32 $0x88, s3;
	s6 =	simm.s32 @!p1 $0x1082;
	[sflag:s4] =	ssyncset.s32 $0xFFFFF086  }
0x25: {  	[simem:s6], [sflag:s4] =	dma.local [hbm:s3], $0xF7A  }
0x26: {  	[smem:$0x3F95] =	sst s1;
	(tag) =	ssettag s2;
	_ =	strace s9  }
0x27: {  	s1 =	sld [smem:$0x3FA5]  }
0x28: {  	s2 =	sld [smem:$0x3FA6]  }
0x29: {  	s4 =	sld [smem:$0x3FA8]  }
0x2a: {  	p0 =	seq.s32 s5, $0x0;
	s5 =	sld [smem:$0x3FA9]  }
0x2b: {  	s6 =	sld [smem:$0x3FAA]  }
0x2c: {  	s7 =	sld [smem:$0x3FAB]  }
0x2d: {  	s3 =	simm.s32 $0x108;
	s8 =	sld [smem:$0x3FAC]  }
0x2e: {  	s3 =	simm.s32 @!p0 $0x1082;
	s9 =	sld [smem:$0x3FAD]  }
0x2f: {  	lr =	sadd.s32 s0, s3;
	s0 =	sld [smem:$0x3FA4]  }
0x30: {  	s3 =	sld [smem:$0x3FA7]  }
0x31: {  	[smem:$0x3FB0] =	sst s10  }
0x32: {  	s10 =	sld [smem:$0x3FAE];
	_ =	sdelay $0x3  }
0x33: {  	p0 =	seq.s32 s10, $0x1;
	s10 =	sld [smem:$0x3FB0];
	_ =	sdelay $0x3  }
0x34: {  	[smem:$0x3FB0] =	sst s10  }
0x35: {  	s10 =	sld [smem:$0x3FAF];
	_ =	sdelay $0x3  }
0x36: {  	p1 =	seq.s32 s10, $0x1;
	s10 =	sld [smem:$0x3FB0];
	_ =	sdelay $0x3  }
0x37: {  	[smem:$0x3FB0] =	sst s10  }
0x38: {  	s10 =	sld [smem:$0x3FB1]  }
0x39: {  	_ = 	snop;
	(pc) =	sbr.ind lr, $3  }
0x3a: {  	_ = 	snop  }
0x3b: {  	_ = 	snop  }
0x3c: {  	p2 =	seq.s32 s10, $0x1;
	s10 =	sld [smem:$0x3FB0]  }
0x3d: {  	_ =	shalt  }
0x3e: {  	_ =	shalt  }
0x3f: {  	_ =	shalt  }
0x40: {  	_ =	shalt  }
0x41: {  	_ =	shalt  }
0x42: {  	_ =	shalt  }
0x43: {  	_ =	shalt  }
0x44: {  	_ =	shalt  }
0x45: {  	_ =	shalt  }
0x46: {  	_ =	shalt  }
0x47: {  	_ =	shalt  }
0x48: {  	_ =	shalt  }
0x49: {  	_ =	shalt  }
0x4a: {  	_ =	shalt  }
0x4b: {  	_ =	shalt  }
0x4c: {  	_ =	shalt  }
0x4d: {  	_ =	shalt  }
0x4e: {  	_ =	shalt  }
0x4f: {  	_ =	shalt  }
0x50: {  	_ =	shalt  }
0x51: {  	_ =	shalt  }
0x52: {  	_ =	shalt  }
0x53: {  	_ =	shalt  }
0x54: {  	_ =	shalt  }
0x55: {  	_ =	shalt  }
0x56: {  	_ =	shalt  }
0x57: {  	_ =	shalt  }
0x58: {  	_ =	shalt  }
0x59: {  	_ =	shalt  }
0x5a: {  	_ =	shalt  }
0x5b: {  	_ =	shalt  }
0x5c: {  	_ =	shalt  }
0x5d: {  	_ =	shalt  }
0x5e: {  	_ =	shalt  }
0x5f: {  	_ =	shalt  }
0x60: {  	_ =	shalt  }
0x61: {  	_ =	shalt  }
0x62: {  	_ =	shalt  }
0x63: {  	_ =	shalt  }
0x64: {  	_ =	shalt  }
0x65: {  	_ =	shalt  }
0x66: {  	_ =	shalt  }
0x67: {  	_ =	shalt  }
0x68: {  	_ =	shalt  }
0x69: {  	_ =	shalt  }
0x6a: {  	_ =	shalt  }
0x6b: {  	_ =	shalt  }
0x6c: {  	_ =	shalt  }
0x6d: {  	_ =	shalt  }
0x6e: {  	_ =	shalt  }
0x6f: {  	_ =	shalt  }
0x70: {  	_ =	shalt  }
0x71: {  	_ =	shalt  }
0x72: {  	_ =	shalt  }
0x73: {  	_ =	shalt  }
0x74: {  	_ =	shalt  }
0x75: {  	_ =	shalt  }
0x76: {  	_ =	shalt  }
0x77: {  	_ =	shalt  }
0x78: {  	_ =	shalt  }
0x79: {  	_ =	shalt  }
0x7a: {  	_ =	shalt  }
0x7b: {  	_ =	shalt  }
0x7c: {  	_ =	shalt  }
0x7d: {  	_ =	shalt  }
0x7e: {  	_ =	shalt  }
0x7f: {  	_ =	shalt  }
0x80: {  	_ =	shalt  }
0x81: {  	_ =	shalt  }
0x82: {  	_ =	shalt  }
0x83: {  	_ =	shalt  }
0x84: {  	_ =	shalt  }
0x85: {  	_ =	shalt  }
0x86: {  	_ =	shalt  }
0x87: {  	_ =	shalt  }
.Lfunc_end0:
.L_simem_size_0:
called_computation.2_lowered:
.L_overlay_start_0:
0x88: {  	s2 =	sld [smem:$0x3FD9]  }
0x89: {  	s3 =	sld [smem:$0x3FFE];
	_ =	sdelay $0x1  }
0x8a: {  	s1 =	srdreg.scid  }
0x8b: {  	s0 =	sand.u32 $0x1, s1  }
0x8c: {  	s16 =	sshll.u32 s0, $0xA;
	s2 =	sadd.s32 s3, s2  }
0x8d: {  	s2 =	sadd.s32 s2, s16  }
0x8e: {  	[smem:$0x3FBC] =	sst s2  }
0x8f: {  	_ = 	snop  }
0x90: {  	(tm) =	ssettm $0x1  }
0x91: {  	s17 =	sld [smem:$0x3FFB];
	_ =	sdelay $0x3  }
0x92: {  	_ =	strace s17  }
0x93: {  	s2 =	sld [smem:$0x3FFC];
	_ =	sdelay $0x3  }
0x94: {  	_ =	strace s2  }
0x95: {  	s2 =	sld [smem:$0x3FFD];
	_ =	sdelay $0x3  }
0x96: {  	_ =	strace s2  }
0x97: {  	_ =	strace $0x8FFFFFFF  }
0x98: {  	s18 =	sld [smem:$0x3FDB];
	_ =	sdelay $0x1  }
0x99: {  	s19 =	simm.s32 $_scs_section_size  }
0x9a: {  	s4 =	simm.s32 $_size__tile_overlayer_lowered;
	s5 =	simm.s32 $_tile_overlayer_lowered  }
0x9b: {  	s22 =	simm.s32 $0x1BFF;
	s21 =	sshll.u32 s5, $0x1;
	s2 =	sadd.s32 s19, s18  }
0x9c: {  	s6 =	simm.s32 $0x0;
	s20 =	sshll.u32 s4, $0x1;
	s4 =	sadd.s32 s21, s2  }
0x9d: {  	[timem:s6], [sflag:s22] =	dma.local [hbm:s4], s20  }
0x9e: {  	_ =	swait.ge [sflag:s22], s20  }
0x9f: {  	s3 =	ssub.s32 $0x0, s20;
	[sflag:s22] =	ssyncset.done $0x0  }
0xa0: {  	[sflag:s22] =	ssyncadd.s32 s3;
	_ =	sdelay $0x1  }
0xa1: {  	s23 =	simm.s32 $0x1B8B  }
0xa2: {  	_ =	swait.ge [sflag:s23], $0x1  }
0xa3: {  	[sflag:s23] =	ssyncset.done $0x0  }
0xa4: {  	s25 =	simm.s32 $0x1B8E;
	s24 =	sld [smem:$0x3FFE];
	[sflag:s23] =	ssyncadd.s32 $0xFFFFFFFF  }
0xa5: {  	s26 =	simm.s32 $execute0_lowered;
	[smem:$0x3FD2] =	sst s25  }
0xa6: {  	s4 =	sshll.u32 s26, $0x1;
	_ =	strace $0x8000004C;
	[dreg:$0x1] =	wrdreg $0xFFFFFFFF  }
0xa7: {  	s28 =	simm.s32 $_size_execute0_lowered;
	s2 =	sadd.s32 s2, s4;
	[dreg:$0x0] =	wrdreg $0x0  }
0xa8: {  	s4 =	sshll.u32 s28, $0x1;
	[dreg:$0x2] =	wrdreg s2  }
0xa9: {  	[dreg:$0x3] =	wrdreg s4  }
0xaa: {  	[dreg:$0x4] =	wrdreg $0xC0  }
0xab: {  	_ =	task [dreg:s6], $0x5FFFF  }
0xac: {  	[dreg:$0x1] =	wrdreg $0xFFFFFFFF  }
0xad: {  	[dreg:$0x0] =	wrdreg $0x60  }
0xae: {  	[dreg:$0x2] =	wrdreg s24  }
0xaf: {  	[dreg:$0x3] =	wrdreg $0x80200  }
0xb0: {  	[dreg:$0x4] =	wrdreg $0x9  }
0xb1: {  	_ =	task.clear_ibuf [dreg:s6], $0x5FFFF;
	_ =	strace $0x9000004C  }
0xb2: {  	s29 =	simm.s32 $0x9;
	_ =	strace $0x8000004E  }
0xb3: {  	_ =	swait.ge [sflag:s29], $0x1  }
0xb4: {  	[sflag:s29] =	ssyncadd.s32 $0xFFFFFFFF  }
0xb5: {  	_ =	strace $0x9000004E  }
0xb6: {  	_ =	sfence  }
0xb7: {  	s30 =	sld [smem:$0x0];
	_ =	sdelay $0x2  }
0xb8: {  	s31 =	sshll.u32 s1, $0xD;
	s1 =	sshrl.u32 s1, $0x2  }
0xb9: {  	s3 =	sand.u32 $0x4000, s31;
	s1 =	sadd.s32 s1, s30  }
0xba: {  	s0 =	sor.u32 s3, s0;
	s1 =	sshll.u32 s1, $0x11  }
0xbb: {  	s0 =	sor.u32 s1, s0  }
0xbc: {  	s0 =	sadd.s32 $0x8F2B, s0  }
0xbd: {  	[sflag:s0] =	ssyncadd.remote.s32 $0x1  }
0xbe: {  	_ =	sfence.sel $0xFFFF  }
0xbf: {  	[dreg:$0x0] =	wrdreg $0xFFFFFFFF;
	(pc) =	sbr.abs _section_cstart, $3  }
0xc0: {  	[dreg:$0x1] =	wrdreg $0xFFFFFFFF  }
0xc1: {  	_ =	task.clear_ibuf [dreg:s6], $0x2FFFF;
	_ =	strace $0x9FFFFFFF  }
0xc2: {  	(tm) =	ssettm $0x7FFFFFFF  }
0xc3: {  	_ =	shalt  }
tec
execute0_lowered:
.L_overlay_start_1:
0x0: {  	(tag) =	ssettag $0x1  }
0x1: {  	s0 =	srdreg.scid;
	s14 =	stileid.u32  }
0x2: {  	s0 =	sand.u32 $0x1, s0;
	s21 =	smul.u32 $0x2800, s14  }
0x3: {  	s3 =	sshll.u32 s14, $0x1;
	s9 =	sor.u32 $0x10, s14;
	s26 =	smul.u32 $0x3200, s14  }
0x4: {  	s4 =	sor.u32 s0, s3;
	s6 =	ssub.s32 $0x2, s0;
	s0 =	smul.u32 $0x9C400, s0  }
0x5: {  	s10 =	sor.u32 $0x20, s14;
	s22 =	smul.u32 $0x2800, s9  }
0x6: {  	s11 =	sor.u32 $0x30, s14;
	s23 =	smul.u32 $0x2800, s10  }
0x7: {  	s1 =	rddreg [dreg:$0x0];
	s13 =	sor.u32 $0x70, s14;
	s12 =	smul.u32 $0x2800, s11  }
0x8: {  	s2 =	rddreg [dreg:$0x1];
	s28 =	simm.s32 $0x50;
	s24 =	smul.u32 $0x2800, s13  }
0x9: {  	s29 =	simm.s32 $0x5820;
	s30 =	simm.s32 $0x6220;
	s9 =	smul.u32 $0x3200, s9  }
0xa: {  	s31 =	simm.s32 $0x6C20;
	s3 =	simm.s32 $0x0;
	s10 =	smul.u32 $0x3200, s10  }
0xb: {  	p0 =	sgt.u32 s13, $0x7C;
	p1 =	sgt.u32 s11, $0x31;
	[smem:$0x7FF] =	sst s3  }
0xc: {  	s4 =	smul.u32 $0x2710, s4;
	s7 =	sshrl.u32 s6, $0x1;
	_ =	strace $0x8000004D  }
0xd: {  	s6 =	ssub.s32 s6, s7;
	s7 =	sshrl.u32 s21, $0x2;
	s25 =	sshrl.u32 s23, $0x2  }
0xe: {  	s17 =	sshrl.u32 s12, $0x2;
	s18 =	sadd.s32 s0, s26;
	s15 =	sadd.s32 s0, s10  }
0xf: {  	s23 =	sshrl.u32 s26, $0x1;
	s5 =	sshrl.u32 s4, $0x3;
	s4 =	sadd.s32 $0x16E00, s1  }
0x10: {  	s6 =	smax.u32 s6, $0x1;
	s8 =	sadd.s32 s7, s2;
	s7 =	sshrl.u32 s24, $0x2  }
0x11: {  	s16 =	sshrl.u32 s15, $0x4;
	s24 =	sshrl.u32 s9, $0x1;
	s5 =	sadd.s32 s5, s1  }
0x12: {  	s1 =	sadd.s32 $0x21C00, s1;
	[dreg:$0x5] =	wrdreg s6;
	s19 =	sadd.s32 $0x28000, s8  }
0x13: {  	s21 =	sadd.s32 $0x32000, s8;
	s20 =	sadd.s32 $0x3400, s5;
	[dreg:$0x9] =	wrdreg s19  }
0x14: {  	s5 =	sadd.s32 $0xD040, s5;
	[dreg:$0xa] =	wrdreg s21;
	s16 =	sadd.s32 s1, s16  }
0x15: {  	s19 =	sadd.s32 s7, s2;
	s21 =	simm.s32 $0x1;
	[dreg:$0x3] =	wrdreg s20  }
0x16: {  	s7 =	simm.s32 $0x5;
	[dreg:$0x4] =	wrdreg s5;
	s5 =	sshrl.u32 s22, $0x2  }
0x17: {  	s20 =	smul.u32 $0x3200, s11;
	s22 =	sadd.s32 s0, s9;
	s5 =	sadd.s32 s5, s2  }
0x18: {  	s9 =	simm.s32 $0x0;
	[dreg:$0x6] =	wrdreg s5;
	s5 =	sadd.s32 s25, s2  }
0x19: {  	s0 =	sadd.s32 s0, s20;
	s25 =	sshrl.u32 s10, $0x1;
	s26 =	sshrl.u32 s20, $0x1  }
0x1a: {  	s20 =	simm.s32 $0x6;
	[dreg:$0x7] =	wrdreg s5;
	s5 =	sadd.s32 s17, s2  }
0x1b: {  	s0 =	sshrl.u32 s0, $0x4;
	s6 =	sadd.s32 s26, s2;
	s26 =	simm.s32 $0x4E20  }
0x1c: {  	[dreg:$0x8] =	wrdreg s5;
	s5 =	sshrl.u32 s18, $0x4;
	s17 =	sadd.s32 s1, s0  }
0x1d: {  	s18 =	sadd.s32 $0x3C000, s8;
	s0 =	sadd.s32 s23, s2;
	s14 =	sadd.s32 s1, s5  }
0x1e: {  	s5 =	sshrl.u32 s22, $0x4;
	s22 =	sshrl.u32 s0, $0x3;
	s0 =	simm.s32 $0x2  }
0x1f: {  	s15 =	sadd.s32 s1, s5;
	s1 =	sadd.s32 s24, s2;
	s5 =	sadd.s32 s25, s2  }
0x20: {  	s25 =	sshrl.u32 @!p1 s6, $0x3;
	s6 =	simm.s32 $0x4;
	s23 =	sshrl.u32 s1, $0x3  }
0x21: {  	v0 =	vimm.bf16 $0.0e+00;
	s24 =	sshrl.u32 s5, $0x3;
	s1 =	simm.s32 $0x7620;
	s5 =	simm.s32 $0x3  }
.LBB2_1:
0x22: {  	s10 =	rddreg [dreg:$0x3]  }
0x23: {  	[tilespmem:s3], [sflag:$0x6] =	stream.linear.gather [hbm4b:s10+s3], $0x2710, $0x38;
	[tilespmem:$0xCE40] =	vst v63  }
0x24: {  	_ =	swait.ge [sflag:s20], $0x2710  }
0x25: {  	[sflag:s20] =	ssyncset.done $0x0  }
0x26: {  	s11 =	simm.s32 $0x2710;
	s13 =	rddreg [dreg:$0x4];
	[sflag:s20] =	ssyncadd.s32 $0xFFFFD8F0  }
0x27: {  	[tilespmem:s11], [sflag:$0x6] =	stream.linear.gather [hbm4b:s13+s3], $0x2710, $0x38;
	[tilespmem:$0xCE40] =	vst v63  }
0x28: {  	s12 =	sand.u32 $0x3F80, s3;
	s13 =	sand.u32 $0x20, s3;
	_ =	swait.ge [sflag:s20], $0x2710  }
0x29: {  	s10 =	sshrl.u32 s12, $0x2;
	s11 =	sshrl.u32 s13, $0x1;
	[sflag:s20] =	ssyncset.done $0x0  }
0x2a: {  	s11 =	sor.u32 s11, s10;
	[sflag:s20] =	ssyncadd.s32 $0xFFFFD8F0  }
0x2b: {  	s10 =	simm.s32 $0x40;
	[tilespmem:s11+$0x4E20] =	vst v0;
	s11 =	simm.s32 $0x0  }
.LBB2_2:
0x2c: {  	p2 =	sne.s32 s10, $0x27C0  }
.Ltmp0:
0x2d: {  	s12 =	sand.u32 $0x3F80, s10;
	s11 =	sadd.s32 $0x20, s11;
	(pc) =	sbr.rel @p2 .LBB2_2-.Ltmp0, $4  }
0x2e: {  	s10 =	sadd.s32 $0x40, s10;
	s13 =	sand.u32 $0x20, s11  }
0x2f: {  	s12 =	sshrl.u32 s12, $0x2;
	s13 =	sshrl.u32 s13, $0x1  }
0x30: {  	s12 =	sor.u32 s13, s12  }
0x31: {  	[tilespmem:s12+$0x4E20] =	vst v0  }
0x32: {  	[spmem:s8] =	stream.linear.scatter [tilespmem:s26], [sflag:$0x6], $0xA00, $0x38;
	[tilespmem:$0xCE40] =	vst v63  }
0x33: {  	_ =	swait.ge [sflag:s20], $0xA00  }
0x34: {  	[sflag:s20] =	ssyncset.done $0x0  }
0x35: {  	s10 =	rddreg [dreg:$0x6];
	[sflag:s20] =	ssyncadd.s32 $0xFFFFF600  }
0x36: {  	[spmem:s10] =	stream.linear.scatter [tilespmem:s26], [sflag:$0x6], $0xA00, $0x38;
	[tilespmem:$0xCE40] =	vst v63  }
0x37: {  	_ =	swait.ge [sflag:s20], $0xA00  }
0x38: {  	[sflag:s20] =	ssyncset.done $0x0  }
0x39: {  	s12 =	rddreg [dreg:$0x7];
	[sflag:s20] =	ssyncadd.s32 $0xFFFFF600  }
0x3a: {  	[spmem:s12] =	stream.linear.scatter [tilespmem:s26], [sflag:$0x6], $0xA00, $0x38;
	[tilespmem:$0xCE40] =	vst v63  }
0x3b: {  	_ =	swait.ge [sflag:s20], $0xA00  }
0x3c: {  	[sflag:s20] =	ssyncset.done $0x0  }
0x3d: {  	s13 =	rddreg [dreg:$0x8];
	[sflag:s20] =	ssyncadd.s32 $0xFFFFF600  }
0x3e: {  	[spmem:s13] =	stream.linear.scatter [tilespmem:s26], [sflag:$0x6], $0xA00, $0x38;
	[tilespmem:$0xCE40] =	vst v63  }
0x3f: {  	_ =	swait.ge [sflag:s20], $0xA00  }
0x40: {  	[sflag:s20] =	ssyncset.done $0x0  }
0x41: {  	s11 =	rddreg [dreg:$0x9];
	[sflag:s20] =	ssyncadd.s32 $0xFFFFF600  }
0x42: {  	[spmem:s11] =	stream.linear.scatter [tilespmem:s26], [sflag:$0x6], $0xA00, $0x38;
	[tilespmem:$0xCE40] =	vst v63  }
0x43: {  	_ =	swait.ge [sflag:s20], $0xA00  }
0x44: {  	[sflag:s20] =	ssyncset.done $0x0  }
0x45: {  	s12 =	rddreg [dreg:$0xa];
	[sflag:s20] =	ssyncadd.s32 $0xFFFFF600  }
0x46: {  	[spmem:s12] =	stream.linear.scatter [tilespmem:s26], [sflag:$0x6], $0xA00, $0x38;
	[tilespmem:$0xCE40] =	vst v63  }
0x47: {  	_ =	swait.ge [sflag:s20], $0xA00  }
0x48: {  	[sflag:s20] =	ssyncset.done $0x0  }
0x49: {  	[sflag:s20] =	ssyncadd.s32 $0xFFFFF600  }
0x4a: {  	[spmem:s18] =	stream.linear.scatter [tilespmem:s26], [sflag:$0x6], $0xA00, $0x38;
	[tilespmem:$0xCE40] =	vst v63  }
0x4b: {  	_ =	swait.ge [sflag:s20], $0xA00  }
0x4c: {  	[sflag:s20] =	ssyncset.done $0x0  }
0x4d: {  	s10 =	simm.s32 @!p0 $0x4E20;
	[sflag:s20] =	ssyncadd.s32 $0xFFFFF600  }
0x4e: {  	[spmem:s19] =	stream.linear.scatter @!p0 [tilespmem:s10], [sflag:$0x6], $0xA00, $0x38;
	[tilespmem:$0xCE40] =	vst v63  }
0x4f: {  	s10 =	simm.s32 @!p0 $0x6  }
0x50: {  	_ =	swait.ge @!p0 [sflag:s10], $0xA00  }
0x51: {  	[sflag:s10] =	ssyncset.done @!p0 $0x0  }
0x52: {  	[sflag:s10] =	ssyncadd.s32 @!p0 $0xFFFFF600  }
0x53: {  	s13 =	simm.s32 $0x0;
	[bflag:$0x0] =	sbarrier.arrive $0xFFFF  }
0x54: {  	[tilespmem:s26], [sflag:$0x1] =	stream.indirect.gather [hbm4b:s4+s28], $0x20, s13, s28, $0xb8;
	[tilespmem:$0xCE40] =	vst v63  }
0x55: {  	s11 =	simm.s32 $0x50  }
0x56: {  	[tilespmem:s29], [sflag:$0x2] =	stream.indirect.gather [hbm4b:s4+s28], $0x20, s11, s28, $0xb8;
	[tilespmem:$0xCE40] =	vst v63  }
0x57: {  	s12 =	simm.s32 $0xA0  }
0x58: {  	[tilespmem:s30], [sflag:$0x3] =	stream.indirect.gather [hbm4b:s4+s28], $0x20, s12, s28, $0xb8;
	[tilespmem:$0xCE40] =	vst v63  }
0x59: {  	s13 =	simm.s32 $0xF0  }
0x5a: {  	[tilespmem:s31], [sflag:$0x4] =	stream.indirect.gather [hbm4b:s4+s28], $0x20, s13, s28, $0xb8;
	[tilespmem:$0xCE40] =	vst v63  }
0x5b: {  	s11 =	simm.s32 $0x140  }
0x5c: {  	[tilespmem:s1], [sflag:$0x5] =	stream.indirect.gather [hbm4b:s4+s28], $0x20, s11, s28, $0xb8;
	[tilespmem:$0xCE40] =	vst v63  }
0x5d: {  	_ =	swait.ge [sflag:s21], $0xA00  }
0x5e: {  	[sflag:s21] =	ssyncset.done $0x0  }
0x5f: {  	s12 =	simm.s32 $0x2710;
	[sflag:s21] =	ssyncadd.s32 $0xFFFFF600  }
0x60: {  	[spmem:s2] =	stream.indirect.scatter.add.bf16 [tilespmem:s26], [sflag:$0x6], $0x20, s12, s28, $0xb8;
	[tilespmem:$0xCE40] =	vst v63  }
0x61: {  	_ =	swait.ge [sflag:s20], $0xA00  }
0x62: {  	[sflag:s20] =	ssyncset.done $0x0  }
0x63: {  	[sflag:s20] =	ssyncadd.s32 $0xFFFFF600  }
0x64: {  	_ =	swait.ge [sflag:s0], $0xA00  }
0x65: {  	[sflag:s0] =	ssyncset.done $0x0  }
0x66: {  	s13 =	simm.s32 $0x2760;
	[sflag:s0] =	ssyncadd.s32 $0xFFFFF600  }
0x67: {  	[spmem:s2] =	stream.indirect.scatter.add.bf16 [tilespmem:s29], [sflag:$0x6], $0x20, s13, s28, $0xb8;
	[tilespmem:$0xCE40] =	vst v63  }
0x68: {  	_ =	swait.ge [sflag:s20], $0xA00  }
0x69: {  	[sflag:s20] =	ssyncset.done $0x0  }
0x6a: {  	[sflag:s20] =	ssyncadd.s32 $0xFFFFF600  }
0x6b: {  	_ =	swait.ge [sflag:s5], $0xA00  }
0x6c: {  	[sflag:s5] =	ssyncset.done $0x0  }
0x6d: {  	s11 =	simm.s32 $0x27B0;
	[sflag:s5] =	ssyncadd.s32 $0xFFFFF600  }
0x6e: {  	[spmem:s2] =	stream.indirect.scatter.add.bf16 [tilespmem:s30], [sflag:$0x6], $0x20, s11, s28, $0xb8;
	[tilespmem:$0xCE40] =	vst v63  }
0x6f: {  	_ =	swait.ge [sflag:s20], $0xA00  }
0x70: {  	[sflag:s20] =	ssyncset.done $0x0  }
0x71: {  	[sflag:s20] =	ssyncadd.s32 $0xFFFFF600  }
0x72: {  	_ =	swait.ge [sflag:s6], $0xA00  }
0x73: {  	[sflag:s6] =	ssyncset.done $0x0  }
0x74: {  	s12 =	simm.s32 $0x2800;
	[sflag:s6] =	ssyncadd.s32 $0xFFFFF600  }
0x75: {  	[spmem:s2] =	stream.indirect.scatter.add.bf16 [tilespmem:s31], [sflag:$0x6], $0x20, s12, s28, $0xb8;
	[tilespmem:$0xCE40] =	vst v63  }
0x76: {  	_ =	swait.ge [sflag:s20], $0xA00  }
0x77: {  	[sflag:s20] =	ssyncset.done $0x0  }
0x78: {  	[sflag:s20] =	ssyncadd.s32 $0xFFFFF600  }
0x79: {  	_ =	swait.ge [sflag:s7], $0xA00  }
0x7a: {  	[sflag:s7] =	ssyncset.done $0x0  }
0x7b: {  	s13 =	simm.s32 $0x2850;
	[sflag:s7] =	ssyncadd.s32 $0xFFFFF600  }
0x7c: {  	[spmem:s2] =	stream.indirect.scatter.add.bf16 [tilespmem:s1], [sflag:$0x6], $0x20, s13, s28, $0xb8;
	[tilespmem:$0xCE40] =	vst v63  }
0x7d: {  	_ =	swait.ge [sflag:s20], $0xA00  }
0x7e: {  	s10 =	simm.s32 $0x640;
	s11 =	simm.s32 $0xC80;
	[sflag:s20] =	ssyncset.done $0x0  }
.LBB2_4:
0x7f: {  	s12 =	sshra.s32 s10, $0x2  }
0x80: {  	[sflag:s20] =	ssyncadd.s32 $0xFFFFF600;
	s10 =	smov.u32 s11;
	s13 =	sadd.s32 $0x640, s11  }
0x81: {  	[tilespmem:s26], [sflag:$0x1] =	stream.indirect.gather [hbm4b:s4+s28], $0x20, s12, s28, $0xb8;
	[tilespmem:$0xCE40] =	vst v63  }
0x82: {  	p2 =	sne.s32 s11, $0x9600;
	s11 =	sadd.s32 $0x50, s12  }
0x83: {  	[tilespmem:s29], [sflag:$0x2] =	stream.indirect.gather [hbm4b:s4+s28], $0x20, s11, s28, $0xb8;
	[tilespmem:$0xCE40] =	vst v63  }
0x84: {  	s11 =	sadd.s32 $0xA0, s12  }
0x85: {  	[tilespmem:s30], [sflag:$0x3] =	stream.indirect.gather [hbm4b:s4+s28], $0x20, s11, s28, $0xb8;
	[tilespmem:$0xCE40] =	vst v63  }
0x86: {  	s11 =	sadd.s32 $0xF0, s12  }
0x87: {  	[tilespmem:s31], [sflag:$0x4] =	stream.indirect.gather [hbm4b:s4+s28], $0x20, s11, s28, $0xb8;
	[tilespmem:$0xCE40] =	vst v63  }
0x88: {  	s11 =	sadd.s32 $0x140, s12  }
0x89: {  	[tilespmem:s1], [sflag:$0x5] =	stream.indirect.gather [hbm4b:s4+s28], $0x20, s11, s28, $0xb8;
	[tilespmem:$0xCE40] =	vst v63  }
0x8a: {  	_ =	swait.ge [sflag:s21], $0xA00  }
0x8b: {  	[sflag:s21] =	ssyncset.done $0x0  }
0x8c: {  	s11 =	sadd.s32 $0x2710, s12;
	[sflag:s21] =	ssyncadd.s32 $0xFFFFF600  }
0x8d: {  	[spmem:s2] =	stream.indirect.scatter.add.bf16 [tilespmem:s26], [sflag:$0x6], $0x20, s11, s28, $0xb8;
	[tilespmem:$0xCE40] =	vst v63  }
0x8e: {  	_ =	swait.ge [sflag:s20], $0xA00  }
0x8f: {  	[sflag:s20] =	ssyncset.done $0x0  }
0x90: {  	[sflag:s20] =	ssyncadd.s32 $0xFFFFF600  }
0x91: {  	_ =	swait.ge [sflag:s0], $0xA00  }
0x92: {  	[sflag:s0] =	ssyncset.done $0x0  }
0x93: {  	s11 =	sadd.s32 $0x2760, s12;
	[sflag:s0] =	ssyncadd.s32 $0xFFFFF600  }
0x94: {  	[spmem:s2] =	stream.indirect.scatter.add.bf16 [tilespmem:s29], [sflag:$0x6], $0x20, s11, s28, $0xb8;
	[tilespmem:$0xCE40] =	vst v63  }
0x95: {  	_ =	swait.ge [sflag:s20], $0xA00  }
0x96: {  	[sflag:s20] =	ssyncset.done $0x0  }
0x97: {  	[sflag:s20] =	ssyncadd.s32 $0xFFFFF600  }
0x98: {  	_ =	swait.ge [sflag:s5], $0xA00  }
0x99: {  	[sflag:s5] =	ssyncset.done $0x0  }
0x9a: {  	s11 =	sadd.s32 $0x27B0, s12;
	[sflag:s5] =	ssyncadd.s32 $0xFFFFF600  }
0x9b: {  	[spmem:s2] =	stream.indirect.scatter.add.bf16 [tilespmem:s30], [sflag:$0x6], $0x20, s11, s28, $0xb8;
	[tilespmem:$0xCE40] =	vst v63  }
0x9c: {  	_ =	swait.ge [sflag:s20], $0xA00  }
0x9d: {  	[sflag:s20] =	ssyncset.done $0x0  }
0x9e: {  	[sflag:s20] =	ssyncadd.s32 $0xFFFFF600  }
0x9f: {  	_ =	swait.ge [sflag:s6], $0xA00  }
0xa0: {  	[sflag:s6] =	ssyncset.done $0x0  }
0xa1: {  	s11 =	sadd.s32 $0x2800, s12;
	[sflag:s6] =	ssyncadd.s32 $0xFFFFF600  }
0xa2: {  	[spmem:s2] =	stream.indirect.scatter.add.bf16 [tilespmem:s31], [sflag:$0x6], $0x20, s11, s28, $0xb8;
	[tilespmem:$0xCE40] =	vst v63  }
0xa3: {  	_ =	swait.ge [sflag:s20], $0xA00  }
0xa4: {  	[sflag:s20] =	ssyncset.done $0x0  }
0xa5: {  	[sflag:s20] =	ssyncadd.s32 $0xFFFFF600  }
0xa6: {  	_ =	swait.ge [sflag:s7], $0xA00  }
.Ltmp1:
0xa7: {  	[sflag:s7] =	ssyncset.done $0x0;
	(pc) =	sbr.rel @p2 .LBB2_4-.Ltmp1, $4  }
0xa8: {  	s11 =	sadd.s32 $0x2850, s12;
	[sflag:s7] =	ssyncadd.s32 $0xFFFFF600  }
0xa9: {  	[spmem:s2] =	stream.indirect.scatter.add.bf16 [tilespmem:s1], [sflag:$0x6], $0x20, s11, s28, $0xb8;
	[tilespmem:$0xCE40] =	vst v63  }
0xaa: {  	_ =	swait.ge [sflag:s20], $0xA00  }
0xab: {  	s11 =	smov.u32 s13;
	[sflag:s20] =	ssyncset.done $0x0  }
0xac: {  	s10 =	sshra.s32 s10, $0x2;
	[sflag:s20] =	ssyncadd.s32 $0xFFFFF600  }
0xad: {  	[tilespmem:s26], [sflag:$0x1] =	stream.indirect.gather [hbm4b:s4+s28], $0x20, s10, s28, $0xb8;
	[tilespmem:$0xCE40] =	vst v63  }
0xae: {  	s11 =	sadd.s32 $0x50, s10  }
0xaf: {  	[tilespmem:s29], [sflag:$0x2] =	stream.indirect.gather [hbm4b:s4+s28], $0x20, s11, s28, $0xb8;
	[tilespmem:$0xCE40] =	vst v63  }
0xb0: {  	s13 =	sadd.s32 $0xA0, s10  }
0xb1: {  	[tilespmem:s30], [sflag:$0x3] =	stream.indirect.gather [hbm4b:s4+s28], $0x20, s13, s28, $0xb8;
	[tilespmem:$0xCE40] =	vst v63  }
0xb2: {  	s12 =	sadd.s32 $0xF0, s10  }
0xb3: {  	[tilespmem:s31], [sflag:$0x4] =	stream.indirect.gather [hbm4b:s4+s28], $0x20, s12, s28, $0xb8;
	[tilespmem:$0xCE40] =	vst v63  }
0xb4: {  	s13 =	sadd.s32 $0x140, s10  }
0xb5: {  	[tilespmem:s1], [sflag:$0x5] =	stream.indirect.gather [hbm4b:s4+s28], $0x20, s13, s28, $0xb8;
	[tilespmem:$0xCE40] =	vst v63  }
0xb6: {  	_ =	swait.ge [sflag:s21], $0xA00  }
0xb7: {  	[sflag:s21] =	ssyncset.done $0x0  }
0xb8: {  	s12 =	sadd.s32 $0x2710, s10;
	[sflag:s21] =	ssyncadd.s32 $0xFFFFF600  }
0xb9: {  	[spmem:s2] =	stream.indirect.scatter.add.bf16 [tilespmem:s26], [sflag:$0x6], $0x20, s12, s28, $0xb8;
	[tilespmem:$0xCE40] =	vst v63  }
0xba: {  	_ =	swait.ge [sflag:s20], $0xA00  }
0xbb: {  	[sflag:s20] =	ssyncset.done $0x0  }
0xbc: {  	[sflag:s20] =	ssyncadd.s32 $0xFFFFF600  }
0xbd: {  	_ =	swait.ge [sflag:s0], $0xA00  }
0xbe: {  	[sflag:s0] =	ssyncset.done $0x0  }
0xbf: {  	s13 =	sadd.s32 $0x2760, s10;
	[sflag:s0] =	ssyncadd.s32 $0xFFFFF600  }
0xc0: {  	[spmem:s2] =	stream.indirect.scatter.add.bf16 [tilespmem:s29], [sflag:$0x6], $0x20, s13, s28, $0xb8;
	[tilespmem:$0xCE40] =	vst v63  }
0xc1: {  	_ =	swait.ge [sflag:s20], $0xA00  }
0xc2: {  	[sflag:s20] =	ssyncset.done $0x0  }
0xc3: {  	[sflag:s20] =	ssyncadd.s32 $0xFFFFF600  }
0xc4: {  	_ =	swait.ge [sflag:s5], $0xA00  }
0xc5: {  	[sflag:s5] =	ssyncset.done $0x0  }
0xc6: {  	s12 =	sadd.s32 $0x27B0, s10;
	[sflag:s5] =	ssyncadd.s32 $0xFFFFF600  }
0xc7: {  	[spmem:s2] =	stream.indirect.scatter.add.bf16 [tilespmem:s30], [sflag:$0x6], $0x20, s12, s28, $0xb8;
	[tilespmem:$0xCE40] =	vst v63  }
0xc8: {  	_ =	swait.ge [sflag:s20], $0xA00  }
0xc9: {  	[sflag:s20] =	ssyncset.done $0x0  }
0xca: {  	[sflag:s20] =	ssyncadd.s32 $0xFFFFF600  }
0xcb: {  	_ =	swait.ge [sflag:s6], $0xA00  }
0xcc: {  	[sflag:s6] =	ssyncset.done $0x0  }
0xcd: {  	s13 =	sadd.s32 $0x2800, s10;
	[sflag:s6] =	ssyncadd.s32 $0xFFFFF600  }
0xce: {  	[spmem:s2] =	stream.indirect.scatter.add.bf16 [tilespmem:s31], [sflag:$0x6], $0x20, s13, s28, $0xb8;
	[tilespmem:$0xCE40] =	vst v63  }
0xcf: {  	_ =	swait.ge [sflag:s20], $0xA00  }
0xd0: {  	[sflag:s20] =	ssyncset.done $0x0  }
0xd1: {  	[sflag:s20] =	ssyncadd.s32 $0xFFFFF600  }
0xd2: {  	_ =	swait.ge [sflag:s7], $0xA00  }
0xd3: {  	[sflag:s7] =	ssyncset.done $0x0  }
0xd4: {  	s10 =	sadd.s32 $0x2850, s10;
	[sflag:s7] =	ssyncadd.s32 $0xFFFFF600  }
0xd5: {  	[spmem:s2] =	stream.indirect.scatter.add.bf16 [tilespmem:s1], [sflag:$0x6], $0x20, s10, s28, $0xb8;
	[tilespmem:$0xCE40] =	vst v63  }
0xd6: {  	_ =	swait.ge [sflag:s20], $0xA00  }
0xd7: {  	s12 =	stileid.u32;
	[sflag:s20] =	ssyncset.done $0x0  }
0xd8: {  	s10 =	sshll.u32 s12, $0x6;
	[sflag:s20] =	ssyncadd.s32 $0xFFFFF600  }
0xd9: {  	s10 =	sor.u32 $0x1C06, s10;
	[bflag:$0x0] =	sbarrier.arrive $0xFFFF  }
0xda: {  	[hbm:s14], [sflag:s10] =	dma.local [spmem:s22], $0x320  }
0xdb: {  	_ =	swait.ge [sflag:s20], $0x320  }
0xdc: {  	[sflag:s20] =	ssyncset.done $0x0  }
0xdd: {  	[sflag:s20] =	ssyncadd.s32 $0xFFFFFCE0  }
0xde: {  	[hbm:s15], [sflag:s10] =	dma.local [spmem:s23], $0x320  }
0xdf: {  	_ =	swait.ge [sflag:s20], $0x320  }
0xe0: {  	[sflag:s20] =	ssyncset.done $0x0  }
0xe1: {  	[sflag:s20] =	ssyncadd.s32 $0xFFFFFCE0  }
0xe2: {  	[hbm:s16], [sflag:s10] =	dma.local [spmem:s24], $0x320  }
0xe3: {  	_ =	swait.ge [sflag:s20], $0x320  }
0xe4: {  	[sflag:s20] =	ssyncset.done $0x0  }
0xe5: {  	[sflag:s20] =	ssyncadd.s32 $0xFFFFFCE0  }
0xe6: {  	[hbm:s17], [sflag:s10] =	dma.local @!p1 [spmem:s25], $0x320  }
0xe7: {  	s10 =	simm.s32 @!p1 $0x6  }
0xe8: {  	_ =	swait.ge @!p1 [sflag:s10], $0x320  }
0xe9: {  	s9 =	sadd.s32 $0x1, s9;
	s13 =	rddreg [dreg:$0x5]  }
0xea: {  	p2 =	sne.s32 s9, s13  }
.Ltmp2:
0xeb: {  	_ = 	snop;
	(pc) =	sbr.rel @p2 .LBB2_1-.Ltmp2, $3  }
0xec: {  	_ =	sdelay $0x1  }
0xed: {  	[sflag:s10] =	ssyncset.done @!p1 $0x0  }
0xee: {  	[sflag:s10] =	ssyncadd.s32 @!p1 $0xFFFFFCE0  }
0xef: {  	_ =	sfence.sel $0x180000  }
0xf0: {  	[bflag:$0x0] =	sbarrier.arrive $0xFFFF  }
0xf1: {  	_ =	strace $0x9000004D  }
0xf2: {  	s0 =	stileid.u32;
	[bflag:$0x2] =	sbarrier.arrive $0xFFFF  }
0xf3: {  	p0 =	sne.s32 s0, $0x0;
	s0 =	rddreg [dreg:$0x2]  }
0xf4: {  	s0 =	sadd.s32 @!p0 $0x100000, s0  }
0xf5: {  	[sflag:s0] =	ssyncadd.tile.s32 @!p0 $0x1;
	_ =	shalt  }
.Lfunc_end2:
_tile_overlayer_lowered:
.L_overlay_start_2:
0xf6: {  	(tag) =	ssettag $0x2  }
0xf7: {  	s0 =	rddreg [dreg:$0x0];
	s2 =	stileid.u32  }
0xf8: {  	s1 =	rddreg [dreg:$0x1];
	p0 =	sne.s32 s2, $0x0  }
0xf9: {  	s3 =	rddreg [dreg:$0x2];
	[bflag:$0x3] =	sbarrier.arrive $0xFFFF;
	s2 =	simm.s32 @!p0 $0x1C06  }
0xfa: {  	[timem:s3], [sflag:s2] =	dma.local @!p0 [hbm:s0], s1  }
0xfb: {  	s0 =	simm.s32 @!p0 $0x6  }
0xfc: {  	_ =	swait.ge @!p0 [sflag:s0], s1  }
0xfd: {  	s1 =	ssub.s32 @!p0 $0x0, s1;
	[sflag:s0] =	ssyncset.done @!p0 $0x0  }
0xfe: {  	[sflag:s0] =	ssyncadd.s32 @!p0 s1  }
0xff: {  	[bflag:$0x3] =	sbarrier.arrive $0xFFFF  }
0x100: {  	_ =	shalt  }

// kernel: kernel.19.cloned.1.call-start
scs
__scs_entry_jumppad:
0x0: {  	(pc) =	sbr.rel $0x88, $3  }
0x1: {  	(tag) =	ssettag $0x0;
	lr =	simm.s32 $0x1  }
0x2: {  	[smem:$0x3F95] =	sst lr;
	_ =	strace $0xD0000000  }
0x3: {  	_ = 	snop  }
0x4: {  	_ = 	snop  }
0x5: {  	_ = 	snop  }
0x6: {  	_ = 	snop  }
0x7: {  	_ = 	snop  }
__scs_overlays_trampoline_lowered:
0x8: {  	[smem:$0x3FA4] =	sst s0  }
0x9: {  	[smem:$0x3FA5] =	sst s1  }
0xa: {  	[smem:$0x3FA6] =	sst s2  }
0xb: {  	[smem:$0x3FA7] =	sst s3  }
0xc: {  	[smem:$0x3FA8] =	sst s4  }
0xd: {  	[smem:$0x3FA9] =	sst s5  }
0xe: {  	[smem:$0x3FAA] =	sst s6  }
0xf: {  	[smem:$0x3FAB] =	sst s7  }
0x10: {  	[smem:$0x3FAC] =	sst s8  }
0x11: {  	[smem:$0x3FAD] =	sst s9;
	s0 =	simm.s32 @!p0 $0x0  }
0x12: {  	s1 =	sld [smem:$0x3F93];
	s0 =	simm.s32 @p0 $0x1  }
0x13: {  	[smem:$0x3FAE] =	sst s0;
	s0 =	simm.s32 @!p1 $0x0  }
0x14: {  	s2 =	sld [smem:$0x3F92];
	s0 =	simm.s32 @p1 $0x1  }
0x15: {  	[smem:$0x3FAF] =	sst s0;
	s0 =	simm.s32 @!p2 $0x0  }
0x16: {  	s3 =	sld [smem:$0x3FDB];
	s0 =	simm.s32 @p2 $0x1  }
0x17: {  	s4 =	simm.s32 $0x1BF5;
	[smem:$0x3FB1] =	sst s0  }
0x18: {  	s0 =	sld [smem:$0x3F94];
	_ =	swait.ge [sflag:s4], $0x0  }
0x19: {  	s7 =	sld [smem:$0x3F95]  }
0x1a: {  	s8 =	sadd.s32 $0xFFFFE003, lr  }
0x1b: {  	s9 =	sadd.s32 $0xFFFFFEF7, lr;
	s5 =	simm.s32 $0xFFFFFFFF;
	p2 =	slt.u32 s8, $0xFFFFF086  }
0x1c: {  	p1 =	slt.u32 s9, $0xF7A;
	s5 =	simm.s32 @!p2 $0x0  }
0x1d: {  	s5 =	simm.s32 @p1 $0x1;
	p0 =	seq.s32 s7, s2  }
0x1e: {  	s7 =	smul.u32 @!p0 $0xF7A, s2;
	p2 =	seq.s32 @!p0 s5, $0x0  }
0x1f: {  	s9 =	smul.u32 $0xF7A, s1;
	s8 =	simm.s32 @!p0 $0x1BF5;
	p2 =	por !p2, p0  }
0x20: {  	[sflag:s8] =	ssyncset.s32 @!p0 $0xFFFFF086;
	s6 =	sadd.s32 @!p0 s3, s7;
	s7 =	simm.s32 @!p0 $0x108  }
0x21: {  	s3 =	sadd.s32 s3, s9;
	s6 =	sadd.s32 @!p0 $0x88, s6;
	s7 =	simm.s32 @p2 $0x1082  }
0x22: {  	[simem:s7], [sflag:s8] =	dma.local @!p0 [hbm:s6], $0xF7A  }
0x23: {  	s9 =	sor.u32 $0xD0000000, s2;
	s6 =	simm.s32 $0x108;
	_ =	swait.ge @!p0 [sflag:s8], $0x0  }
0x24: {  	s3 =	sadd.s32 $0x88, s3;
	s6 =	simm.s32 @!p1 $0x1082;
	[sflag:s4] =	ssyncset.s32 $0xFFFFF086  }
0x25: {  	[simem:s6], [sflag:s4] =	dma.local [hbm:s3], $0xF7A  }
0x26: {  	[smem:$0x3F95] =	sst s1;
	(tag) =	ssettag s2;
	_ =	strace s9  }
0x27: {  	s1 =	sld [smem:$0x3FA5]  }
0x28: {  	s2 =	sld [smem:$0x3FA6]  }
0x29: {  	s4 =	sld [smem:$0x3FA8]  }
0x2a: {  	p0 =	seq.s32 s5, $0x0;
	s5 =	sld [smem:$0x3FA9]  }
0x2b: {  	s6 =	sld [smem:$0x3FAA]  }
0x2c: {  	s7 =	sld [smem:$0x3FAB]  }
0x2d: {  	s3 =	simm.s32 $0x108;
	s8 =	sld [smem:$0x3FAC]  }
0x2e: {  	s3 =	simm.s32 @!p0 $0x1082;
	s9 =	sld [smem:$0x3FAD]  }
0x2f: {  	lr =	sadd.s32 s0, s3;
	s0 =	sld [smem:$0x3FA4]  }
0x30: {  	s3 =	sld [smem:$0x3FA7]  }
0x31: {  	[smem:$0x3FB0] =	sst s10  }
0x32: {  	s10 =	sld [smem:$0x3FAE];
	_ =	sdelay $0x3  }
0x33: {  	p0 =	seq.s32 s10, $0x1;
	s10 =	sld [smem:$0x3FB0];
	_ =	sdelay $0x3  }
0x34: {  	[smem:$0x3FB0] =	sst s10  }
0x35: {  	s10 =	sld [smem:$0x3FAF];
	_ =	sdelay $0x3  }
0x36: {  	p1 =	seq.s32 s10, $0x1;
	s10 =	sld [smem:$0x3FB0];
	_ =	sdelay $0x3  }
0x37: {  	[smem:$0x3FB0] =	sst s10  }
0x38: {  	s10 =	sld [smem:$0x3FB1]  }
0x39: {  	_ = 	snop;
	(pc) =	sbr.ind lr, $3  }
0x3a: {  	_ = 	snop  }
0x3b: {  	_ = 	snop  }
0x3c: {  	p2 =	seq.s32 s10, $0x1;
	s10 =	sld [smem:$0x3FB0]  }
0x3d: {  	_ =	shalt  }
0x3e: {  	_ =	shalt  }
0x3f: {  	_ =	shalt  }
0x40: {  	_ =	shalt  }
0x41: {  	_ =	shalt  }
0x42: {  	_ =	shalt  }
0x43: {  	_ =	shalt  }
0x44: {  	_ =	shalt  }
0x45: {  	_ =	shalt  }
0x46: {  	_ =	shalt  }
0x47: {  	_ =	shalt  }
0x48: {  	_ =	shalt  }
0x49: {  	_ =	shalt  }
0x4a: {  	_ =	shalt  }
0x4b: {  	_ =	shalt  }
0x4c: {  	_ =	shalt  }
0x4d: {  	_ =	shalt  }
0x4e: {  	_ =	shalt  }
0x4f: {  	_ =	shalt  }
0x50: {  	_ =	shalt  }
0x51: {  	_ =	shalt  }
0x52: {  	_ =	shalt  }
0x53: {  	_ =	shalt  }
0x54: {  	_ =	shalt  }
0x55: {  	_ =	shalt  }
0x56: {  	_ =	shalt  }
0x57: {  	_ =	shalt  }
0x58: {  	_ =	shalt  }
0x59: {  	_ =	shalt  }
0x5a: {  	_ =	shalt  }
0x5b: {  	_ =	shalt  }
0x5c: {  	_ =	shalt  }
0x5d: {  	_ =	shalt  }
0x5e: {  	_ =	shalt  }
0x5f: {  	_ =	shalt  }
0x60: {  	_ =	shalt  }
0x61: {  	_ =	shalt  }
0x62: {  	_ =	shalt  }
0x63: {  	_ =	shalt  }
0x64: {  	_ =	shalt  }
0x65: {  	_ =	shalt  }
0x66: {  	_ =	shalt  }
0x67: {  	_ =	shalt  }
0x68: {  	_ =	shalt  }
0x69: {  	_ =	shalt  }
0x6a: {  	_ =	shalt  }
0x6b: {  	_ =	shalt  }
0x6c: {  	_ =	shalt  }
0x6d: {  	_ =	shalt  }
0x6e: {  	_ =	shalt  }
0x6f: {  	_ =	shalt  }
0x70: {  	_ =	shalt  }
0x71: {  	_ =	shalt  }
0x72: {  	_ =	shalt  }
0x73: {  	_ =	shalt  }
0x74: {  	_ =	shalt  }
0x75: {  	_ =	shalt  }
0x76: {  	_ =	shalt  }
0x77: {  	_ =	shalt  }
0x78: {  	_ =	shalt  }
0x79: {  	_ =	shalt  }
0x7a: {  	_ =	shalt  }
0x7b: {  	_ =	shalt  }
0x7c: {  	_ =	shalt  }
0x7d: {  	_ =	shalt  }
0x7e: {  	_ =	shalt  }
0x7f: {  	_ =	shalt  }
0x80: {  	_ =	shalt  }
0x81: {  	_ =	shalt  }
0x82: {  	_ =	shalt  }
0x83: {  	_ =	shalt  }
0x84: {  	_ =	shalt  }
0x85: {  	_ =	shalt  }
0x86: {  	_ =	shalt  }
0x87: {  	_ =	shalt  }
.Lfunc_end0:
.L_simem_size_0:
called_computation.3_lowered:
.L_overlay_start_0:
0x88: {  	s2 =	sld [smem:$0x3FD9]  }
0x89: {  	s3 =	sld [smem:$0x3FFE];
	_ =	sdelay $0x1  }
0x8a: {  	s1 =	srdreg.scid  }
0x8b: {  	s0 =	sand.u32 $0x1, s1  }
0x8c: {  	s16 =	sshll.u32 s0, $0xA;
	s2 =	sadd.s32 s3, s2  }
0x8d: {  	s2 =	sadd.s32 s2, s16  }
0x8e: {  	[smem:$0x3FBC] =	sst s2  }
0x8f: {  	_ = 	snop  }
0x90: {  	(tm) =	ssettm $0x1  }
0x91: {  	s17 =	sld [smem:$0x3FFB];
	_ =	sdelay $0x3  }
0x92: {  	_ =	strace s17  }
0x93: {  	s2 =	sld [smem:$0x3FFC];
	_ =	sdelay $0x3  }
0x94: {  	_ =	strace s2  }
0x95: {  	s2 =	sld [smem:$0x3FFD];
	_ =	sdelay $0x3  }
0x96: {  	_ =	strace s2  }
0x97: {  	_ =	strace $0x8FFFFFFF  }
0x98: {  	s18 =	sld [smem:$0x3FDB];
	_ =	sdelay $0x1  }
0x99: {  	s19 =	simm.s32 $_scs_section_size  }
0x9a: {  	s4 =	simm.s32 $_size__tile_overlayer_lowered;
	s5 =	simm.s32 $_tile_overlayer_lowered  }
0x9b: {  	s22 =	simm.s32 $0x1BFF;
	s21 =	sshll.u32 s5, $0x1;
	s2 =	sadd.s32 s19, s18  }
0x9c: {  	s6 =	simm.s32 $0x0;
	s20 =	sshll.u32 s4, $0x1;
	s4 =	sadd.s32 s21, s2  }
0x9d: {  	[timem:s6], [sflag:s22] =	dma.local [hbm:s4], s20  }
0x9e: {  	_ =	swait.ge [sflag:s22], s20  }
0x9f: {  	s3 =	ssub.s32 $0x0, s20;
	[sflag:s22] =	ssyncset.done $0x0  }
0xa0: {  	[sflag:s22] =	ssyncadd.s32 s3;
	_ =	sdelay $0x1  }
0xa1: {  	s23 =	simm.s32 $0x1B8B  }
0xa2: {  	_ =	swait.ge [sflag:s23], $0x1  }
0xa3: {  	[sflag:s23] =	ssyncset.done $0x0  }
0xa4: {  	s25 =	simm.s32 $0x1B8E;
	s24 =	sld [smem:$0x3FFE];
	[sflag:s23] =	ssyncadd.s32 $0xFFFFFFFF  }
0xa5: {  	s26 =	simm.s32 $execute0_lowered;
	[smem:$0x3FD2] =	sst s25  }
0xa6: {  	s4 =	sshll.u32 s26, $0x1;
	_ =	strace $0x8000004F;
	[dreg:$0x1] =	wrdreg $0xFFFFFFFF  }
0xa7: {  	s28 =	simm.s32 $_size_execute0_lowered;
	s2 =	sadd.s32 s2, s4;
	[dreg:$0x0] =	wrdreg $0x0  }
0xa8: {  	s4 =	sshll.u32 s28, $0x1;
	[dreg:$0x2] =	wrdreg s2  }
0xa9: {  	[dreg:$0x3] =	wrdreg s4  }
0xaa: {  	[dreg:$0x4] =	wrdreg $0xC0  }
0xab: {  	_ =	task [dreg:s6], $0x5FFFF  }
0xac: {  	[dreg:$0x1] =	wrdreg $0xFFFFFFFF  }
0xad: {  	[dreg:$0x0] =	wrdreg $0x60  }
0xae: {  	[dreg:$0x2] =	wrdreg s24  }
0xaf: {  	[dreg:$0x3] =	wrdreg $0x67200  }
0xb0: {  	[dreg:$0x4] =	wrdreg $0x9  }
0xb1: {  	_ =	task.clear_ibuf [dreg:s6], $0x5FFFF;
	_ =	strace $0x9000004F  }
0xb2: {  	s29 =	simm.s32 $0x9;
	_ =	strace $0x80000051  }
0xb3: {  	_ =	swait.ge [sflag:s29], $0x1  }
0xb4: {  	[sflag:s29] =	ssyncadd.s32 $0xFFFFFFFF  }
0xb5: {  	_ =	strace $0x90000051  }
0xb6: {  	_ =	sfence  }
0xb7: {  	s30 =	sld [smem:$0x0];
	_ =	sdelay $0x2  }
0xb8: {  	s31 =	sshll.u32 s1, $0xD;
	s1 =	sshrl.u32 s1, $0x2  }
0xb9: {  	s3 =	sand.u32 $0x4000, s31;
	s1 =	sadd.s32 s1, s30  }
0xba: {  	s0 =	sor.u32 s3, s0;
	s1 =	sshll.u32 s1, $0x11  }
0xbb: {  	s0 =	sor.u32 s1, s0  }
0xbc: {  	s0 =	sadd.s32 $0x8F2B, s0  }
0xbd: {  	[sflag:s0] =	ssyncadd.remote.s32 $0x1  }
0xbe: {  	_ =	sfence.sel $0xFFFF  }
0xbf: {  	[dreg:$0x0] =	wrdreg $0xFFFFFFFF;
	(pc) =	sbr.abs _section_cstart, $3  }
0xc0: {  	[dreg:$0x1] =	wrdreg $0xFFFFFFFF  }
0xc1: {  	_ =	task.clear_ibuf [dreg:s6], $0x2FFFF;
	_ =	strace $0x9FFFFFFF  }
0xc2: {  	(tm) =	ssettm $0x7FFFFFFF  }
0xc3: {  	_ =	shalt  }
tec
execute0_lowered:
.L_overlay_start_1:
0x0: {  	(tag) =	ssettag $0x1  }
0x1: {  	s0 =	srdreg.scid;
	s1 =	rddreg [dreg:$0x0]  }
0x2: {  	s13 =	stileid.u32;
	s2 =	rddreg [dreg:$0x1]  }
0x3: {  	s4 =	simm.s32 $0x0;
	s0 =	sand.u32 $0x1, s0;
	s21 =	smul.u32 $0x1400, s13  }
0x4: {  	s3 =	sshll.u32 s13, $0x1;
	s7 =	sor.u32 $0x10, s13;
	s26 =	smul.u32 $0x1900, s13  }
0x5: {  	s3 =	sor.u32 s0, s3;
	s5 =	ssub.s32 $0x2, s0;
	s0 =	smul.u32 $0x4E200, s0  }
0x6: {  	s28 =	simm.s32 $0x50;
	s9 =	sor.u32 $0x20, s13;
	s22 =	smul.u32 $0x1400, s7  }
0x7: {  	s29 =	simm.s32 $0x5320;
	s10 =	sor.u32 $0x30, s13;
	s23 =	smul.u32 $0x1400, s9  }
0x8: {  	s30 =	simm.s32 $0x5820;
	s12 =	sor.u32 $0x70, s13;
	s11 =	smul.u32 $0x1400, s10  }
0x9: {  	s31 =	simm.s32 $0x5D20;
	[smem:$0x7FF] =	sst s4;
	s24 =	smul.u32 $0x1400, s12  }
0xa: {  	s4 =	sadd.s32 $0x16E00, s1;
	_ =	strace $0x80000050;
	s7 =	smul.u32 $0x1900, s7  }
0xb: {  	s9 =	smul.u32 $0x1900, s9;
	p0 =	sgt.u32 s12, $0x7C;
	s6 =	sshrl.u32 s5, $0x1  }
0xc: {  	p1 =	sgt.u32 s10, $0x31;
	s3 =	smul.u32 $0x2710, s3;
	s5 =	ssub.s32 s5, s6  }
0xd: {  	s6 =	sshrl.u32 s21, $0x2;
	s25 =	sshrl.u32 s23, $0x2;
	s18 =	sshrl.u32 s11, $0x2  }
0xe: {  	s19 =	sadd.s32 s0, s26;
	s21 =	smul.u32 $0x1900, s10;
	s15 =	sadd.s32 s0, s9  }
0xf: {  	s23 =	sshrl.u32 s26, $0x1;
	s3 =	sshrl.u32 s3, $0x3;
	s5 =	smax.u32 s5, $0x1  }
0x10: {  	s8 =	sadd.s32 s6, s2;
	s6 =	sshrl.u32 s24, $0x2;
	s16 =	sshrl.u32 s15, $0x4  }
0x11: {  	s24 =	sshrl.u32 s7, $0x1;
	s3 =	sadd.s32 s3, s1;
	s1 =	sadd.s32 $0x21C00, s1  }
0x12: {  	[dreg:$0x5] =	wrdreg s5;
	s13 =	sadd.s32 $0x19000, s8;
	s26 =	sshrl.u32 s21, $0x1  }
0x13: {  	s20 =	sadd.s32 $0x3400, s3;
	s3 =	sadd.s32 $0xD040, s3;
	s16 =	sadd.s32 s1, s16  }
0x14: {  	s5 =	sadd.s32 s26, s2;
	s26 =	simm.s32 $0x4E20;
	[dreg:$0x3] =	wrdreg s20  }
0x15: {  	[dreg:$0x4] =	wrdreg s3;
	s3 =	sshrl.u32 s22, $0x2;
	s20 =	sadd.s32 $0x14000, s8  }
0x16: {  	s22 =	sadd.s32 s0, s7;
	s0 =	sadd.s32 s0, s21;
	s21 =	simm.s32 $0x1  }
0x17: {  	s7 =	simm.s32 $0x0;
	s3 =	sadd.s32 s3, s2;
	[dreg:$0x9] =	wrdreg s20  }
0x18: {  	s0 =	sshrl.u32 s0, $0x4;
	s20 =	simm.s32 $0x6;
	[dreg:$0x6] =	wrdreg s3  }
0x19: {  	s3 =	sadd.s32 s25, s2;
	s17 =	sadd.s32 s1, s0;
	s0 =	sadd.s32 s23, s2  }
0x1a: {  	s25 =	sshrl.u32 s9, $0x1;
	[dreg:$0x7] =	wrdreg s3;
	s3 =	sadd.s32 s18, s2  }
0x1b: {  	s18 =	sadd.s32 $0x1E000, s8;
	[dreg:$0x8] =	wrdreg s3;
	s3 =	sshrl.u32 s19, $0x4  }
0x1c: {  	s19 =	sadd.s32 s6, s2;
	s6 =	simm.s32 $0x5;
	s14 =	sadd.s32 s1, s3  }
0x1d: {  	s3 =	sshrl.u32 s22, $0x4;
	s22 =	sshrl.u32 s0, $0x3;
	s0 =	simm.s32 $0x2  }
0x1e: {  	s15 =	sadd.s32 s1, s3;
	s1 =	sadd.s32 s24, s2;
	s3 =	sadd.s32 s25, s2  }
0x1f: {  	s25 =	sshrl.u32 @!p1 s5, $0x3;
	s5 =	simm.s32 $0x4;
	s23 =	sshrl.u32 s1, $0x3  }
0x20: {  	v0 =	vimm.bf16 $0.0e+00;
	s24 =	sshrl.u32 s3, $0x3;
	s1 =	simm.s32 $0x6220;
	s3 =	simm.s32 $0x3  }
.LBB2_1:
0x21: {  	s9 =	simm.s32 $0x0;
	s10 =	rddreg [dreg:$0x3]  }
0x22: {  	[tilespmem:s9], [sflag:$0x6] =	stream.linear.gather [hbm4b:s10+s9], $0x2710, $0x38;
	[tilespmem:$0x8E30] =	vst v63  }
0x23: {  	_ =	swait.ge [sflag:s20], $0x2710  }
0x24: {  	[sflag:s20] =	ssyncset.done $0x0  }
0x25: {  	s11 =	simm.s32 $0x2710;
	s12 =	rddreg [dreg:$0x4];
	[sflag:s20] =	ssyncadd.s32 $0xFFFFD8F0  }
0x26: {  	[tilespmem:s11], [sflag:$0x6] =	stream.linear.gather [hbm4b:s12+s9], $0x2710, $0x38;
	[tilespmem:$0x8E30] =	vst v63  }
0x27: {  	_ =	swait.ge [sflag:s20], $0x2710  }
0x28: {  	[sflag:s20] =	ssyncset.done $0x0  }
0x29: {  	s10 =	simm.s32 $0x0;
	s9 =	simm.s32 $0x40;
	[sflag:s20] =	ssyncadd.s32 $0xFFFFD8F0  }
.LBB2_2:
0x2a: {  	p2 =	sne.s32 s9, $0x13C0;
	[tilespmem:s10+$0x4E20] =	vst v0;
	s10 =	smov.u32 s9;
	s9 =	sadd.s32 $0x40, s9  }
.Ltmp0:
0x2b: {  	(pc) =	sbr.rel @p2 .LBB2_2-.Ltmp0, $2  }
0x2c: {  	_ =	sdelay $0x2  }
0x2d: {  	s10 =	sshra.s32 s10, $0x2  }
0x2e: {  	[tilespmem:s10+$0x4E20] =	vst v0  }
0x2f: {  	[spmem:s8] =	stream.linear.scatter [tilespmem:s26], [sflag:$0x6], $0x500, $0x38;
	[tilespmem:$0x8E30] =	vst v63  }
0x30: {  	_ =	swait.ge [sflag:s20], $0x500  }
0x31: {  	[sflag:s20] =	ssyncset.done $0x0  }
0x32: {  	s9 =	rddreg [dreg:$0x6];
	[sflag:s20] =	ssyncadd.s32 $0xFFFFFB00  }
0x33: {  	[spmem:s9] =	stream.linear.scatter [tilespmem:s26], [sflag:$0x6], $0x500, $0x38;
	[tilespmem:$0x8E30] =	vst v63  }
0x34: {  	_ =	swait.ge [sflag:s20], $0x500  }
0x35: {  	[sflag:s20] =	ssyncset.done $0x0  }
0x36: {  	s12 =	rddreg [dreg:$0x7];
	[sflag:s20] =	ssyncadd.s32 $0xFFFFFB00  }
0x37: {  	[spmem:s12] =	stream.linear.scatter [tilespmem:s26], [sflag:$0x6], $0x500, $0x38;
	[tilespmem:$0x8E30] =	vst v63  }
0x38: {  	_ =	swait.ge [sflag:s20], $0x500  }
0x39: {  	[sflag:s20] =	ssyncset.done $0x0  }
0x3a: {  	s10 =	rddreg [dreg:$0x8];
	[sflag:s20] =	ssyncadd.s32 $0xFFFFFB00  }
0x3b: {  	[spmem:s10] =	stream.linear.scatter [tilespmem:s26], [sflag:$0x6], $0x500, $0x38;
	[tilespmem:$0x8E30] =	vst v63  }
0x3c: {  	_ =	swait.ge [sflag:s20], $0x500  }
0x3d: {  	[sflag:s20] =	ssyncset.done $0x0  }
0x3e: {  	s11 =	rddreg [dreg:$0x9];
	[sflag:s20] =	ssyncadd.s32 $0xFFFFFB00  }
0x3f: {  	[spmem:s11] =	stream.linear.scatter [tilespmem:s26], [sflag:$0x6], $0x500, $0x38;
	[tilespmem:$0x8E30] =	vst v63  }
0x40: {  	_ =	swait.ge [sflag:s20], $0x500  }
0x41: {  	[sflag:s20] =	ssyncset.done $0x0  }
0x42: {  	[sflag:s20] =	ssyncadd.s32 $0xFFFFFB00  }
0x43: {  	[spmem:s13] =	stream.linear.scatter [tilespmem:s26], [sflag:$0x6], $0x500, $0x38;
	[tilespmem:$0x8E30] =	vst v63  }
0x44: {  	_ =	swait.ge [sflag:s20], $0x500  }
0x45: {  	[sflag:s20] =	ssyncset.done $0x0  }
0x46: {  	[sflag:s20] =	ssyncadd.s32 $0xFFFFFB00  }
0x47: {  	[spmem:s18] =	stream.linear.scatter [tilespmem:s26], [sflag:$0x6], $0x500, $0x38;
	[tilespmem:$0x8E30] =	vst v63  }
0x48: {  	_ =	swait.ge [sflag:s20], $0x500  }
0x49: {  	[sflag:s20] =	ssyncset.done $0x0  }
0x4a: {  	s9 =	simm.s32 @!p0 $0x4E20;
	[sflag:s20] =	ssyncadd.s32 $0xFFFFFB00  }
0x4b: {  	[spmem:s19] =	stream.linear.scatter @!p0 [tilespmem:s9], [sflag:$0x6], $0x500, $0x38;
	[tilespmem:$0x8E30] =	vst v63  }
0x4c: {  	s9 =	simm.s32 @!p0 $0x6  }
0x4d: {  	_ =	swait.ge @!p0 [sflag:s9], $0x500  }
0x4e: {  	[sflag:s9] =	ssyncset.done @!p0 $0x0  }
0x4f: {  	[sflag:s9] =	ssyncadd.s32 @!p0 $0xFFFFFB00  }
0x50: {  	s12 =	simm.s32 $0x0;
	[bflag:$0x0] =	sbarrier.arrive $0xFFFF  }
0x51: {  	[tilespmem:s26], [sflag:$0x1] =	stream.indirect.gather [hbm4b:s4+s28], $0x10, s12, s28, $0xb8;
	[tilespmem:$0x8E30] =	vst v63  }
0x52: {  	s10 =	simm.s32 $0x50  }
0x53: {  	[tilespmem:s29], [sflag:$0x2] =	stream.indirect.gather [hbm4b:s4+s28], $0x10, s10, s28, $0xb8;
	[tilespmem:$0x8E30] =	vst v63  }
0x54: {  	s11 =	simm.s32 $0xA0  }
0x55: {  	[tilespmem:s30], [sflag:$0x3] =	stream.indirect.gather [hbm4b:s4+s28], $0x10, s11, s28, $0xb8;
	[tilespmem:$0x8E30] =	vst v63  }
0x56: {  	s12 =	simm.s32 $0xF0  }
0x57: {  	[tilespmem:s31], [sflag:$0x4] =	stream.indirect.gather [hbm4b:s4+s28], $0x10, s12, s28, $0xb8;
	[tilespmem:$0x8E30] =	vst v63  }
0x58: {  	s10 =	simm.s32 $0x140  }
0x59: {  	[tilespmem:s1], [sflag:$0x5] =	stream.indirect.gather [hbm4b:s4+s28], $0x10, s10, s28, $0xb8;
	[tilespmem:$0x8E30] =	vst v63  }
0x5a: {  	_ =	swait.ge [sflag:s21], $0x500  }
0x5b: {  	[sflag:s21] =	ssyncset.done $0x0  }
0x5c: {  	s11 =	simm.s32 $0x2710;
	[sflag:s21] =	ssyncadd.s32 $0xFFFFFB00  }
0x5d: {  	[spmem:s2] =	stream.indirect.scatter.add.bf16 [tilespmem:s26], [sflag:$0x6], $0x10, s11, s28, $0xb8;
	[tilespmem:$0x8E30] =	vst v63  }
0x5e: {  	_ =	swait.ge [sflag:s20], $0x500  }
0x5f: {  	[sflag:s20] =	ssyncset.done $0x0  }
0x60: {  	[sflag:s20] =	ssyncadd.s32 $0xFFFFFB00  }
0x61: {  	_ =	swait.ge [sflag:s0], $0x500  }
0x62: {  	[sflag:s0] =	ssyncset.done $0x0  }
0x63: {  	s12 =	simm.s32 $0x2760;
	[sflag:s0] =	ssyncadd.s32 $0xFFFFFB00  }
0x64: {  	[spmem:s2] =	stream.indirect.scatter.add.bf16 [tilespmem:s29], [sflag:$0x6], $0x10, s12, s28, $0xb8;
	[tilespmem:$0x8E30] =	vst v63  }
0x65: {  	_ =	swait.ge [sflag:s20], $0x500  }
0x66: {  	[sflag:s20] =	ssyncset.done $0x0  }
0x67: {  	[sflag:s20] =	ssyncadd.s32 $0xFFFFFB00  }
0x68: {  	_ =	swait.ge [sflag:s3], $0x500  }
0x69: {  	[sflag:s3] =	ssyncset.done $0x0  }
0x6a: {  	s10 =	simm.s32 $0x27B0;
	[sflag:s3] =	ssyncadd.s32 $0xFFFFFB00  }
0x6b: {  	[spmem:s2] =	stream.indirect.scatter.add.bf16 [tilespmem:s30], [sflag:$0x6], $0x10, s10, s28, $0xb8;
	[tilespmem:$0x8E30] =	vst v63  }
0x6c: {  	_ =	swait.ge [sflag:s20], $0x500  }
0x6d: {  	[sflag:s20] =	ssyncset.done $0x0  }
0x6e: {  	[sflag:s20] =	ssyncadd.s32 $0xFFFFFB00  }
0x6f: {  	_ =	swait.ge [sflag:s5], $0x500  }
0x70: {  	[sflag:s5] =	ssyncset.done $0x0  }
0x71: {  	s11 =	simm.s32 $0x2800;
	[sflag:s5] =	ssyncadd.s32 $0xFFFFFB00  }
0x72: {  	[spmem:s2] =	stream.indirect.scatter.add.bf16 [tilespmem:s31], [sflag:$0x6], $0x10, s11, s28, $0xb8;
	[tilespmem:$0x8E30] =	vst v63  }
0x73: {  	_ =	swait.ge [sflag:s20], $0x500  }
0x74: {  	[sflag:s20] =	ssyncset.done $0x0  }
0x75: {  	[sflag:s20] =	ssyncadd.s32 $0xFFFFFB00  }
0x76: {  	_ =	swait.ge [sflag:s6], $0x500  }
0x77: {  	[sflag:s6] =	ssyncset.done $0x0  }
0x78: {  	s12 =	simm.s32 $0x2850;
	[sflag:s6] =	ssyncadd.s32 $0xFFFFFB00  }
0x79: {  	[spmem:s2] =	stream.indirect.scatter.add.bf16 [tilespmem:s1], [sflag:$0x6], $0x10, s12, s28, $0xb8;
	[tilespmem:$0x8E30] =	vst v63  }
0x7a: {  	_ =	swait.ge [sflag:s20], $0x500  }
0x7b: {  	s9 =	simm.s32 $0x640;
	s10 =	simm.s32 $0xC80;
	[sflag:s20] =	ssyncset.done $0x0  }
.LBB2_4:
0x7c: {  	s11 =	sshra.s32 s9, $0x2  }
0x7d: {  	[sflag:s20] =	ssyncadd.s32 $0xFFFFFB00;
	s9 =	smov.u32 s10;
	s12 =	sadd.s32 $0x640, s10  }
0x7e: {  	[tilespmem:s26], [sflag:$0x1] =	stream.indirect.gather [hbm4b:s4+s28], $0x10, s11, s28, $0xb8;
	[tilespmem:$0x8E30] =	vst v63  }
0x7f: {  	p2 =	sne.s32 s10, $0x9600;
	s10 =	sadd.s32 $0x50, s11  }
0x80: {  	[tilespmem:s29], [sflag:$0x2] =	stream.indirect.gather [hbm4b:s4+s28], $0x10, s10, s28, $0xb8;
	[tilespmem:$0x8E30] =	vst v63  }
0x81: {  	s10 =	sadd.s32 $0xA0, s11  }
0x82: {  	[tilespmem:s30], [sflag:$0x3] =	stream.indirect.gather [hbm4b:s4+s28], $0x10, s10, s28, $0xb8;
	[tilespmem:$0x8E30] =	vst v63  }
0x83: {  	s10 =	sadd.s32 $0xF0, s11  }
0x84: {  	[tilespmem:s31], [sflag:$0x4] =	stream.indirect.gather [hbm4b:s4+s28], $0x10, s10, s28, $0xb8;
	[tilespmem:$0x8E30] =	vst v63  }
0x85: {  	s10 =	sadd.s32 $0x140, s11  }
0x86: {  	[tilespmem:s1], [sflag:$0x5] =	stream.indirect.gather [hbm4b:s4+s28], $0x10, s10, s28, $0xb8;
	[tilespmem:$0x8E30] =	vst v63  }
0x87: {  	_ =	swait.ge [sflag:s21], $0x500  }
0x88: {  	[sflag:s21] =	ssyncset.done $0x0  }
0x89: {  	s10 =	sadd.s32 $0x2710, s11;
	[sflag:s21] =	ssyncadd.s32 $0xFFFFFB00  }
0x8a: {  	[spmem:s2] =	stream.indirect.scatter.add.bf16 [tilespmem:s26], [sflag:$0x6], $0x10, s10, s28, $0xb8;
	[tilespmem:$0x8E30] =	vst v63  }
0x8b: {  	_ =	swait.ge [sflag:s20], $0x500  }
0x8c: {  	[sflag:s20] =	ssyncset.done $0x0  }
0x8d: {  	[sflag:s20] =	ssyncadd.s32 $0xFFFFFB00  }
0x8e: {  	_ =	swait.ge [sflag:s0], $0x500  }
0x8f: {  	[sflag:s0] =	ssyncset.done $0x0  }
0x90: {  	s10 =	sadd.s32 $0x2760, s11;
	[sflag:s0] =	ssyncadd.s32 $0xFFFFFB00  }
0x91: {  	[spmem:s2] =	stream.indirect.scatter.add.bf16 [tilespmem:s29], [sflag:$0x6], $0x10, s10, s28, $0xb8;
	[tilespmem:$0x8E30] =	vst v63  }
0x92: {  	_ =	swait.ge [sflag:s20], $0x500  }
0x93: {  	[sflag:s20] =	ssyncset.done $0x0  }
0x94: {  	[sflag:s20] =	ssyncadd.s32 $0xFFFFFB00  }
0x95: {  	_ =	swait.ge [sflag:s3], $0x500  }
0x96: {  	[sflag:s3] =	ssyncset.done $0x0  }
0x97: {  	s10 =	sadd.s32 $0x27B0, s11;
	[sflag:s3] =	ssyncadd.s32 $0xFFFFFB00  }
0x98: {  	[spmem:s2] =	stream.indirect.scatter.add.bf16 [tilespmem:s30], [sflag:$0x6], $0x10, s10, s28, $0xb8;
	[tilespmem:$0x8E30] =	vst v63  }
0x99: {  	_ =	swait.ge [sflag:s20], $0x500  }
0x9a: {  	[sflag:s20] =	ssyncset.done $0x0  }
0x9b: {  	[sflag:s20] =	ssyncadd.s32 $0xFFFFFB00  }
0x9c: {  	_ =	swait.ge [sflag:s5], $0x500  }
0x9d: {  	[sflag:s5] =	ssyncset.done $0x0  }
0x9e: {  	s10 =	sadd.s32 $0x2800, s11;
	[sflag:s5] =	ssyncadd.s32 $0xFFFFFB00  }
0x9f: {  	[spmem:s2] =	stream.indirect.scatter.add.bf16 [tilespmem:s31], [sflag:$0x6], $0x10, s10, s28, $0xb8;
	[tilespmem:$0x8E30] =	vst v63  }
0xa0: {  	_ =	swait.ge [sflag:s20], $0x500  }
0xa1: {  	[sflag:s20] =	ssyncset.done $0x0  }
0xa2: {  	[sflag:s20] =	ssyncadd.s32 $0xFFFFFB00  }
0xa3: {  	_ =	swait.ge [sflag:s6], $0x500  }
.Ltmp1:
0xa4: {  	[sflag:s6] =	ssyncset.done $0x0;
	(pc) =	sbr.rel @p2 .LBB2_4-.Ltmp1, $4  }
0xa5: {  	s10 =	sadd.s32 $0x2850, s11;
	[sflag:s6] =	ssyncadd.s32 $0xFFFFFB00  }
0xa6: {  	[spmem:s2] =	stream.indirect.scatter.add.bf16 [tilespmem:s1], [sflag:$0x6], $0x10, s10, s28, $0xb8;
	[tilespmem:$0x8E30] =	vst v63  }
0xa7: {  	_ =	swait.ge [sflag:s20], $0x500  }
0xa8: {  	s10 =	smov.u32 s12;
	[sflag:s20] =	ssyncset.done $0x0  }
0xa9: {  	s9 =	sshra.s32 s9, $0x2;
	[sflag:s20] =	ssyncadd.s32 $0xFFFFFB00  }
0xaa: {  	[tilespmem:s26], [sflag:$0x1] =	stream.indirect.gather [hbm4b:s4+s28], $0x10, s9, s28, $0xb8;
	[tilespmem:$0x8E30] =	vst v63  }
0xab: {  	s10 =	sadd.s32 $0x50, s9  }
0xac: {  	[tilespmem:s29], [sflag:$0x2] =	stream.indirect.gather [hbm4b:s4+s28], $0x10, s10, s28, $0xb8;
	[tilespmem:$0x8E30] =	vst v63  }
0xad: {  	s12 =	sadd.s32 $0xA0, s9  }
0xae: {  	[tilespmem:s30], [sflag:$0x3] =	stream.indirect.gather [hbm4b:s4+s28], $0x10, s12, s28, $0xb8;
	[tilespmem:$0x8E30] =	vst v63  }
0xaf: {  	s11 =	sadd.s32 $0xF0, s9  }
0xb0: {  	[tilespmem:s31], [sflag:$0x4] =	stream.indirect.gather [hbm4b:s4+s28], $0x10, s11, s28, $0xb8;
	[tilespmem:$0x8E30] =	vst v63  }
0xb1: {  	s12 =	sadd.s32 $0x140, s9  }
0xb2: {  	[tilespmem:s1], [sflag:$0x5] =	stream.indirect.gather [hbm4b:s4+s28], $0x10, s12, s28, $0xb8;
	[tilespmem:$0x8E30] =	vst v63  }
0xb3: {  	_ =	swait.ge [sflag:s21], $0x500  }
0xb4: {  	[sflag:s21] =	ssyncset.done $0x0  }
0xb5: {  	s11 =	sadd.s32 $0x2710, s9;
	[sflag:s21] =	ssyncadd.s32 $0xFFFFFB00  }
0xb6: {  	[spmem:s2] =	stream.indirect.scatter.add.bf16 [tilespmem:s26], [sflag:$0x6], $0x10, s11, s28, $0xb8;
	[tilespmem:$0x8E30] =	vst v63  }
0xb7: {  	_ =	swait.ge [sflag:s20], $0x500  }
0xb8: {  	[sflag:s20] =	ssyncset.done $0x0  }
0xb9: {  	[sflag:s20] =	ssyncadd.s32 $0xFFFFFB00  }
0xba: {  	_ =	swait.ge [sflag:s0], $0x500  }
0xbb: {  	[sflag:s0] =	ssyncset.done $0x0  }
0xbc: {  	s12 =	sadd.s32 $0x2760, s9;
	[sflag:s0] =	ssyncadd.s32 $0xFFFFFB00  }
0xbd: {  	[spmem:s2] =	stream.indirect.scatter.add.bf16 [tilespmem:s29], [sflag:$0x6], $0x10, s12, s28, $0xb8;
	[tilespmem:$0x8E30] =	vst v63  }
0xbe: {  	_ =	swait.ge [sflag:s20], $0x500  }
0xbf: {  	[sflag:s20] =	ssyncset.done $0x0  }
0xc0: {  	[sflag:s20] =	ssyncadd.s32 $0xFFFFFB00  }
0xc1: {  	_ =	swait.ge [sflag:s3], $0x500  }
0xc2: {  	[sflag:s3] =	ssyncset.done $0x0  }
0xc3: {  	s11 =	sadd.s32 $0x27B0, s9;
	[sflag:s3] =	ssyncadd.s32 $0xFFFFFB00  }
0xc4: {  	[spmem:s2] =	stream.indirect.scatter.add.bf16 [tilespmem:s30], [sflag:$0x6], $0x10, s11, s28, $0xb8;
	[tilespmem:$0x8E30] =	vst v63  }
0xc5: {  	_ =	swait.ge [sflag:s20], $0x500  }
0xc6: {  	[sflag:s20] =	ssyncset.done $0x0  }
0xc7: {  	[sflag:s20] =	ssyncadd.s32 $0xFFFFFB00  }
0xc8: {  	_ =	swait.ge [sflag:s5], $0x500  }
0xc9: {  	[sflag:s5] =	ssyncset.done $0x0  }
0xca: {  	s12 =	sadd.s32 $0x2800, s9;
	[sflag:s5] =	ssyncadd.s32 $0xFFFFFB00  }
0xcb: {  	[spmem:s2] =	stream.indirect.scatter.add.bf16 [tilespmem:s31], [sflag:$0x6], $0x10, s12, s28, $0xb8;
	[tilespmem:$0x8E30] =	vst v63  }
0xcc: {  	_ =	swait.ge [sflag:s20], $0x500  }
0xcd: {  	[sflag:s20] =	ssyncset.done $0x0  }
0xce: {  	[sflag:s20] =	ssyncadd.s32 $0xFFFFFB00  }
0xcf: {  	_ =	swait.ge [sflag:s6], $0x500  }
0xd0: {  	[sflag:s6] =	ssyncset.done $0x0  }
0xd1: {  	s9 =	sadd.s32 $0x2850, s9;
	[sflag:s6] =	ssyncadd.s32 $0xFFFFFB00  }
0xd2: {  	[spmem:s2] =	stream.indirect.scatter.add.bf16 [tilespmem:s1], [sflag:$0x6], $0x10, s9, s28, $0xb8;
	[tilespmem:$0x8E30] =	vst v63  }
0xd3: {  	_ =	swait.ge [sflag:s20], $0x500  }
0xd4: {  	s11 =	stileid.u32;
	[sflag:s20] =	ssyncset.done $0x0  }
0xd5: {  	s9 =	sshll.u32 s11, $0x6;
	[sflag:s20] =	ssyncadd.s32 $0xFFFFFB00  }
0xd6: {  	s9 =	sor.u32 $0x1C06, s9;
	[bflag:$0x0] =	sbarrier.arrive $0xFFFF  }
0xd7: {  	[hbm:s14], [sflag:s9] =	dma.local [spmem:s22], $0x190  }
0xd8: {  	_ =	swait.ge [sflag:s20], $0x190  }
0xd9: {  	[sflag:s20] =	ssyncset.done $0x0  }
0xda: {  	[sflag:s20] =	ssyncadd.s32 $0xFFFFFE70  }
0xdb: {  	[hbm:s15], [sflag:s9] =	dma.local [spmem:s23], $0x190  }
0xdc: {  	_ =	swait.ge [sflag:s20], $0x190  }
0xdd: {  	[sflag:s20] =	ssyncset.done $0x0  }
0xde: {  	[sflag:s20] =	ssyncadd.s32 $0xFFFFFE70  }
0xdf: {  	[hbm:s16], [sflag:s9] =	dma.local [spmem:s24], $0x190  }
0xe0: {  	_ =	swait.ge [sflag:s20], $0x190  }
0xe1: {  	[sflag:s20] =	ssyncset.done $0x0  }
0xe2: {  	[sflag:s20] =	ssyncadd.s32 $0xFFFFFE70  }
0xe3: {  	[hbm:s17], [sflag:s9] =	dma.local @!p1 [spmem:s25], $0x190  }
0xe4: {  	s9 =	simm.s32 @!p1 $0x6  }
0xe5: {  	_ =	swait.ge @!p1 [sflag:s9], $0x190  }
0xe6: {  	s7 =	sadd.s32 $0x1, s7;
	s12 =	rddreg [dreg:$0x5]  }
0xe7: {  	p2 =	sne.s32 s7, s12  }
.Ltmp2:
0xe8: {  	_ = 	snop;
	(pc) =	sbr.rel @p2 .LBB2_1-.Ltmp2, $3  }
0xe9: {  	_ =	sdelay $0x1  }
0xea: {  	[sflag:s9] =	ssyncset.done @!p1 $0x0  }
0xeb: {  	[sflag:s9] =	ssyncadd.s32 @!p1 $0xFFFFFE70  }
0xec: {  	_ =	sfence.sel $0x180000  }
0xed: {  	[bflag:$0x0] =	sbarrier.arrive $0xFFFF  }
0xee: {  	_ =	strace $0x90000050  }
0xef: {  	s0 =	stileid.u32;
	[bflag:$0x2] =	sbarrier.arrive $0xFFFF  }
0xf0: {  	p0 =	sne.s32 s0, $0x0;
	s0 =	rddreg [dreg:$0x2]  }
0xf1: {  	s0 =	sadd.s32 @!p0 $0x100000, s0  }
0xf2: {  	[sflag:s0] =	ssyncadd.tile.s32 @!p0 $0x1;
	_ =	shalt  }
.Lfunc_end2:
_tile_overlayer_lowered:
.L_overlay_start_2:
0xf3: {  	(tag) =	ssettag $0x2  }
0xf4: {  	s0 =	rddreg [dreg:$0x0];
	s2 =	stileid.u32  }
0xf5: {  	s1 =	rddreg [dreg:$0x1];
	p0 =	sne.s32 s2, $0x0  }
0xf6: {  	s3 =	rddreg [dreg:$0x2];
	[bflag:$0x3] =	sbarrier.arrive $0xFFFF;
	s2 =	simm.s32 @!p0 $0x1C06  }
0xf7: {  	[timem:s3], [sflag:s2] =	dma.local @!p0 [hbm:s0], s1  }
0xf8: {  	s0 =	simm.s32 @!p0 $0x6  }
0xf9: {  	_ =	swait.ge @!p0 [sflag:s0], s1  }
0xfa: {  	s1 =	ssub.s32 @!p0 $0x0, s1;
	[sflag:s0] =	ssyncset.done @!p0 $0x0  }
0xfb: {  	[sflag:s0] =	ssyncadd.s32 @!p0 s1  }
0xfc: {  	[bflag:$0x3] =	sbarrier.arrive $0xFFFF  }
0xfd: {  	_ =	shalt  }

</sc_bundles>
